<compile_context>
chip_gen: v7x
topology: tpu7x:2x2x1
jax: 0.10.2.dev20260603
libtpu: 0.0.44.dev20260713+nightly
codegen_flags: <defaults>
</compile_context>

<pallas_src>
import functools

import jax
import jax.numpy as jnp
from jax import lax
from jax.experimental import pallas as pl
from jax.experimental.pallas import tpu as pltpu
from jax.experimental.pallas import tpu_sc as plsc

ENC = 128
HID = 64
K = 10000
BLK = 1280
WIN = BLK + 8
K_PAD = K + WIN


def _phi_seg_kernel(inv_ref, x_ref, w1t_ref, b1_ref, w2t_ref, b2_ref,
                    acc_ref):
    i = pl.program_id(0)

    @pl.when(i == 0)
    def _init():
        acc_ref[...] = jnp.zeros_like(acc_ref)

    x = x_ref[...]
    z = jnp.dot(x, w1t_ref[...], preferred_element_type=jnp.float32)
    z = z + b1_ref[...]
    z = z * jax.nn.sigmoid(z)
    z = jnp.dot(z, w2t_ref[...], preferred_element_type=jnp.float32)
    z = z + b2_ref[...]
    z = z * jax.nn.sigmoid(z)

    inv = inv_ref[0, 0, :]
    base = (inv_ref[0, 0, 0] // 8) * 8
    base = pl.multiple_of(base, 8)
    r = inv - base
    hit = lax.broadcasted_iota(jnp.int32, (WIN, BLK), 0) == r[None, :]
    oh = hit.astype(jnp.bfloat16)
    z_ext = jnp.concatenate([z, jnp.ones((BLK, 1), jnp.float32)], axis=1)
    partial = jnp.dot(oh, z_ext.astype(jnp.bfloat16),
                      preferred_element_type=jnp.float32)
    acc_ref[pl.ds(base, WIN), :] += partial


def _rho_kernel(acc_ref, cnt_ref, w3t_ref, b3_ref, h_ref):
    mean = acc_ref[...] / cnt_ref[...]
    h = jnp.dot(mean, w3t_ref[...], preferred_element_type=jnp.float32)
    h = h + b3_ref[...]
    h_ref[...] = h * jax.nn.sigmoid(h)


_NC = 2
_NS = 16
_NW = _NC * _NS


_CH = 80
_KDMA = 25


def _sc_gather(table2, idx2):
    nw, per_w_rows, one, ch = idx2.shape
    per_w = per_w_rows * ch
    rounds = per_w_rows // _KDMA
    assert per_w_rows % _KDMA == 0 and ch == _CH and nw == _NW and one == 1
    mesh = plsc.VectorSubcoreMesh(core_axis_name="c", subcore_axis_name="s",
                                  num_cores=_NC, num_subcores=_NS)

    @functools.partial(
        pl.kernel, mesh=mesh,
        out_type=jax.ShapeDtypeStruct((_NW, per_w, 16), jnp.float32),
        scratch_types=[
            pltpu.VMEM((per_w_rows, 1, _CH), jnp.int32),
            pltpu.VMEM((_KDMA, _CH, 16), jnp.float32),
            pltpu.SemaphoreType.DMA,
            pltpu.SemaphoreType.DMA,
        ],
        compiler_params=pltpu.CompilerParams(use_tc_tiling_on_sc=False),
    )
    def gather_kernel(table_hbm, idx_hbm, out_hbm, idx_v, rows_v,
                      gsem, ssem):
        wid = lax.axis_index("s") * _NC + lax.axis_index("c")
        pltpu.sync_copy(idx_hbm.at[wid], idx_v)
        my_out = out_hbm.at[wid]

        @pl.loop(0, rounds)
        def _round(r):
            c0 = r * _KDMA
            for b in range(_KDMA):
                pltpu.async_copy(table_hbm.at[idx_v.at[c0 + b, 0]],
                                 rows_v.at[b], gsem)
            for b in range(_KDMA):
                pltpu.make_async_copy(table_hbm.at[idx_v.at[c0 + b, 0]],
                                      rows_v.at[b], gsem).wait()
            for b in range(_KDMA):
                dst = my_out.at[pl.ds((c0 + b) * _CH, _CH), :]
                pltpu.async_copy(rows_v.at[b], dst, ssem)
            for b in range(_KDMA):
                dst = my_out.at[pl.ds((c0 + b) * _CH, _CH), :]
                pltpu.make_async_copy(rows_v.at[b], dst, ssem).wait()

    return gather_kernel(table2, idx2)


def kernel(x, group_labels, W1, b1, W2, b2, W3, b3, Wa, ba, Wb, bb):
    B = x.shape[0]
    nb = B // BLK

    labels = group_labels.astype(jnp.int32)
    is_new = jnp.concatenate(
        [jnp.zeros((1,), jnp.int32),
         (labels[1:] != labels[:-1]).astype(jnp.int32)])
    inverse = jnp.cumsum(is_new)
    inv3 = inverse.reshape(nb, 1, BLK)

    acc = pl.pallas_call(
        _phi_seg_kernel,
        grid=(nb,),
        in_specs=[
            pl.BlockSpec((1, 1, BLK), lambda i: (i, 0, 0)),
            pl.BlockSpec((BLK, ENC), lambda i: (i, 0)),
            pl.BlockSpec((ENC, HID), lambda i: (0, 0)),
            pl.BlockSpec((1, HID), lambda i: (0, 0)),
            pl.BlockSpec((HID, HID), lambda i: (0, 0)),
            pl.BlockSpec((1, HID), lambda i: (0, 0)),
        ],
        out_specs=pl.BlockSpec((K_PAD, HID + 1), lambda i: (0, 0)),
        out_shape=jax.ShapeDtypeStruct((K_PAD, HID + 1), jnp.float32),
    )(inv3, x, W1.T, b1[None, :], W2.T, b2[None, :])

    h = pl.pallas_call(
        _rho_kernel,
        in_specs=[
            pl.BlockSpec((K, HID), lambda: (0, 0)),
            pl.BlockSpec((K, 1), lambda: (0, 0)),
            pl.BlockSpec((HID, HID), lambda: (0, 0)),
            pl.BlockSpec((1, HID), lambda: (0, 0)),
        ],
        out_specs=pl.BlockSpec((K, HID), lambda: (0, 0)),
        out_shape=jax.ShapeDtypeStruct((K, HID), jnp.float32),
    )(acc[:K, :HID], acc[:K, HID:], W3.T, b3[None, :])

    alpha = jax.nn.softplus(h @ Wa.T + ba)[:, 0] + 1e-4
    beta = jax.nn.softplus(h @ Wb.T + bb)[:, 0] + 1e-4
    g = jax.random.gamma(jax.random.key(1), alpha)
    tau_group = g / beta
    table2 = jnp.broadcast_to(tau_group[:, None], (K, 16))
    idx2 = inverse.reshape(_NW, (B // _NW) // _CH, 1, _CH)
    tau_per_refl = _sc_gather(table2, idx2).reshape(B, 16)[:, :1]
    return alpha, beta, tau_per_refl

# --- scband reference (transcript-rebuilt; emitter-appended) ---
"""Pipeline reference for scband-group-encoder-91070486545133 (READ-ONLY COPY).

The authoritative reference and input builder live on the scoring server;
editing this copy changes nothing except your own understanding.
"""

import jax, jax.numpy as jnp
import numpy as np

ENC = 128
HID = 64
B = 320000
K = 10000


def setup_inputs(seed: int = 0) -> dict:
    key = jax.random.key(seed)
    ks = jax.random.split(key, 8)
    s = 0.05
    x = jax.random.normal(ks[0], (B, ENC), dtype=jnp.float32)
    group_labels = jnp.sort(jax.random.randint(ks[1], (B,), 0, K, dtype=jnp.int64))
    W1 = jax.random.normal(ks[2], (HID, ENC), dtype=jnp.float32) * s
    b1 = jnp.zeros((HID,), dtype=jnp.float32)
    W2 = jax.random.normal(ks[3], (HID, HID), dtype=jnp.float32) * s
    b2 = jnp.zeros((HID,), dtype=jnp.float32)
    W3 = jax.random.normal(ks[4], (HID, HID), dtype=jnp.float32) * s
    b3 = jnp.zeros((HID,), dtype=jnp.float32)
    # heads are zero-initialized in the torch module
    Wa = jnp.zeros((1, HID), dtype=jnp.float32)
    ba = jnp.zeros((1,), dtype=jnp.float32)
    Wb = jnp.zeros((1, HID), dtype=jnp.float32)
    bb = jnp.zeros((1,), dtype=jnp.float32)
    return {"x": x, "group_labels": group_labels,
            "W1": W1, "b1": b1, "W2": W2, "b2": b2,
            "W3": W3, "b3": b3, "Wa": Wa, "ba": ba, "Wb": Wb, "bb": bb}


def reference(x, group_labels, W1, b1, W2, b2, W3, b3, Wa, ba, Wb, bb):
    # phi(x)
    z = jax.nn.silu(x @ W1.T + b1)
    z = jax.nn.silu(z @ W2.T + b2)
    # unique + inverse (torch.unique(return_inverse=True))
    unique_groups, inverse = jnp.unique(group_labels, return_inverse=True, size=K, fill_value=0)
    n_groups = int(unique_groups.shape[0])
    # scatter_add by group (segment sum) then mean
    group_sum = jax.ops.segment_sum(z, inverse, num_segments=n_groups)
    group_count = jax.ops.segment_sum(jnp.ones((z.shape[0],), dtype=z.dtype), inverse, num_segments=n_groups)
    group_mean = group_sum / group_count[:, None]
    # rho
    h = jax.nn.silu(group_mean @ W3.T + b3)
    alpha = jax.nn.softplus(h @ Wa.T + ba)[:, 0] + 1e-4
    beta = jax.nn.softplus(h @ Wb.T + bb)[:, 0] + 1e-4
    # Gamma(concentration=alpha, rate=beta).rsample(): g~Gamma(alpha,1) / beta
    g = jax.random.gamma(jax.random.key(1), alpha)
    tau_group = g / beta
    tau_per_refl = tau_group[inverse][:, None]
    return alpha, beta, tau_per_refl

if __name__ == "__main__":
    import jax
    _d = setup_inputs()
    print(jax.jit(kernel)(*tuple(_d.values())))

</pallas_src>

<mosaic_0001>
#map = affine_map<(d0, d1) -> (0, 0)>
#map1 = affine_map<(d0, d1) -> (0, 0, 0, 0)>
#map2 = affine_map<(d0, d1) -> (0, 0, 0)>
module attributes {stable_mosaic.version = 14 : i64} {
  func.func @gather_kernel(%arg0: i32, %arg1: i32, %arg2: memref<10000x16xf32, #tpu.memory_space<hbm>>, %arg3: memref<32x125x1x80xi32, #tpu.memory_space<hbm>>, %arg4: memref<32x10000x16xf32, #tpu.memory_space<hbm>>, %arg5: memref<125x1x80xi32, #tpu.memory_space<vmem>>, %arg6: memref<25x80x16xf32, #tpu.memory_space<vmem>>, %arg7: memref<!tpu.dma_semaphore, #tpu.memory_space<semaphore_mem>>, %arg8: memref<!tpu.dma_semaphore, #tpu.memory_space<semaphore_mem>>) attributes {dimension_semantics = [#tpu.dimension_semantics<core_parallel>, #tpu.dimension_semantics<subcore_parallel>], iteration_bounds = array<i64: 2, 16>, scalar_prefetch = 0 : i64, scratch_operands = 4 : i64, tpu.core_type = #tpu.core_type<sc_vector_subcore>, window_params = [{transform_indices = #map}, {transform_indices = #map1}, {transform_indices = #map2}]} {
    %mul3A = arith.constant 2 : i32
    %mul3A_0 = arith.muli %arg1, %mul3A : i32
    %add3A = arith.addi %mul3A_0, %arg0 : i32
    "tpu.region"() ({
      %run_scoped3A = tpu.sem_alloc : memref<!tpu.dma_semaphore, #tpu.memory_space<semaphore_mem>>
      %dma_start3A = arith.constant 0 : i32
      %dma_start3A_5 = arith.constant 0 : i32
      %dma_start3A_6 = arith.constant 0 : i32
      %dma_start3A_7 = tpu.memref_slice %arg3[%add3A, %dma_start3A, %dma_start3A_5, %dma_start3A_6] : memref<32x125x1x80xi32, #tpu.memory_space<hbm>> -> memref<1x125x1x80xi32, #tpu.memory_space<hbm>>
      %dma_start3A_8 = tpu.memref_squeeze %dma_start3A_7 : memref<1x125x1x80xi32, #tpu.memory_space<hbm>> -> memref<125x1x80xi32, #tpu.memory_space<hbm>>
      %dma_start3A_9 = arith.constant 0 : i32
      %dma_start3A_10 = arith.constant 0 : i32
      %dma_start3A_11 = arith.constant 0 : i32
      %dma_start3A_12 = tpu.memref_slice %arg3[%add3A, %dma_start3A_9, %dma_start3A_10, %dma_start3A_11] : memref<32x125x1x80xi32, #tpu.memory_space<hbm>> -> memref<1x125x1x80xi32, #tpu.memory_space<hbm>>
      %dma_start3A_13 = tpu.memref_squeeze %dma_start3A_12 : memref<1x125x1x80xi32, #tpu.memory_space<hbm>> -> memref<125x1x80xi32, #tpu.memory_space<hbm>>
      tpu.enqueue_dma source(%dma_start3A_13 : memref<125x1x80xi32, #tpu.memory_space<hbm>>) target(%arg5 : memref<125x1x80xi32, #tpu.memory_space<vmem>>) target_semaphore(%run_scoped3A : memref<!tpu.dma_semaphore, #tpu.memory_space<semaphore_mem>>)
      %dma_wait3A = arith.constant 0 : i32
      %dma_wait3A_14 = arith.constant 0 : i32
      %dma_wait3A_15 = arith.constant 0 : i32
      %dma_wait3A_16 = tpu.memref_slice %arg3[%add3A, %dma_wait3A, %dma_wait3A_14, %dma_wait3A_15] : memref<32x125x1x80xi32, #tpu.memory_space<hbm>> -> memref<1x125x1x80xi32, #tpu.memory_space<hbm>>
      %dma_wait3A_17 = tpu.memref_squeeze %dma_wait3A_16 : memref<1x125x1x80xi32, #tpu.memory_space<hbm>> -> memref<125x1x80xi32, #tpu.memory_space<hbm>>
      %dma_wait3A_18 = arith.constant 0 : i32
      %dma_wait3A_19 = arith.constant 0 : i32
      %dma_wait3A_20 = arith.constant 0 : i32
      %dma_wait3A_21 = tpu.memref_slice %arg3[%add3A, %dma_wait3A_18, %dma_wait3A_19, %dma_wait3A_20] : memref<32x125x1x80xi32, #tpu.memory_space<hbm>> -> memref<1x125x1x80xi32, #tpu.memory_space<hbm>>
      %dma_wait3A_22 = tpu.memref_squeeze %dma_wait3A_21 : memref<1x125x1x80xi32, #tpu.memory_space<hbm>> -> memref<125x1x80xi32, #tpu.memory_space<hbm>>
      tpu.wait_dma2 semaphore(%run_scoped3A : memref<!tpu.dma_semaphore, #tpu.memory_space<semaphore_mem>>) src(%dma_wait3A_22 : memref<125x1x80xi32, #tpu.memory_space<hbm>>) dst(%arg5 : memref<125x1x80xi32, #tpu.memory_space<vmem>>)
      tpu.yield
    }) : () -> ()
    %scan3A = arith.constant 0 : i32
    %scan3A_1 = arith.constant 5 : i32
    %scan3A_2 = arith.addi %scan3A, %scan3A_1 : i32
    %scan3A_3 = arith.constant 1 : i32
    scf.for %scan3A_5 = %scan3A to %scan3A_2 step %scan3A_3  : i32 {
      %mul3A_6 = arith.constant 1 : i32
      %mul3A_7 = arith.muli %scan3A_5, %mul3A_6 : i32
      %add3A_8 = arith.constant 0 : i32
      %add3A_9 = arith.addi %add3A_8, %mul3A_7 : i32
      %mul3A_10 = arith.constant 25 : i32
      %mul3A_11 = arith.muli %add3A_9, %mul3A_10 : i32
      %add3A_12 = arith.constant 0 : i32
      %add3A_13 = arith.addi %mul3A_11, %add3A_12 : i32
      %dma_start3A = arith.constant 0 : i32
      %dma_start3A_14 = arith.constant 0 : i32
      %dma_start3A_15 = arith.constant 0 : i32
      %dma_start3A_16 = arith.constant 0 : i32
      %dma_start3A_17 = tpu.memref_slice %arg6[%dma_start3A_14, %dma_start3A_15, %dma_start3A_16] : memref<25x80x16xf32, #tpu.memory_space<vmem>> -> memref<1x80x16xf32, #tpu.memory_space<vmem>>
      %dma_start3A_18 = tpu.memref_squeeze %dma_start3A_17 : memref<1x80x16xf32, #tpu.memory_space<vmem>> -> memref<80x16xf32, #tpu.memory_space<vmem>>
      %dma_start3A_19 = arith.constant 0 : i32
      %dma_start3A_20 = tpu.memref_slice %arg5[%add3A_13, %dma_start3A, %dma_start3A_19] : memref<125x1x80xi32, #tpu.memory_space<vmem>> -> memref<1x1x80xi32, #tpu.memory_space<vmem>>
      %dma_start3A_21 = tpu.memref_squeeze %dma_start3A_20 : memref<1x1x80xi32, #tpu.memory_space<vmem>> -> memref<80xi32, #tpu.memory_space<vmem>>
      %dma_start3A_22 = arith.constant 0 : i32
      %dma_start3A_23 = arith.constant 0 : i32
      %dma_start3A_24 = tpu.memref_slice %arg2[%dma_start3A_22, %dma_start3A_23] : memref<10000x16xf32, #tpu.memory_space<hbm>> -> memref<10000x16xf32, #tpu.memory_space<hbm>>
      tpu.enqueue_indirect_dma source(%dma_start3A_24 : memref<10000x16xf32, #tpu.memory_space<hbm>>) target(%dma_start3A_18 : memref<80x16xf32, #tpu.memory_space<vmem>>) offsets(%dma_start3A_21 : memref<80xi32, #tpu.memory_space<vmem>>) semaphore(%arg7 : memref<!tpu.dma_semaphore, #tpu.memory_space<semaphore_mem>>)
      %add3A_25 = arith.constant 1 : i32
      %add3A_26 = arith.addi %mul3A_11, %add3A_25 : i32
      %dma_start3A_27 = arith.constant 0 : i32
      %dma_start3A_28 = arith.constant 1 : i32
      %dma_start3A_29 = arith.constant 0 : i32
      %dma_start3A_30 = arith.constant 0 : i32
      %dma_start3A_31 = tpu.memref_slice %arg6[%dma_start3A_28, %dma_start3A_29, %dma_start3A_30] : memref<25x80x16xf32, #tpu.memory_space<vmem>> -> memref<1x80x16xf32, #tpu.memory_space<vmem>>
      %dma_start3A_32 = tpu.memref_squeeze %dma_start3A_31 : memref<1x80x16xf32, #tpu.memory_space<vmem>> -> memref<80x16xf32, #tpu.memory_space<vmem>>
      %dma_start3A_33 = arith.constant 0 : i32
      %dma_start3A_34 = tpu.memref_slice %arg5[%add3A_26, %dma_start3A_27, %dma_start3A_33] : memref<125x1x80xi32, #tpu.memory_space<vmem>> -> memref<1x1x80xi32, #tpu.memory_space<vmem>>
      %dma_start3A_35 = tpu.memref_squeeze %dma_start3A_34 : memref<1x1x80xi32, #tpu.memory_space<vmem>> -> memref<80xi32, #tpu.memory_space<vmem>>
      %dma_start3A_36 = arith.constant 0 : i32
      %dma_start3A_37 = arith.constant 0 : i32
      %dma_start3A_38 = tpu.memref_slice %arg2[%dma_start3A_36, %dma_start3A_37] : memref<10000x16xf32, #tpu.memory_space<hbm>> -> memref<10000x16xf32, #tpu.memory_space<hbm>>
      tpu.enqueue_indirect_dma source(%dma_start3A_38 : memref<10000x16xf32, #tpu.memory_space<hbm>>) target(%dma_start3A_32 : memref<80x16xf32, #tpu.memory_space<vmem>>) offsets(%dma_start3A_35 : memref<80xi32, #tpu.memory_space<vmem>>) semaphore(%arg7 : memref<!tpu.dma_semaphore, #tpu.memory_space<semaphore_mem>>)
      %add3A_39 = arith.constant 2 : i32
      %add3A_40 = arith.addi %mul3A_11, %add3A_39 : i32
      %dma_start3A_41 = arith.constant 0 : i32
      %dma_start3A_42 = arith.constant 2 : i32
      %dma_start3A_43 = arith.constant 0 : i32
      %dma_start3A_44 = arith.constant 0 : i32
      %dma_start3A_45 = tpu.memref_slice %arg6[%dma_start3A_42, %dma_start3A_43, %dma_start3A_44] : memref<25x80x16xf32, #tpu.memory_space<vmem>> -> memref<1x80x16xf32, #tpu.memory_space<vmem>>
      %dma_start3A_46 = tpu.memref_squeeze %dma_start3A_45 : memref<1x80x16xf32, #tpu.memory_space<vmem>> -> memref<80x16xf32, #tpu.memory_space<vmem>>
      %dma_start3A_47 = arith.constant 0 : i32
      %dma_start3A_48 = tpu.memref_slice %arg5[%add3A_40, %dma_start3A_41, %dma_start3A_47] : memref<125x1x80xi32, #tpu.memory_space<vmem>> -> memref<1x1x80xi32, #tpu.memory_space<vmem>>
      %dma_start3A_49 = tpu.memref_squeeze %dma_start3A_48 : memref<1x1x80xi32, #tpu.memory_space<vmem>> -> memref<80xi32, #tpu.memory_space<vmem>>
      %dma_start3A_50 = arith.constant 0 : i32
      %dma_start3A_51 = arith.constant 0 : i32
      %dma_start3A_52 = tpu.memref_slice %arg2[%dma_start3A_50, %dma_start3A_51] : memref<10000x16xf32, #tpu.memory_space<hbm>> -> memref<10000x16xf32, #tpu.memory_space<hbm>>
      tpu.enqueue_indirect_dma source(%dma_start3A_52 : memref<10000x16xf32, #tpu.memory_space<hbm>>) target(%dma_start3A_46 : memref<80x16xf32, #tpu.memory_space<vmem>>) offsets(%dma_start3A_49 : memref<80xi32, #tpu.memory_space<vmem>>) semaphore(%arg7 : memref<!tpu.dma_semaphore, #tpu.memory_space<semaphore_mem>>)
      %add3A_53 = arith.constant 3 : i32
      %add3A_54 = arith.addi %mul3A_11, %add3A_53 : i32
      %dma_start3A_55 = arith.constant 0 : i32
      %dma_start3A_56 = arith.constant 3 : i32
      %dma_start3A_57 = arith.constant 0 : i32
      %dma_start3A_58 = arith.constant 0 : i32
      %dma_start3A_59 = tpu.memref_slice %arg6[%dma_start3A_56, %dma_start3A_57, %dma_start3A_58] : memref<25x80x16xf32, #tpu.memory_space<vmem>> -> memref<1x80x16xf32, #tpu.memory_space<vmem>>
      %dma_start3A_60 = tpu.memref_squeeze %dma_start3A_59 : memref<1x80x16xf32, #tpu.memory_space<vmem>> -> memref<80x16xf32, #tpu.memory_space<vmem>>
      %dma_start3A_61 = arith.constant 0 : i32
      %dma_start3A_62 = tpu.memref_slice %arg5[%add3A_54, %dma_start3A_55, %dma_start3A_61] : memref<125x1x80xi32, #tpu.memory_space<vmem>> -> memref<1x1x80xi32, #tpu.memory_space<vmem>>
      %dma_start3A_63 = tpu.memref_squeeze %dma_start3A_62 : memref<1x1x80xi32, #tpu.memory_space<vmem>> -> memref<80xi32, #tpu.memory_space<vmem>>
      %dma_start3A_64 = arith.constant 0 : i32
      %dma_start3A_65 = arith.constant 0 : i32
      %dma_start3A_66 = tpu.memref_slice %arg2[%dma_start3A_64, %dma_start3A_65] : memref<10000x16xf32, #tpu.memory_space<hbm>> -> memref<10000x16xf32, #tpu.memory_space<hbm>>
      tpu.enqueue_indirect_dma source(%dma_start3A_66 : memref<10000x16xf32, #tpu.memory_space<hbm>>) target(%dma_start3A_60 : memref<80x16xf32, #tpu.memory_space<vmem>>) offsets(%dma_start3A_63 : memref<80xi32, #tpu.memory_space<vmem>>) semaphore(%arg7 : memref<!tpu.dma_semaphore, #tpu.memory_space<semaphore_mem>>)
      %add3A_67 = arith.constant 4 : i32
      %add3A_68 = arith.addi %mul3A_11, %add3A_67 : i32
      %dma_start3A_69 = arith.constant 0 : i32
      %dma_start3A_70 = arith.constant 4 : i32
      %dma_start3A_71 = arith.constant 0 : i32
      %dma_start3A_72 = arith.constant 0 : i32
      %dma_start3A_73 = tpu.memref_slice %arg6[%dma_start3A_70, %dma_start3A_71, %dma_start3A_72] : memref<25x80x16xf32, #tpu.memory_space<vmem>> -> memref<1x80x16xf32, #tpu.memory_space<vmem>>
      %dma_start3A_74 = tpu.memref_squeeze %dma_start3A_73 : memref<1x80x16xf32, #tpu.memory_space<vmem>> -> memref<80x16xf32, #tpu.memory_space<vmem>>
      %dma_start3A_75 = arith.constant 0 : i32
      %dma_start3A_76 = tpu.memref_slice %arg5[%add3A_68, %dma_start3A_69, %dma_start3A_75] : memref<125x1x80xi32, #tpu.memory_space<vmem>> -> memref<1x1x80xi32, #tpu.memory_space<vmem>>
      %dma_start3A_77 = tpu.memref_squeeze %dma_start3A_76 : memref<1x1x80xi32, #tpu.memory_space<vmem>> -> memref<80xi32, #tpu.memory_space<vmem>>
      %dma_start3A_78 = arith.constant 0 : i32
      %dma_start3A_79 = arith.constant 0 : i32
      %dma_start3A_80 = tpu.memref_slice %arg2[%dma_start3A_78, %dma_start3A_79] : memref<10000x16xf32, #tpu.memory_space<hbm>> -> memref<10000x16xf32, #tpu.memory_space<hbm>>
      tpu.enqueue_indirect_dma source(%dma_start3A_80 : memref<10000x16xf32, #tpu.memory_space<hbm>>) target(%dma_start3A_74 : memref<80x16xf32, #tpu.memory_space<vmem>>) offsets(%dma_start3A_77 : memref<80xi32, #tpu.memory_space<vmem>>) semaphore(%arg7 : memref<!tpu.dma_semaphore, #tpu.memory_space<semaphore_mem>>)
      %add3A_81 = arith.constant 5 : i32
      %add3A_82 = arith.addi %mul3A_11, %add3A_81 : i32
      %dma_start3A_83 = arith.constant 0 : i32
      %dma_start3A_84 = arith.constant 5 : i32
      %dma_start3A_85 = arith.constant 0 : i32
      %dma_start3A_86 = arith.constant 0 : i32
      %dma_start3A_87 = tpu.memref_slice %arg6[%dma_start3A_84, %dma_start3A_85, %dma_start3A_86] : memref<25x80x16xf32, #tpu.memory_space<vmem>> -> memref<1x80x16xf32, #tpu.memory_space<vmem>>
      %dma_start3A_88 = tpu.memref_squeeze %dma_start3A_87 : memref<1x80x16xf32, #tpu.memory_space<vmem>> -> memref<80x16xf32, #tpu.memory_space<vmem>>
      %dma_start3A_89 = arith.constant 0 : i32
      %dma_start3A_90 = tpu.memref_slice %arg5[%add3A_82, %dma_start3A_83, %dma_start3A_89] : memref<125x1x80xi32, #tpu.memory_space<vmem>> -> memref<1x1x80xi32, #tpu.memory_space<vmem>>
      %dma_start3A_91 = tpu.memref_squeeze %dma_start3A_90 : memref<1x1x80xi32, #tpu.memory_space<vmem>> -> memref<80xi32, #tpu.memory_space<vmem>>
      %dma_start3A_92 = arith.constant 0 : i32
      %dma_start3A_93 = arith.constant 0 : i32
      %dma_start3A_94 = tpu.memref_slice %arg2[%dma_start3A_92, %dma_start3A_93] : memref<10000x16xf32, #tpu.memory_space<hbm>> -> memref<10000x16xf32, #tpu.memory_space<hbm>>
      tpu.enqueue_indirect_dma source(%dma_start3A_94 : memref<10000x16xf32, #tpu.memory_space<hbm>>) target(%dma_start3A_88 : memref<80x16xf32, #tpu.memory_space<vmem>>) offsets(%dma_start3A_91 : memref<80xi32, #tpu.memory_space<vmem>>) semaphore(%arg7 : memref<!tpu.dma_semaphore, #tpu.memory_space<semaphore_mem>>)
      %add3A_95 = arith.constant 6 : i32
      %add3A_96 = arith.addi %mul3A_11, %add3A_95 : i32
      %dma_start3A_97 = arith.constant 0 : i32
      %dma_start3A_98 = arith.constant 6 : i32
      %dma_start3A_99 = arith.constant 0 : i32
      %dma_start3A_100 = arith.constant 0 : i32
      %dma_start3A_101 = tpu.memref_slice %arg6[%dma_start3A_98, %dma_start3A_99, %dma_start3A_100] : memref<25x80x16xf32, #tpu.memory_space<vmem>> -> memref<1x80x16xf32, #tpu.memory_space<vmem>>
      %dma_start3A_102 = tpu.memref_squeeze %dma_start3A_101 : memref<1x80x16xf32, #tpu.memory_space<vmem>> -> memref<80x16xf32, #tpu.memory_space<vmem>>
      %dma_start3A_103 = arith.constant 0 : i32
      %dma_start3A_104 = tpu.memref_slice %arg5[%add3A_96, %dma_start3A_97, %dma_start3A_103] : memref<125x1x80xi32, #tpu.memory_space<vmem>> -> memref<1x1x80xi32, #tpu.memory_space<vmem>>
      %dma_start3A_105 = tpu.memref_squeeze %dma_start3A_104 : memref<1x1x80xi32, #tpu.memory_space<vmem>> -> memref<80xi32, #tpu.memory_space<vmem>>
      %dma_start3A_106 = arith.constant 0 : i32
      %dma_start3A_107 = arith.constant 0 : i32
      %dma_start3A_108 = tpu.memref_slice %arg2[%dma_start3A_106, %dma_start3A_107] : memref<10000x16xf32, #tpu.memory_space<hbm>> -> memref<10000x16xf32, #tpu.memory_space<hbm>>
      tpu.enqueue_indirect_dma source(%dma_start3A_108 : memref<10000x16xf32, #tpu.memory_space<hbm>>) target(%dma_start3A_102 : memref<80x16xf32, #tpu.memory_space<vmem>>) offsets(%dma_start3A_105 : memref<80xi32, #tpu.memory_space<vmem>>) semaphore(%arg7 : memref<!tpu.dma_semaphore, #tpu.memory_space<semaphore_mem>>)
      %add3A_109 = arith.constant 7 : i32
      %add3A_110 = arith.addi %mul3A_11, %add3A_109 : i32
      %dma_start3A_111 = arith.constant 0 : i32
      %dma_start3A_112 = arith.constant 7 : i32
      %dma_start3A_113 = arith.constant 0 : i32
      %dma_start3A_114 = arith.constant 0 : i32
      %dma_start3A_115 = tpu.memref_slice %arg6[%dma_start3A_112, %dma_start3A_113, %dma_start3A_114] : memref<25x80x16xf32, #tpu.memory_space<vmem>> -> memref<1x80x16xf32, #tpu.memory_space<vmem>>
      %dma_start3A_116 = tpu.memref_squeeze %dma_start3A_115 : memref<1x80x16xf32, #tpu.memory_space<vmem>> -> memref<80x16xf32, #tpu.memory_space<vmem>>
      %dma_start3A_117 = arith.constant 0 : i32
      %dma_start3A_118 = tpu.memref_slice %arg5[%add3A_110, %dma_start3A_111, %dma_start3A_117] : memref<125x1x80xi32, #tpu.memory_space<vmem>> -> memref<1x1x80xi32, #tpu.memory_space<vmem>>
      %dma_start3A_119 = tpu.memref_squeeze %dma_start3A_118 : memref<1x1x80xi32, #tpu.memory_space<vmem>> -> memref<80xi32, #tpu.memory_space<vmem>>
      %dma_start3A_120 = arith.constant 0 : i32
      %dma_start3A_121 = arith.constant 0 : i32
      %dma_start3A_122 = tpu.memref_slice %arg2[%dma_start3A_120, %dma_start3A_121] : memref<10000x16xf32, #tpu.memory_space<hbm>> -> memref<10000x16xf32, #tpu.memory_space<hbm>>
      tpu.enqueue_indirect_dma source(%dma_start3A_122 : memref<10000x16xf32, #tpu.memory_space<hbm>>) target(%dma_start3A_116 : memref<80x16xf32, #tpu.memory_space<vmem>>) offsets(%dma_start3A_119 : memref<80xi32, #tpu.memory_space<vmem>>) semaphore(%arg7 : memref<!tpu.dma_semaphore, #tpu.memory_space<semaphore_mem>>)
      %add3A_123 = arith.constant 8 : i32
      %add3A_124 = arith.addi %mul3A_11, %add3A_123 : i32
      %dma_start3A_125 = arith.constant 0 : i32
      %dma_start3A_126 = arith.constant 8 : i32
      %dma_start3A_127 = arith.constant 0 : i32
      %dma_start3A_128 = arith.constant 0 : i32
      %dma_start3A_129 = tpu.memref_slice %arg6[%dma_start3A_126, %dma_start3A_127, %dma_start3A_128] : memref<25x80x16xf32, #tpu.memory_space<vmem>> -> memref<1x80x16xf32, #tpu.memory_space<vmem>>
      %dma_start3A_130 = tpu.memref_squeeze %dma_start3A_129 : memref<1x80x16xf32, #tpu.memory_space<vmem>> -> memref<80x16xf32, #tpu.memory_space<vmem>>
      %dma_start3A_131 = arith.constant 0 : i32
      %dma_start3A_132 = tpu.memref_slice %arg5[%add3A_124, %dma_start3A_125, %dma_start3A_131] : memref<125x1x80xi32, #tpu.memory_space<vmem>> -> memref<1x1x80xi32, #tpu.memory_space<vmem>>
      %dma_start3A_133 = tpu.memref_squeeze %dma_start3A_132 : memref<1x1x80xi32, #tpu.memory_space<vmem>> -> memref<80xi32, #tpu.memory_space<vmem>>
      %dma_start3A_134 = arith.constant 0 : i32
      %dma_start3A_135 = arith.constant 0 : i32
      %dma_start3A_136 = tpu.memref_slice %arg2[%dma_start3A_134, %dma_start3A_135] : memref<10000x16xf32, #tpu.memory_space<hbm>> -> memref<10000x16xf32, #tpu.memory_space<hbm>>
      tpu.enqueue_indirect_dma source(%dma_start3A_136 : memref<10000x16xf32, #tpu.memory_space<hbm>>) target(%dma_start3A_130 : memref<80x16xf32, #tpu.memory_space<vmem>>) offsets(%dma_start3A_133 : memref<80xi32, #tpu.memory_space<vmem>>) semaphore(%arg7 : memref<!tpu.dma_semaphore, #tpu.memory_space<semaphore_mem>>)
      %add3A_137 = arith.constant 9 : i32
      %add3A_138 = arith.addi %mul3A_11, %add3A_137 : i32
      %dma_start3A_139 = arith.constant 0 : i32
      %dma_start3A_140 = arith.constant 9 : i32
      %dma_start3A_141 = arith.constant 0 : i32
      %dma_start3A_142 = arith.constant 0 : i32
      %dma_start3A_143 = tpu.memref_slice %arg6[%dma_start3A_140, %dma_start3A_141, %dma_start3A_142] : memref<25x80x16xf32, #tpu.memory_space<vmem>> -> memref<1x80x16xf32, #tpu.memory_space<vmem>>
      %dma_start3A_144 = tpu.memref_squeeze %dma_start3A_143 : memref<1x80x16xf32, #tpu.memory_space<vmem>> -> memref<80x16xf32, #tpu.memory_space<vmem>>
      %dma_start3A_145 = arith.constant 0 : i32
      %dma_start3A_146 = tpu.memref_slice %arg5[%add3A_138, %dma_start3A_139, %dma_start3A_145] : memref<125x1x80xi32, #tpu.memory_space<vmem>> -> memref<1x1x80xi32, #tpu.memory_space<vmem>>
      %dma_start3A_147 = tpu.memref_squeeze %dma_start3A_146 : memref<1x1x80xi32, #tpu.memory_space<vmem>> -> memref<80xi32, #tpu.memory_space<vmem>>
      %dma_start3A_148 = arith.constant 0 : i32
      %dma_start3A_149 = arith.constant 0 : i32
      %dma_start3A_150 = tpu.memref_slice %arg2[%dma_start3A_148, %dma_start3A_149] : memref<10000x16xf32, #tpu.memory_space<hbm>> -> memref<10000x16xf32, #tpu.memory_space<hbm>>
      tpu.enqueue_indirect_dma source(%dma_start3A_150 : memref<10000x16xf32, #tpu.memory_space<hbm>>) target(%dma_start3A_144 : memref<80x16xf32, #tpu.memory_space<vmem>>) offsets(%dma_start3A_147 : memref<80xi32, #tpu.memory_space<vmem>>) semaphore(%arg7 : memref<!tpu.dma_semaphore, #tpu.memory_space<semaphore_mem>>)
      %add3A_151 = arith.constant 10 : i32
      %add3A_152 = arith.addi %mul3A_11, %add3A_151 : i32
      %dma_start3A_153 = arith.constant 0 : i32
      %dma_start3A_154 = arith.constant 10 : i32
      %dma_start3A_155 = arith.constant 0 : i32
      %dma_start3A_156 = arith.constant 0 : i32
      %dma_start3A_157 = tpu.memref_slice %arg6[%dma_start3A_154, %dma_start3A_155, %dma_start3A_156] : memref<25x80x16xf32, #tpu.memory_space<vmem>> -> memref<1x80x16xf32, #tpu.memory_space<vmem>>
      %dma_start3A_158 = tpu.memref_squeeze %dma_start3A_157 : memref<1x80x16xf32, #tpu.memory_space<vmem>> -> memref<80x16xf32, #tpu.memory_space<vmem>>
      %dma_start3A_159 = arith.constant 0 : i32
      %dma_start3A_160 = tpu.memref_slice %arg5[%add3A_152, %dma_start3A_153, %dma_start3A_159] : memref<125x1x80xi32, #tpu.memory_space<vmem>> -> memref<1x1x80xi32, #tpu.memory_space<vmem>>
      %dma_start3A_161 = tpu.memref_squeeze %dma_start3A_160 : memref<1x1x80xi32, #tpu.memory_space<vmem>> -> memref<80xi32, #tpu.memory_space<vmem>>
      %dma_start3A_162 = arith.constant 0 : i32
      %dma_start3A_163 = arith.constant 0 : i32
      %dma_start3A_164 = tpu.memref_slice %arg2[%dma_start3A_162, %dma_start3A_163] : memref<10000x16xf32, #tpu.memory_space<hbm>> -> memref<10000x16xf32, #tpu.memory_space<hbm>>
      tpu.enqueue_indirect_dma source(%dma_start3A_164 : memref<10000x16xf32, #tpu.memory_space<hbm>>) target(%dma_start3A_158 : memref<80x16xf32, #tpu.memory_space<vmem>>) offsets(%dma_start3A_161 : memref<80xi32, #tpu.memory_space<vmem>>) semaphore(%arg7 : memref<!tpu.dma_semaphore, #tpu.memory_space<semaphore_mem>>)
      %add3A_165 = arith.constant 11 : i32
      %add3A_166 = arith.addi %mul3A_11, %add3A_165 : i32
      %dma_start3A_167 = arith.constant 0 : i32
      %dma_start3A_168 = arith.constant 11 : i32
      %dma_start3A_169 = arith.constant 0 : i32
      %dma_start3A_170 = arith.constant 0 : i32
      %dma_start3A_171 = tpu.memref_slice %arg6[%dma_start3A_168, %dma_start3A_169, %dma_start3A_170] : memref<25x80x16xf32, #tpu.memory_space<vmem>> -> memref<1x80x16xf32, #tpu.memory_space<vmem>>
      %dma_start3A_172 = tpu.memref_squeeze %dma_start3A_171 : memref<1x80x16xf32, #tpu.memory_space<vmem>> -> memref<80x16xf32, #tpu.memory_space<vmem>>
      %dma_start3A_173 = arith.constant 0 : i32
      %dma_start3A_174 = tpu.memref_slice %arg5[%add3A_166, %dma_start3A_167, %dma_start3A_173] : memref<125x1x80xi32, #tpu.memory_space<vmem>> -> memref<1x1x80xi32, #tpu.memory_space<vmem>>
      %dma_start3A_175 = tpu.memref_squeeze %dma_start3A_174 : memref<1x1x80xi32, #tpu.memory_space<vmem>> -> memref<80xi32, #tpu.memory_space<vmem>>
      %dma_start3A_176 = arith.constant 0 : i32
      %dma_start3A_177 = arith.constant 0 : i32
      %dma_start3A_178 = tpu.memref_slice %arg2[%dma_start3A_176, %dma_start3A_177] : memref<10000x16xf32, #tpu.memory_space<hbm>> -> memref<10000x16xf32, #tpu.memory_space<hbm>>
      tpu.enqueue_indirect_dma source(%dma_start3A_178 : memref<10000x16xf32, #tpu.memory_space<hbm>>) target(%dma_start3A_172 : memref<80x16xf32, #tpu.memory_space<vmem>>) offsets(%dma_start3A_175 : memref<80xi32, #tpu.memory_space<vmem>>) semaphore(%arg7 : memref<!tpu.dma_semaphore, #tpu.memory_space<semaphore_mem>>)
      %add3A_179 = arith.constant 12 : i32
      %add3A_180 = arith.addi %mul3A_11, %add3A_179 : i32
      %dma_start3A_181 = arith.constant 0 : i32
      %dma_start3A_182 = arith.constant 12 : i32
      %dma_start3A_183 = arith.constant 0 : i32
      %dma_start3A_184 = arith.constant 0 : i32
      %dma_start3A_185 = tpu.memref_slice %arg6[%dma_start3A_182, %dma_start3A_183, %dma_start3A_184] : memref<25x80x16xf32, #tpu.memory_space<vmem>> -> memref<1x80x16xf32, #tpu.memory_space<vmem>>
      %dma_start3A_186 = tpu.memref_squeeze %dma_start3A_185 : memref<1x80x16xf32, #tpu.memory_space<vmem>> -> memref<80x16xf32, #tpu.memory_space<vmem>>
      %dma_start3A_187 = arith.constant 0 : i32
      %dma_start3A_188 = tpu.memref_slice %arg5[%add3A_180, %dma_start3A_181, %dma_start3A_187] : memref<125x1x80xi32, #tpu.memory_space<vmem>> -> memref<1x1x80xi32, #tpu.memory_space<vmem>>
      %dma_start3A_189 = tpu.memref_squeeze %dma_start3A_188 : memref<1x1x80xi32, #tpu.memory_space<vmem>> -> memref<80xi32, #tpu.memory_space<vmem>>
      %dma_start3A_190 = arith.constant 0 : i32
      %dma_start3A_191 = arith.constant 0 : i32
      %dma_start3A_192 = tpu.memref_slice %arg2[%dma_start3A_190, %dma_start3A_191] : memref<10000x16xf32, #tpu.memory_space<hbm>> -> memref<10000x16xf32, #tpu.memory_space<hbm>>
      tpu.enqueue_indirect_dma source(%dma_start3A_192 : memref<10000x16xf32, #tpu.memory_space<hbm>>) target(%dma_start3A_186 : memref<80x16xf32, #tpu.memory_space<vmem>>) offsets(%dma_start3A_189 : memref<80xi32, #tpu.memory_space<vmem>>) semaphore(%arg7 : memref<!tpu.dma_semaphore, #tpu.memory_space<semaphore_mem>>)
      %add3A_193 = arith.constant 13 : i32
      %add3A_194 = arith.addi %mul3A_11, %add3A_193 : i32
      %dma_start3A_195 = arith.constant 0 : i32
      %dma_start3A_196 = arith.constant 13 : i32
      %dma_start3A_197 = arith.constant 0 : i32
      %dma_start3A_198 = arith.constant 0 : i32
      %dma_start3A_199 = tpu.memref_slice %arg6[%dma_start3A_196, %dma_start3A_197, %dma_start3A_198] : memref<25x80x16xf32, #tpu.memory_space<vmem>> -> memref<1x80x16xf32, #tpu.memory_space<vmem>>
      %dma_start3A_200 = tpu.memref_squeeze %dma_start3A_199 : memref<1x80x16xf32, #tpu.memory_space<vmem>> -> memref<80x16xf32, #tpu.memory_space<vmem>>
      %dma_start3A_201 = arith.constant 0 : i32
      %dma_start3A_202 = tpu.memref_slice %arg5[%add3A_194, %dma_start3A_195, %dma_start3A_201] : memref<125x1x80xi32, #tpu.memory_space<vmem>> -> memref<1x1x80xi32, #tpu.memory_space<vmem>>
      %dma_start3A_203 = tpu.memref_squeeze %dma_start3A_202 : memref<1x1x80xi32, #tpu.memory_space<vmem>> -> memref<80xi32, #tpu.memory_space<vmem>>
      %dma_start3A_204 = arith.constant 0 : i32
      %dma_start3A_205 = arith.constant 0 : i32
      %dma_start3A_206 = tpu.memref_slice %arg2[%dma_start3A_204, %dma_start3A_205] : memref<10000x16xf32, #tpu.memory_space<hbm>> -> memref<10000x16xf32, #tpu.memory_space<hbm>>
      tpu.enqueue_indirect_dma source(%dma_start3A_206 : memref<10000x16xf32, #tpu.memory_space<hbm>>) target(%dma_start3A_200 : memref<80x16xf32, #tpu.memory_space<vmem>>) offsets(%dma_start3A_203 : memref<80xi32, #tpu.memory_space<vmem>>) semaphore(%arg7 : memref<!tpu.dma_semaphore, #tpu.memory_space<semaphore_mem>>)
      %add3A_207 = arith.constant 14 : i32
      %add3A_208 = arith.addi %mul3A_11, %add3A_207 : i32
      %dma_start3A_209 = arith.constant 0 : i32
      %dma_start3A_210 = arith.constant 14 : i32
      %dma_start3A_211 = arith.constant 0 : i32
      %dma_start3A_212 = arith.constant 0 : i32
      %dma_start3A_213 = tpu.memref_slice %arg6[%dma_start3A_210, %dma_start3A_211, %dma_start3A_212] : memref<25x80x16xf32, #tpu.memory_space<vmem>> -> memref<1x80x16xf32, #tpu.memory_space<vmem>>
      %dma_start3A_214 = tpu.memref_squeeze %dma_start3A_213 : memref<1x80x16xf32, #tpu.memory_space<vmem>> -> memref<80x16xf32, #tpu.memory_space<vmem>>
      %dma_start3A_215 = arith.constant 0 : i32
      %dma_start3A_216 = tpu.memref_slice %arg5[%add3A_208, %dma_start3A_209, %dma_start3A_215] : memref<125x1x80xi32, #tpu.memory_space<vmem>> -> memref<1x1x80xi32, #tpu.memory_space<vmem>>
      %dma_start3A_217 = tpu.memref_squeeze %dma_start3A_216 : memref<1x1x80xi32, #tpu.memory_space<vmem>> -> memref<80xi32, #tpu.memory_space<vmem>>
      %dma_start3A_218 = arith.constant 0 : i32
      %dma_start3A_219 = arith.constant 0 : i32
      %dma_start3A_220 = tpu.memref_slice %arg2[%dma_start3A_218, %dma_start3A_219] : memref<10000x16xf32, #tpu.memory_space<hbm>> -> memref<10000x16xf32, #tpu.memory_space<hbm>>
      tpu.enqueue_indirect_dma source(%dma_start3A_220 : memref<10000x16xf32, #tpu.memory_space<hbm>>) target(%dma_start3A_214 : memref<80x16xf32, #tpu.memory_space<vmem>>) offsets(%dma_start3A_217 : memref<80xi32, #tpu.memory_space<vmem>>) semaphore(%arg7 : memref<!tpu.dma_semaphore, #tpu.memory_space<semaphore_mem>>)
      %add3A_221 = arith.constant 15 : i32
      %add3A_222 = arith.addi %mul3A_11, %add3A_221 : i32
      %dma_start3A_223 = arith.constant 0 : i32
      %dma_start3A_224 = arith.constant 15 : i32
      %dma_start3A_225 = arith.constant 0 : i32
      %dma_start3A_226 = arith.constant 0 : i32
      %dma_start3A_227 = tpu.memref_slice %arg6[%dma_start3A_224, %dma_start3A_225, %dma_start3A_226] : memref<25x80x16xf32, #tpu.memory_space<vmem>> -> memref<1x80x16xf32, #tpu.memory_space<vmem>>
      %dma_start3A_228 = tpu.memref_squeeze %dma_start3A_227 : memref<1x80x16xf32, #tpu.memory_space<vmem>> -> memref<80x16xf32, #tpu.memory_space<vmem>>
      %dma_start3A_229 = arith.constant 0 : i32
      %dma_start3A_230 = tpu.memref_slice %arg5[%add3A_222, %dma_start3A_223, %dma_start3A_229] : memref<125x1x80xi32, #tpu.memory_space<vmem>> -> memref<1x1x80xi32, #tpu.memory_space<vmem>>
      %dma_start3A_231 = tpu.memref_squeeze %dma_start3A_230 : memref<1x1x80xi32, #tpu.memory_space<vmem>> -> memref<80xi32, #tpu.memory_space<vmem>>
      %dma_start3A_232 = arith.constant 0 : i32
      %dma_start3A_233 = arith.constant 0 : i32
      %dma_start3A_234 = tpu.memref_slice %arg2[%dma_start3A_232, %dma_start3A_233] : memref<10000x16xf32, #tpu.memory_space<hbm>> -> memref<10000x16xf32, #tpu.memory_space<hbm>>
      tpu.enqueue_indirect_dma source(%dma_start3A_234 : memref<10000x16xf32, #tpu.memory_space<hbm>>) target(%dma_start3A_228 : memref<80x16xf32, #tpu.memory_space<vmem>>) offsets(%dma_start3A_231 : memref<80xi32, #tpu.memory_space<vmem>>) semaphore(%arg7 : memref<!tpu.dma_semaphore, #tpu.memory_space<semaphore_mem>>)
      %add3A_235 = arith.constant 16 : i32
      %add3A_236 = arith.addi %mul3A_11, %add3A_235 : i32
      %dma_start3A_237 = arith.constant 0 : i32
      %dma_start3A_238 = arith.constant 16 : i32
      %dma_start3A_239 = arith.constant 0 : i32
      %dma_start3A_240 = arith.constant 0 : i32
      %dma_start3A_241 = tpu.memref_slice %arg6[%dma_start3A_238, %dma_start3A_239, %dma_start3A_240] : memref<25x80x16xf32, #tpu.memory_space<vmem>> -> memref<1x80x16xf32, #tpu.memory_space<vmem>>
      %dma_start3A_242 = tpu.memref_squeeze %dma_start3A_241 : memref<1x80x16xf32, #tpu.memory_space<vmem>> -> memref<80x16xf32, #tpu.memory_space<vmem>>
      %dma_start3A_243 = arith.constant 0 : i32
      %dma_start3A_244 = tpu.memref_slice %arg5[%add3A_236, %dma_start3A_237, %dma_start3A_243] : memref<125x1x80xi32, #tpu.memory_space<vmem>> -> memref<1x1x80xi32, #tpu.memory_space<vmem>>
      %dma_start3A_245 = tpu.memref_squeeze %dma_start3A_244 : memref<1x1x80xi32, #tpu.memory_space<vmem>> -> memref<80xi32, #tpu.memory_space<vmem>>
      %dma_start3A_246 = arith.constant 0 : i32
      %dma_start3A_247 = arith.constant 0 : i32
      %dma_start3A_248 = tpu.memref_slice %arg2[%dma_start3A_246, %dma_start3A_247] : memref<10000x16xf32, #tpu.memory_space<hbm>> -> memref<10000x16xf32, #tpu.memory_space<hbm>>
      tpu.enqueue_indirect_dma source(%dma_start3A_248 : memref<10000x16xf32, #tpu.memory_space<hbm>>) target(%dma_start3A_242 : memref<80x16xf32, #tpu.memory_space<vmem>>) offsets(%dma_start3A_245 : memref<80xi32, #tpu.memory_space<vmem>>) semaphore(%arg7 : memref<!tpu.dma_semaphore, #tpu.memory_space<semaphore_mem>>)
      %add3A_249 = arith.constant 17 : i32
      %add3A_250 = arith.addi %mul3A_11, %add3A_249 : i32
      %dma_start3A_251 = arith.constant 0 : i32
      %dma_start3A_252 = arith.constant 17 : i32
      %dma_start3A_253 = arith.constant 0 : i32
      %dma_start3A_254 = arith.constant 0 : i32
      %dma_start3A_255 = tpu.memref_slice %arg6[%dma_start3A_252, %dma_start3A_253, %dma_start3A_254] : memref<25x80x16xf32, #tpu.memory_space<vmem>> -> memref<1x80x16xf32, #tpu.memory_space<vmem>>
      %dma_start3A_256 = tpu.memref_squeeze %dma_start3A_255 : memref<1x80x16xf32, #tpu.memory_space<vmem>> -> memref<80x16xf32, #tpu.memory_space<vmem>>
      %dma_start3A_257 = arith.constant 0 : i32
      %dma_start3A_258 = tpu.memref_slice %arg5[%add3A_250, %dma_start3A_251, %dma_start3A_257] : memref<125x1x80xi32, #tpu.memory_space<vmem>> -> memref<1x1x80xi32, #tpu.memory_space<vmem>>
      %dma_start3A_259 = tpu.memref_squeeze %dma_start3A_258 : memref<1x1x80xi32, #tpu.memory_space<vmem>> -> memref<80xi32, #tpu.memory_space<vmem>>
      %dma_start3A_260 = arith.constant 0 : i32
      %dma_start3A_261 = arith.constant 0 : i32
      %dma_start3A_262 = tpu.memref_slice %arg2[%dma_start3A_260, %dma_start3A_261] : memref<10000x16xf32, #tpu.memory_space<hbm>> -> memref<10000x16xf32, #tpu.memory_space<hbm>>
      tpu.enqueue_indirect_dma source(%dma_start3A_262 : memref<10000x16xf32, #tpu.memory_space<hbm>>) target(%dma_start3A_256 : memref<80x16xf32, #tpu.memory_space<vmem>>) offsets(%dma_start3A_259 : memref<80xi32, #tpu.memory_space<vmem>>) semaphore(%arg7 : memref<!tpu.dma_semaphore, #tpu.memory_space<semaphore_mem>>)
      %add3A_263 = arith.constant 18 : i32
      %add3A_264 = arith.addi %mul3A_11, %add3A_263 : i32
      %dma_start3A_265 = arith.constant 0 : i32
      %dma_start3A_266 = arith.constant 18 : i32
      %dma_start3A_267 = arith.constant 0 : i32
      %dma_start3A_268 = arith.constant 0 : i32
      %dma_start3A_269 = tpu.memref_slice %arg6[%dma_start3A_266, %dma_start3A_267, %dma_start3A_268] : memref<25x80x16xf32, #tpu.memory_space<vmem>> -> memref<1x80x16xf32, #tpu.memory_space<vmem>>
      %dma_start3A_270 = tpu.memref_squeeze %dma_start3A_269 : memref<1x80x16xf32, #tpu.memory_space<vmem>> -> memref<80x16xf32, #tpu.memory_space<vmem>>
      %dma_start3A_271 = arith.constant 0 : i32
      %dma_start3A_272 = tpu.memref_slice %arg5[%add3A_264, %dma_start3A_265, %dma_start3A_271] : memref<125x1x80xi32, #tpu.memory_space<vmem>> -> memref<1x1x80xi32, #tpu.memory_space<vmem>>
      %dma_start3A_273 = tpu.memref_squeeze %dma_start3A_272 : memref<1x1x80xi32, #tpu.memory_space<vmem>> -> memref<80xi32, #tpu.memory_space<vmem>>
      %dma_start3A_274 = arith.constant 0 : i32
      %dma_start3A_275 = arith.constant 0 : i32
      %dma_start3A_276 = tpu.memref_slice %arg2[%dma_start3A_274, %dma_start3A_275] : memref<10000x16xf32, #tpu.memory_space<hbm>> -> memref<10000x16xf32, #tpu.memory_space<hbm>>
      tpu.enqueue_indirect_dma source(%dma_start3A_276 : memref<10000x16xf32, #tpu.memory_space<hbm>>) target(%dma_start3A_270 : memref<80x16xf32, #tpu.memory_space<vmem>>) offsets(%dma_start3A_273 : memref<80xi32, #tpu.memory_space<vmem>>) semaphore(%arg7 : memref<!tpu.dma_semaphore, #tpu.memory_space<semaphore_mem>>)
      %add3A_277 = arith.constant 19 : i32
      %add3A_278 = arith.addi %mul3A_11, %add3A_277 : i32
      %dma_start3A_279 = arith.constant 0 : i32
      %dma_start3A_280 = arith.constant 19 : i32
      %dma_start3A_281 = arith.constant 0 : i32
      %dma_start3A_282 = arith.constant 0 : i32
      %dma_start3A_283 = tpu.memref_slice %arg6[%dma_start3A_280, %dma_start3A_281, %dma_start3A_282] : memref<25x80x16xf32, #tpu.memory_space<vmem>> -> memref<1x80x16xf32, #tpu.memory_space<vmem>>
      %dma_start3A_284 = tpu.memref_squeeze %dma_start3A_283 : memref<1x80x16xf32, #tpu.memory_space<vmem>> -> memref<80x16xf32, #tpu.memory_space<vmem>>
      %dma_start3A_285 = arith.constant 0 : i32
      %dma_start3A_286 = tpu.memref_slice %arg5[%add3A_278, %dma_start3A_279, %dma_start3A_285] : memref<125x1x80xi32, #tpu.memory_space<vmem>> -> memref<1x1x80xi32, #tpu.memory_space<vmem>>
      %dma_start3A_287 = tpu.memref_squeeze %dma_start3A_286 : memref<1x1x80xi32, #tpu.memory_space<vmem>> -> memref<80xi32, #tpu.memory_space<vmem>>
      %dma_start3A_288 = arith.constant 0 : i32
      %dma_start3A_289 = arith.constant 0 : i32
      %dma_start3A_290 = tpu.memref_slice %arg2[%dma_start3A_288, %dma_start3A_289] : memref<10000x16xf32, #tpu.memory_space<hbm>> -> memref<10000x16xf32, #tpu.memory_space<hbm>>
      tpu.enqueue_indirect_dma source(%dma_start3A_290 : memref<10000x16xf32, #tpu.memory_space<hbm>>) target(%dma_start3A_284 : memref<80x16xf32, #tpu.memory_space<vmem>>) offsets(%dma_start3A_287 : memref<80xi32, #tpu.memory_space<vmem>>) semaphore(%arg7 : memref<!tpu.dma_semaphore, #tpu.memory_space<semaphore_mem>>)
      %add3A_291 = arith.constant 20 : i32
      %add3A_292 = arith.addi %mul3A_11, %add3A_291 : i32
      %dma_start3A_293 = arith.constant 0 : i32
      %dma_start3A_294 = arith.constant 20 : i32
      %dma_start3A_295 = arith.constant 0 : i32
      %dma_start3A_296 = arith.constant 0 : i32
      %dma_start3A_297 = tpu.memref_slice %arg6[%dma_start3A_294, %dma_start3A_295, %dma_start3A_296] : memref<25x80x16xf32, #tpu.memory_space<vmem>> -> memref<1x80x16xf32, #tpu.memory_space<vmem>>
      %dma_start3A_298 = tpu.memref_squeeze %dma_start3A_297 : memref<1x80x16xf32, #tpu.memory_space<vmem>> -> memref<80x16xf32, #tpu.memory_space<vmem>>
      %dma_start3A_299 = arith.constant 0 : i32
      %dma_start3A_300 = tpu.memref_slice %arg5[%add3A_292, %dma_start3A_293, %dma_start3A_299] : memref<125x1x80xi32, #tpu.memory_space<vmem>> -> memref<1x1x80xi32, #tpu.memory_space<vmem>>
      %dma_start3A_301 = tpu.memref_squeeze %dma_start3A_300 : memref<1x1x80xi32, #tpu.memory_space<vmem>> -> memref<80xi32, #tpu.memory_space<vmem>>
      %dma_start3A_302 = arith.constant 0 : i32
      %dma_start3A_303 = arith.constant 0 : i32
      %dma_start3A_304 = tpu.memref_slice %arg2[%dma_start3A_302, %dma_start3A_303] : memref<10000x16xf32, #tpu.memory_space<hbm>> -> memref<10000x16xf32, #tpu.memory_space<hbm>>
      tpu.enqueue_indirect_dma source(%dma_start3A_304 : memref<10000x16xf32, #tpu.memory_space<hbm>>) target(%dma_start3A_298 : memref<80x16xf32, #tpu.memory_space<vmem>>) offsets(%dma_start3A_301 : memref<80xi32, #tpu.memory_space<vmem>>) semaphore(%arg7 : memref<!tpu.dma_semaphore, #tpu.memory_space<semaphore_mem>>)
      %add3A_305 = arith.constant 21 : i32
      %add3A_306 = arith.addi %mul3A_11, %add3A_305 : i32
      %dma_start3A_307 = arith.constant 0 : i32
      %dma_start3A_308 = arith.constant 21 : i32
      %dma_start3A_309 = arith.constant 0 : i32
      %dma_start3A_310 = arith.constant 0 : i32
      %dma_start3A_311 = tpu.memref_slice %arg6[%dma_start3A_308, %dma_start3A_309, %dma_start3A_310] : memref<25x80x16xf32, #tpu.memory_space<vmem>> -> memref<1x80x16xf32, #tpu.memory_space<vmem>>
      %dma_start3A_312 = tpu.memref_squeeze %dma_start3A_311 : memref<1x80x16xf32, #tpu.memory_space<vmem>> -> memref<80x16xf32, #tpu.memory_space<vmem>>
      %dma_start3A_313 = arith.constant 0 : i32
      %dma_start3A_314 = tpu.memref_slice %arg5[%add3A_306, %dma_start3A_307, %dma_start3A_313] : memref<125x1x80xi32, #tpu.memory_space<vmem>> -> memref<1x1x80xi32, #tpu.memory_space<vmem>>
      %dma_start3A_315 = tpu.memref_squeeze %dma_start3A_314 : memref<1x1x80xi32, #tpu.memory_space<vmem>> -> memref<80xi32, #tpu.memory_space<vmem>>
      %dma_start3A_316 = arith.constant 0 : i32
      %dma_start3A_317 = arith.constant 0 : i32
      %dma_start3A_318 = tpu.memref_slice %arg2[%dma_start3A_316, %dma_start3A_317] : memref<10000x16xf32, #tpu.memory_space<hbm>> -> memref<10000x16xf32, #tpu.memory_space<hbm>>
      tpu.enqueue_indirect_dma source(%dma_start3A_318 : memref<10000x16xf32, #tpu.memory_space<hbm>>) target(%dma_start3A_312 : memref<80x16xf32, #tpu.memory_space<vmem>>) offsets(%dma_start3A_315 : memref<80xi32, #tpu.memory_space<vmem>>) semaphore(%arg7 : memref<!tpu.dma_semaphore, #tpu.memory_space<semaphore_mem>>)
      %add3A_319 = arith.constant 22 : i32
      %add3A_320 = arith.addi %mul3A_11, %add3A_319 : i32
      %dma_start3A_321 = arith.constant 0 : i32
      %dma_start3A_322 = arith.constant 22 : i32
      %dma_start3A_323 = arith.constant 0 : i32
      %dma_start3A_324 = arith.constant 0 : i32
      %dma_start3A_325 = tpu.memref_slice %arg6[%dma_start3A_322, %dma_start3A_323, %dma_start3A_324] : memref<25x80x16xf32, #tpu.memory_space<vmem>> -> memref<1x80x16xf32, #tpu.memory_space<vmem>>
      %dma_start3A_326 = tpu.memref_squeeze %dma_start3A_325 : memref<1x80x16xf32, #tpu.memory_space<vmem>> -> memref<80x16xf32, #tpu.memory_space<vmem>>
      %dma_start3A_327 = arith.constant 0 : i32
      %dma_start3A_328 = tpu.memref_slice %arg5[%add3A_320, %dma_start3A_321, %dma_start3A_327] : memref<125x1x80xi32, #tpu.memory_space<vmem>> -> memref<1x1x80xi32, #tpu.memory_space<vmem>>
      %dma_start3A_329 = tpu.memref_squeeze %dma_start3A_328 : memref<1x1x80xi32, #tpu.memory_space<vmem>> -> memref<80xi32, #tpu.memory_space<vmem>>
      %dma_start3A_330 = arith.constant 0 : i32
      %dma_start3A_331 = arith.constant 0 : i32
      %dma_start3A_332 = tpu.memref_slice %arg2[%dma_start3A_330, %dma_start3A_331] : memref<10000x16xf32, #tpu.memory_space<hbm>> -> memref<10000x16xf32, #tpu.memory_space<hbm>>
      tpu.enqueue_indirect_dma source(%dma_start3A_332 : memref<10000x16xf32, #tpu.memory_space<hbm>>) target(%dma_start3A_326 : memref<80x16xf32, #tpu.memory_space<vmem>>) offsets(%dma_start3A_329 : memref<80xi32, #tpu.memory_space<vmem>>) semaphore(%arg7 : memref<!tpu.dma_semaphore, #tpu.memory_space<semaphore_mem>>)
      %add3A_333 = arith.constant 23 : i32
      %add3A_334 = arith.addi %mul3A_11, %add3A_333 : i32
      %dma_start3A_335 = arith.constant 0 : i32
      %dma_start3A_336 = arith.constant 23 : i32
      %dma_start3A_337 = arith.constant 0 : i32
      %dma_start3A_338 = arith.constant 0 : i32
      %dma_start3A_339 = tpu.memref_slice %arg6[%dma_start3A_336, %dma_start3A_337, %dma_start3A_338] : memref<25x80x16xf32, #tpu.memory_space<vmem>> -> memref<1x80x16xf32, #tpu.memory_space<vmem>>
      %dma_start3A_340 = tpu.memref_squeeze %dma_start3A_339 : memref<1x80x16xf32, #tpu.memory_space<vmem>> -> memref<80x16xf32, #tpu.memory_space<vmem>>
      %dma_start3A_341 = arith.constant 0 : i32
      %dma_start3A_342 = tpu.memref_slice %arg5[%add3A_334, %dma_start3A_335, %dma_start3A_341] : memref<125x1x80xi32, #tpu.memory_space<vmem>> -> memref<1x1x80xi32, #tpu.memory_space<vmem>>
      %dma_start3A_343 = tpu.memref_squeeze %dma_start3A_342 : memref<1x1x80xi32, #tpu.memory_space<vmem>> -> memref<80xi32, #tpu.memory_space<vmem>>
      %dma_start3A_344 = arith.constant 0 : i32
      %dma_start3A_345 = arith.constant 0 : i32
      %dma_start3A_346 = tpu.memref_slice %arg2[%dma_start3A_344, %dma_start3A_345] : memref<10000x16xf32, #tpu.memory_space<hbm>> -> memref<10000x16xf32, #tpu.memory_space<hbm>>
      tpu.enqueue_indirect_dma source(%dma_start3A_346 : memref<10000x16xf32, #tpu.memory_space<hbm>>) target(%dma_start3A_340 : memref<80x16xf32, #tpu.memory_space<vmem>>) offsets(%dma_start3A_343 : memref<80xi32, #tpu.memory_space<vmem>>) semaphore(%arg7 : memref<!tpu.dma_semaphore, #tpu.memory_space<semaphore_mem>>)
      %add3A_347 = arith.constant 24 : i32
      %add3A_348 = arith.addi %mul3A_11, %add3A_347 : i32
      %dma_start3A_349 = arith.constant 0 : i32
      %dma_start3A_350 = arith.constant 24 : i32
      %dma_start3A_351 = arith.constant 0 : i32
      %dma_start3A_352 = arith.constant 0 : i32
      %dma_start3A_353 = tpu.memref_slice %arg6[%dma_start3A_350, %dma_start3A_351, %dma_start3A_352] : memref<25x80x16xf32, #tpu.memory_space<vmem>> -> memref<1x80x16xf32, #tpu.memory_space<vmem>>
      %dma_start3A_354 = tpu.memref_squeeze %dma_start3A_353 : memref<1x80x16xf32, #tpu.memory_space<vmem>> -> memref<80x16xf32, #tpu.memory_space<vmem>>
      %dma_start3A_355 = arith.constant 0 : i32
      %dma_start3A_356 = tpu.memref_slice %arg5[%add3A_348, %dma_start3A_349, %dma_start3A_355] : memref<125x1x80xi32, #tpu.memory_space<vmem>> -> memref<1x1x80xi32, #tpu.memory_space<vmem>>
      %dma_start3A_357 = tpu.memref_squeeze %dma_start3A_356 : memref<1x1x80xi32, #tpu.memory_space<vmem>> -> memref<80xi32, #tpu.memory_space<vmem>>
      %dma_start3A_358 = arith.constant 0 : i32
      %dma_start3A_359 = arith.constant 0 : i32
      %dma_start3A_360 = tpu.memref_slice %arg2[%dma_start3A_358, %dma_start3A_359] : memref<10000x16xf32, #tpu.memory_space<hbm>> -> memref<10000x16xf32, #tpu.memory_space<hbm>>
      tpu.enqueue_indirect_dma source(%dma_start3A_360 : memref<10000x16xf32, #tpu.memory_space<hbm>>) target(%dma_start3A_354 : memref<80x16xf32, #tpu.memory_space<vmem>>) offsets(%dma_start3A_357 : memref<80xi32, #tpu.memory_space<vmem>>) semaphore(%arg7 : memref<!tpu.dma_semaphore, #tpu.memory_space<semaphore_mem>>)
      %add3A_361 = arith.constant 0 : i32
      %add3A_362 = arith.addi %mul3A_11, %add3A_361 : i32
      %dma_wait3A = arith.constant 0 : i32
      %dma_wait3A_363 = arith.constant 0 : i32
      %dma_wait3A_364 = arith.constant 0 : i32
      %dma_wait3A_365 = arith.constant 0 : i32
      %dma_wait3A_366 = tpu.memref_slice %arg6[%dma_wait3A_363, %dma_wait3A_364, %dma_wait3A_365] : memref<25x80x16xf32, #tpu.memory_space<vmem>> -> memref<1x80x16xf32, #tpu.memory_space<vmem>>
      %dma_wait3A_367 = tpu.memref_squeeze %dma_wait3A_366 : memref<1x80x16xf32, #tpu.memory_space<vmem>> -> memref<80x16xf32, #tpu.memory_space<vmem>>
      %dma_wait3A_368 = arith.constant 0 : i32
      %dma_wait3A_369 = tpu.memref_slice %arg5[%add3A_362, %dma_wait3A, %dma_wait3A_368] : memref<125x1x80xi32, #tpu.memory_space<vmem>> -> memref<1x1x80xi32, #tpu.memory_space<vmem>>
      %dma_wait3A_370 = tpu.memref_squeeze %dma_wait3A_369 : memref<1x1x80xi32, #tpu.memory_space<vmem>> -> memref<80xi32, #tpu.memory_space<vmem>>
      %dma_wait3A_371 = arith.constant 0 : i32
      %dma_wait3A_372 = arith.constant 0 : i32
      %dma_wait3A_373 = tpu.memref_slice %arg2[%dma_wait3A_371, %dma_wait3A_372] : memref<10000x16xf32, #tpu.memory_space<hbm>> -> memref<10000x16xf32, #tpu.memory_space<hbm>>
      tpu.wait_indirect_dma semaphore(%arg7 : memref<!tpu.dma_semaphore, #tpu.memory_space<semaphore_mem>>) src(%dma_wait3A_373 : memref<10000x16xf32, #tpu.memory_space<hbm>>) dst(%dma_wait3A_367 : memref<80x16xf32, #tpu.memory_space<vmem>>)
      %add3A_374 = arith.constant 1 : i32
      %add3A_375 = arith.addi %mul3A_11, %add3A_374 : i32
      %dma_wait3A_376 = arith.constant 0 : i32
      %dma_wait3A_377 = arith.constant 1 : i32
      %dma_wait3A_378 = arith.constant 0 : i32
      %dma_wait3A_379 = arith.constant 0 : i32
      %dma_wait3A_380 = tpu.memref_slice %arg6[%dma_wait3A_377, %dma_wait3A_378, %dma_wait3A_379] : memref<25x80x16xf32, #tpu.memory_space<vmem>> -> memref<1x80x16xf32, #tpu.memory_space<vmem>>
      %dma_wait3A_381 = tpu.memref_squeeze %dma_wait3A_380 : memref<1x80x16xf32, #tpu.memory_space<vmem>> -> memref<80x16xf32, #tpu.memory_space<vmem>>
      %dma_wait3A_382 = arith.constant 0 : i32
      %dma_wait3A_383 = tpu.memref_slice %arg5[%add3A_375, %dma_wait3A_376, %dma_wait3A_382] : memref<125x1x80xi32, #tpu.memory_space<vmem>> -> memref<1x1x80xi32, #tpu.memory_space<vmem>>
      %dma_wait3A_384 = tpu.memref_squeeze %dma_wait3A_383 : memref<1x1x80xi32, #tpu.memory_space<vmem>> -> memref<80xi32, #tpu.memory_space<vmem>>
      %dma_wait3A_385 = arith.constant 0 : i32
      %dma_wait3A_386 = arith.constant 0 : i32
      %dma_wait3A_387 = tpu.memref_slice %arg2[%dma_wait3A_385, %dma_wait3A_386] : memref<10000x16xf32, #tpu.memory_space<hbm>> -> memref<10000x16xf32, #tpu.memory_space<hbm>>
      tpu.wait_indirect_dma semaphore(%arg7 : memref<!tpu.dma_semaphore, #tpu.memory_space<semaphore_mem>>) src(%dma_wait3A_387 : memref<10000x16xf32, #tpu.memory_space<hbm>>) dst(%dma_wait3A_381 : memref<80x16xf32, #tpu.memory_space<vmem>>)
      %add3A_388 = arith.constant 2 : i32
      %add3A_389 = arith.addi %mul3A_11, %add3A_388 : i32
      %dma_wait3A_390 = arith.constant 0 : i32
      %dma_wait3A_391 = arith.constant 2 : i32
      %dma_wait3A_392 = arith.constant 0 : i32
      %dma_wait3A_393 = arith.constant 0 : i32
      %dma_wait3A_394 = tpu.memref_slice %arg6[%dma_wait3A_391, %dma_wait3A_392, %dma_wait3A_393] : memref<25x80x16xf32, #tpu.memory_space<vmem>> -> memref<1x80x16xf32, #tpu.memory_space<vmem>>
      %dma_wait3A_395 = tpu.memref_squeeze %dma_wait3A_394 : memref<1x80x16xf32, #tpu.memory_space<vmem>> -> memref<80x16xf32, #tpu.memory_space<vmem>>
      %dma_wait3A_396 = arith.constant 0 : i32
      %dma_wait3A_397 = tpu.memref_slice %arg5[%add3A_389, %dma_wait3A_390, %dma_wait3A_396] : memref<125x1x80xi32, #tpu.memory_space<vmem>> -> memref<1x1x80xi32, #tpu.memory_space<vmem>>
      %dma_wait3A_398 = tpu.memref_squeeze %dma_wait3A_397 : memref<1x1x80xi32, #tpu.memory_space<vmem>> -> memref<80xi32, #tpu.memory_space<vmem>>
      %dma_wait3A_399 = arith.constant 0 : i32
      %dma_wait3A_400 = arith.constant 0 : i32
      %dma_wait3A_401 = tpu.memref_slice %arg2[%dma_wait3A_399, %dma_wait3A_400] : memref<10000x16xf32, #tpu.memory_space<hbm>> -> memref<10000x16xf32, #tpu.memory_space<hbm>>
      tpu.wait_indirect_dma semaphore(%arg7 : memref<!tpu.dma_semaphore, #tpu.memory_space<semaphore_mem>>) src(%dma_wait3A_401 : memref<10000x16xf32, #tpu.memory_space<hbm>>) dst(%dma_wait3A_395 : memref<80x16xf32, #tpu.memory_space<vmem>>)
      %add3A_402 = arith.constant 3 : i32
      %add3A_403 = arith.addi %mul3A_11, %add3A_402 : i32
      %dma_wait3A_404 = arith.constant 0 : i32
      %dma_wait3A_405 = arith.constant 3 : i32
      %dma_wait3A_406 = arith.constant 0 : i32
      %dma_wait3A_407 = arith.constant 0 : i32
      %dma_wait3A_408 = tpu.memref_slice %arg6[%dma_wait3A_405, %dma_wait3A_406, %dma_wait3A_407] : memref<25x80x16xf32, #tpu.memory_space<vmem>> -> memref<1x80x16xf32, #tpu.memory_space<vmem>>
      %dma_wait3A_409 = tpu.memref_squeeze %dma_wait3A_408 : memref<1x80x16xf32, #tpu.memory_space<vmem>> -> memref<80x16xf32, #tpu.memory_space<vmem>>
      %dma_wait3A_410 = arith.constant 0 : i32
      %dma_wait3A_411 = tpu.memref_slice %arg5[%add3A_403, %dma_wait3A_404, %dma_wait3A_410] : memref<125x1x80xi32, #tpu.memory_space<vmem>> -> memref<1x1x80xi32, #tpu.memory_space<vmem>>
      %dma_wait3A_412 = tpu.memref_squeeze %dma_wait3A_411 : memref<1x1x80xi32, #tpu.memory_space<vmem>> -> memref<80xi32, #tpu.memory_space<vmem>>
      %dma_wait3A_413 = arith.constant 0 : i32
      %dma_wait3A_414 = arith.constant 0 : i32
      %dma_wait3A_415 = tpu.memref_slice %arg2[%dma_wait3A_413, %dma_wait3A_414] : memref<10000x16xf32, #tpu.memory_space<hbm>> -> memref<10000x16xf32, #tpu.memory_space<hbm>>
      tpu.wait_indirect_dma semaphore(%arg7 : memref<!tpu.dma_semaphore, #tpu.memory_space<semaphore_mem>>) src(%dma_wait3A_415 : memref<10000x16xf32, #tpu.memory_space<hbm>>) dst(%dma_wait3A_409 : memref<80x16xf32, #tpu.memory_space<vmem>>)
      %add3A_416 = arith.constant 4 : i32
      %add3A_417 = arith.addi %mul3A_11, %add3A_416 : i32
      %dma_wait3A_418 = arith.constant 0 : i32
      %dma_wait3A_419 = arith.constant 4 : i32
      %dma_wait3A_420 = arith.constant 0 : i32
      %dma_wait3A_421 = arith.constant 0 : i32
      %dma_wait3A_422 = tpu.memref_slice %arg6[%dma_wait3A_419, %dma_wait3A_420, %dma_wait3A_421] : memref<25x80x16xf32, #tpu.memory_space<vmem>> -> memref<1x80x16xf32, #tpu.memory_space<vmem>>
      %dma_wait3A_423 = tpu.memref_squeeze %dma_wait3A_422 : memref<1x80x16xf32, #tpu.memory_space<vmem>> -> memref<80x16xf32, #tpu.memory_space<vmem>>
      %dma_wait3A_424 = arith.constant 0 : i32
      %dma_wait3A_425 = tpu.memref_slice %arg5[%add3A_417, %dma_wait3A_418, %dma_wait3A_424] : memref<125x1x80xi32, #tpu.memory_space<vmem>> -> memref<1x1x80xi32, #tpu.memory_space<vmem>>
      %dma_wait3A_426 = tpu.memref_squeeze %dma_wait3A_425 : memref<1x1x80xi32, #tpu.memory_space<vmem>> -> memref<80xi32, #tpu.memory_space<vmem>>
      %dma_wait3A_427 = arith.constant 0 : i32
      %dma_wait3A_428 = arith.constant 0 : i32
      %dma_wait3A_429 = tpu.memref_slice %arg2[%dma_wait3A_427, %dma_wait3A_428] : memref<10000x16xf32, #tpu.memory_space<hbm>> -> memref<10000x16xf32, #tpu.memory_space<hbm>>
      tpu.wait_indirect_dma semaphore(%arg7 : memref<!tpu.dma_semaphore, #tpu.memory_space<semaphore_mem>>) src(%dma_wait3A_429 : memref<10000x16xf32, #tpu.memory_space<hbm>>) dst(%dma_wait3A_423 : memref<80x16xf32, #tpu.memory_space<vmem>>)
      %add3A_430 = arith.constant 5 : i32
      %add3A_431 = arith.addi %mul3A_11, %add3A_430 : i32
      %dma_wait3A_432 = arith.constant 0 : i32
      %dma_wait3A_433 = arith.constant 5 : i32
      %dma_wait3A_434 = arith.constant 0 : i32
      %dma_wait3A_435 = arith.constant 0 : i32
      %dma_wait3A_436 = tpu.memref_slice %arg6[%dma_wait3A_433, %dma_wait3A_434, %dma_wait3A_435] : memref<25x80x16xf32, #tpu.memory_space<vmem>> -> memref<1x80x16xf32, #tpu.memory_space<vmem>>
      %dma_wait3A_437 = tpu.memref_squeeze %dma_wait3A_436 : memref<1x80x16xf32, #tpu.memory_space<vmem>> -> memref<80x16xf32, #tpu.memory_space<vmem>>
      %dma_wait3A_438 = arith.constant 0 : i32
      %dma_wait3A_439 = tpu.memref_slice %arg5[%add3A_431, %dma_wait3A_432, %dma_wait3A_438] : memref<125x1x80xi32, #tpu.memory_space<vmem>> -> memref<1x1x80xi32, #tpu.memory_space<vmem>>
      %dma_wait3A_440 = tpu.memref_squeeze %dma_wait3A_439 : memref<1x1x80xi32, #tpu.memory_space<vmem>> -> memref<80xi32, #tpu.memory_space<vmem>>
      %dma_wait3A_441 = arith.constant 0 : i32
      %dma_wait3A_442 = arith.constant 0 : i32
      %dma_wait3A_443 = tpu.memref_slice %arg2[%dma_wait3A_441, %dma_wait3A_442] : memref<10000x16xf32, #tpu.memory_space<hbm>> -> memref<10000x16xf32, #tpu.memory_space<hbm>>
      tpu.wait_indirect_dma semaphore(%arg7 : memref<!tpu.dma_semaphore, #tpu.memory_space<semaphore_mem>>) src(%dma_wait3A_443 : memref<10000x16xf32, #tpu.memory_space<hbm>>) dst(%dma_wait3A_437 : memref<80x16xf32, #tpu.memory_space<vmem>>)
      %add3A_444 = arith.constant 6 : i32
      %add3A_445 = arith.addi %mul3A_11, %add3A_444 : i32
      %dma_wait3A_446 = arith.constant 0 : i32
      %dma_wait3A_447 = arith.constant 6 : i32
      %dma_wait3A_448 = arith.constant 0 : i32
      %dma_wait3A_449 = arith.constant 0 : i32
      %dma_wait3A_450 = tpu.memref_slice %arg6[%dma_wait3A_447, %dma_wait3A_448, %dma_wait3A_449] : memref<25x80x16xf32, #tpu.memory_space<vmem>> -> memref<1x80x16xf32, #tpu.memory_space<vmem>>
      %dma_wait3A_451 = tpu.memref_squeeze %dma_wait3A_450 : memref<1x80x16xf32, #tpu.memory_space<vmem>> -> memref<80x16xf32, #tpu.memory_space<vmem>>
      %dma_wait3A_452 = arith.constant 0 : i32
      %dma_wait3A_453 = tpu.memref_slice %arg5[%add3A_445, %dma_wait3A_446, %dma_wait3A_452] : memref<125x1x80xi32, #tpu.memory_space<vmem>> -> memref<1x1x80xi32, #tpu.memory_space<vmem>>
      %dma_wait3A_454 = tpu.memref_squeeze %dma_wait3A_453 : memref<1x1x80xi32, #tpu.memory_space<vmem>> -> memref<80xi32, #tpu.memory_space<vmem>>
      %dma_wait3A_455 = arith.constant 0 : i32
      %dma_wait3A_456 = arith.constant 0 : i32
      %dma_wait3A_457 = tpu.memref_slice %arg2[%dma_wait3A_455, %dma_wait3A_456] : memref<10000x16xf32, #tpu.memory_space<hbm>> -> memref<10000x16xf32, #tpu.memory_space<hbm>>
      tpu.wait_indirect_dma semaphore(%arg7 : memref<!tpu.dma_semaphore, #tpu.memory_space<semaphore_mem>>) src(%dma_wait3A_457 : memref<10000x16xf32, #tpu.memory_space<hbm>>) dst(%dma_wait3A_451 : memref<80x16xf32, #tpu.memory_space<vmem>>)
      %add3A_458 = arith.constant 7 : i32
      %add3A_459 = arith.addi %mul3A_11, %add3A_458 : i32
      %dma_wait3A_460 = arith.constant 0 : i32
      %dma_wait3A_461 = arith.constant 7 : i32
      %dma_wait3A_462 = arith.constant 0 : i32
      %dma_wait3A_463 = arith.constant 0 : i32
      %dma_wait3A_464 = tpu.memref_slice %arg6[%dma_wait3A_461, %dma_wait3A_462, %dma_wait3A_463] : memref<25x80x16xf32, #tpu.memory_space<vmem>> -> memref<1x80x16xf32, #tpu.memory_space<vmem>>
      %dma_wait3A_465 = tpu.memref_squeeze %dma_wait3A_464 : memref<1x80x16xf32, #tpu.memory_space<vmem>> -> memref<80x16xf32, #tpu.memory_space<vmem>>
      %dma_wait3A_466 = arith.constant 0 : i32
      %dma_wait3A_467 = tpu.memref_slice %arg5[%add3A_459, %dma_wait3A_460, %dma_wait3A_466] : memref<125x1x80xi32, #tpu.memory_space<vmem>> -> memref<1x1x80xi32, #tpu.memory_space<vmem>>
      %dma_wait3A_468 = tpu.memref_squeeze %dma_wait3A_467 : memref<1x1x80xi32, #tpu.memory_space<vmem>> -> memref<80xi32, #tpu.memory_space<vmem>>
      %dma_wait3A_469 = arith.constant 0 : i32
      %dma_wait3A_470 = arith.constant 0 : i32
      %dma_wait3A_471 = tpu.memref_slice %arg2[%dma_wait3A_469, %dma_wait3A_470] : memref<10000x16xf32, #tpu.memory_space<hbm>> -> memref<10000x16xf32, #tpu.memory_space<hbm>>
      tpu.wait_indirect_dma semaphore(%arg7 : memref<!tpu.dma_semaphore, #tpu.memory_space<semaphore_mem>>) src(%dma_wait3A_471 : memref<10000x16xf32, #tpu.memory_space<hbm>>) dst(%dma_wait3A_465 : memref<80x16xf32, #tpu.memory_space<vmem>>)
      %add3A_472 = arith.constant 8 : i32
      %add3A_473 = arith.addi %mul3A_11, %add3A_472 : i32
      %dma_wait3A_474 = arith.constant 0 : i32
      %dma_wait3A_475 = arith.constant 8 : i32
      %dma_wait3A_476 = arith.constant 0 : i32
      %dma_wait3A_477 = arith.constant 0 : i32
      %dma_wait3A_478 = tpu.memref_slice %arg6[%dma_wait3A_475, %dma_wait3A_476, %dma_wait3A_477] : memref<25x80x16xf32, #tpu.memory_space<vmem>> -> memref<1x80x16xf32, #tpu.memory_space<vmem>>
      %dma_wait3A_479 = tpu.memref_squeeze %dma_wait3A_478 : memref<1x80x16xf32, #tpu.memory_space<vmem>> -> memref<80x16xf32, #tpu.memory_space<vmem>>
      %dma_wait3A_480 = arith.constant 0 : i32
      %dma_wait3A_481 = tpu.memref_slice %arg5[%add3A_473, %dma_wait3A_474, %dma_wait3A_480] : memref<125x1x80xi32, #tpu.memory_space<vmem>> -> memref<1x1x80xi32, #tpu.memory_space<vmem>>
      %dma_wait3A_482 = tpu.memref_squeeze %dma_wait3A_481 : memref<1x1x80xi32, #tpu.memory_space<vmem>> -> memref<80xi32, #tpu.memory_space<vmem>>
      %dma_wait3A_483 = arith.constant 0 : i32
      %dma_wait3A_484 = arith.constant 0 : i32
      %dma_wait3A_485 = tpu.memref_slice %arg2[%dma_wait3A_483, %dma_wait3A_484] : memref<10000x16xf32, #tpu.memory_space<hbm>> -> memref<10000x16xf32, #tpu.memory_space<hbm>>
      tpu.wait_indirect_dma semaphore(%arg7 : memref<!tpu.dma_semaphore, #tpu.memory_space<semaphore_mem>>) src(%dma_wait3A_485 : memref<10000x16xf32, #tpu.memory_space<hbm>>) dst(%dma_wait3A_479 : memref<80x16xf32, #tpu.memory_space<vmem>>)
      %add3A_486 = arith.constant 9 : i32
      %add3A_487 = arith.addi %mul3A_11, %add3A_486 : i32
      %dma_wait3A_488 = arith.constant 0 : i32
      %dma_wait3A_489 = arith.constant 9 : i32
      %dma_wait3A_490 = arith.constant 0 : i32
      %dma_wait3A_491 = arith.constant 0 : i32
      %dma_wait3A_492 = tpu.memref_slice %arg6[%dma_wait3A_489, %dma_wait3A_490, %dma_wait3A_491] : memref<25x80x16xf32, #tpu.memory_space<vmem>> -> memref<1x80x16xf32, #tpu.memory_space<vmem>>
      %dma_wait3A_493 = tpu.memref_squeeze %dma_wait3A_492 : memref<1x80x16xf32, #tpu.memory_space<vmem>> -> memref<80x16xf32, #tpu.memory_space<vmem>>
      %dma_wait3A_494 = arith.constant 0 : i32
      %dma_wait3A_495 = tpu.memref_slice %arg5[%add3A_487, %dma_wait3A_488, %dma_wait3A_494] : memref<125x1x80xi32, #tpu.memory_space<vmem>> -> memref<1x1x80xi32, #tpu.memory_space<vmem>>
      %dma_wait3A_496 = tpu.memref_squeeze %dma_wait3A_495 : memref<1x1x80xi32, #tpu.memory_space<vmem>> -> memref<80xi32, #tpu.memory_space<vmem>>
      %dma_wait3A_497 = arith.constant 0 : i32
      %dma_wait3A_498 = arith.constant 0 : i32
      %dma_wait3A_499 = tpu.memref_slice %arg2[%dma_wait3A_497, %dma_wait3A_498] : memref<10000x16xf32, #tpu.memory_space<hbm>> -> memref<10000x16xf32, #tpu.memory_space<hbm>>
      tpu.wait_indirect_dma semaphore(%arg7 : memref<!tpu.dma_semaphore, #tpu.memory_space<semaphore_mem>>) src(%dma_wait3A_499 : memref<10000x16xf32, #tpu.memory_space<hbm>>) dst(%dma_wait3A_493 : memref<80x16xf32, #tpu.memory_space<vmem>>)
      %add3A_500 = arith.constant 10 : i32
      %add3A_501 = arith.addi %mul3A_11, %add3A_500 : i32
      %dma_wait3A_502 = arith.constant 0 : i32
      %dma_wait3A_503 = arith.constant 10 : i32
      %dma_wait3A_504 = arith.constant 0 : i32
      %dma_wait3A_505 = arith.constant 0 : i32
      %dma_wait3A_506 = tpu.memref_slice %arg6[%dma_wait3A_503, %dma_wait3A_504, %dma_wait3A_505] : memref<25x80x16xf32, #tpu.memory_space<vmem>> -> memref<1x80x16xf32, #tpu.memory_space<vmem>>
      %dma_wait3A_507 = tpu.memref_squeeze %dma_wait3A_506 : memref<1x80x16xf32, #tpu.memory_space<vmem>> -> memref<80x16xf32, #tpu.memory_space<vmem>>
      %dma_wait3A_508 = arith.constant 0 : i32
      %dma_wait3A_509 = tpu.memref_slice %arg5[%add3A_501, %dma_wait3A_502, %dma_wait3A_508] : memref<125x1x80xi32, #tpu.memory_space<vmem>> -> memref<1x1x80xi32, #tpu.memory_space<vmem>>
      %dma_wait3A_510 = tpu.memref_squeeze %dma_wait3A_509 : memref<1x1x80xi32, #tpu.memory_space<vmem>> -> memref<80xi32, #tpu.memory_space<vmem>>
      %dma_wait3A_511 = arith.constant 0 : i32
      %dma_wait3A_512 = arith.constant 0 : i32
      %dma_wait3A_513 = tpu.memref_slice %arg2[%dma_wait3A_511, %dma_wait3A_512] : memref<10000x16xf32, #tpu.memory_space<hbm>> -> memref<10000x16xf32, #tpu.memory_space<hbm>>
      tpu.wait_indirect_dma semaphore(%arg7 : memref<!tpu.dma_semaphore, #tpu.memory_space<semaphore_mem>>) src(%dma_wait3A_513 : memref<10000x16xf32, #tpu.memory_space<hbm>>) dst(%dma_wait3A_507 : memref<80x16xf32, #tpu.memory_space<vmem>>)
      %add3A_514 = arith.constant 11 : i32
      %add3A_515 = arith.addi %mul3A_11, %add3A_514 : i32
      %dma_wait3A_516 = arith.constant 0 : i32
      %dma_wait3A_517 = arith.constant 11 : i32
      %dma_wait3A_518 = arith.constant 0 : i32
      %dma_wait3A_519 = arith.constant 0 : i32
      %dma_wait3A_520 = tpu.memref_slice %arg6[%dma_wait3A_517, %dma_wait3A_518, %dma_wait3A_519] : memref<25x80x16xf32, #tpu.memory_space<vmem>> -> memref<1x80x16xf32, #tpu.memory_space<vmem>>
      %dma_wait3A_521 = tpu.memref_squeeze %dma_wait3A_520 : memref<1x80x16xf32, #tpu.memory_space<vmem>> -> memref<80x16xf32, #tpu.memory_space<vmem>>
      %dma_wait3A_522 = arith.constant 0 : i32
      %dma_wait3A_523 = tpu.memref_slice %arg5[%add3A_515, %dma_wait3A_516, %dma_wait3A_522] : memref<125x1x80xi32, #tpu.memory_space<vmem>> -> memref<1x1x80xi32, #tpu.memory_space<vmem>>
      %dma_wait3A_524 = tpu.memref_squeeze %dma_wait3A_523 : memref<1x1x80xi32, #tpu.memory_space<vmem>> -> memref<80xi32, #tpu.memory_space<vmem>>
      %dma_wait3A_525 = arith.constant 0 : i32
      %dma_wait3A_526 = arith.constant 0 : i32
      %dma_wait3A_527 = tpu.memref_slice %arg2[%dma_wait3A_525, %dma_wait3A_526] : memref<10000x16xf32, #tpu.memory_space<hbm>> -> memref<10000x16xf32, #tpu.memory_space<hbm>>
      tpu.wait_indirect_dma semaphore(%arg7 : memref<!tpu.dma_semaphore, #tpu.memory_space<semaphore_mem>>) src(%dma_wait3A_527 : memref<10000x16xf32, #tpu.memory_space<hbm>>) dst(%dma_wait3A_521 : memref<80x16xf32, #tpu.memory_space<vmem>>)
      %add3A_528 = arith.constant 12 : i32
      %add3A_529 = arith.addi %mul3A_11, %add3A_528 : i32
      %dma_wait3A_530 = arith.constant 0 : i32
      %dma_wait3A_531 = arith.constant 12 : i32
      %dma_wait3A_532 = arith.constant 0 : i32
      %dma_wait3A_533 = arith.constant 0 : i32
      %dma_wait3A_534 = tpu.memref_slice %arg6[%dma_wait3A_531, %dma_wait3A_532, %dma_wait3A_533] : memref<25x80x16xf32, #tpu.memory_space<vmem>> -> memref<1x80x16xf32, #tpu.memory_space<vmem>>
      %dma_wait3A_535 = tpu.memref_squeeze %dma_wait3A_534 : memref<1x80x16xf32, #tpu.memory_space<vmem>> -> memref<80x16xf32, #tpu.memory_space<vmem>>
      %dma_wait3A_536 = arith.constant 0 : i32
      %dma_wait3A_537 = tpu.memref_slice %arg5[%add3A_529, %dma_wait3A_530, %dma_wait3A_536] : memref<125x1x80xi32, #tpu.memory_space<vmem>> -> memref<1x1x80xi32, #tpu.memory_space<vmem>>
      %dma_wait3A_538 = tpu.memref_squeeze %dma_wait3A_537 : memref<1x1x80xi32, #tpu.memory_space<vmem>> -> memref<80xi32, #tpu.memory_space<vmem>>
      %dma_wait3A_539 = arith.constant 0 : i32
      %dma_wait3A_540 = arith.constant 0 : i32
      %dma_wait3A_541 = tpu.memref_slice %arg2[%dma_wait3A_539, %dma_wait3A_540] : memref<10000x16xf32, #tpu.memory_space<hbm>> -> memref<10000x16xf32, #tpu.memory_space<hbm>>
      tpu.wait_indirect_dma semaphore(%arg7 : memref<!tpu.dma_semaphore, #tpu.memory_space<semaphore_mem>>) src(%dma_wait3A_541 : memref<10000x16xf32, #tpu.memory_space<hbm>>) dst(%dma_wait3A_535 : memref<80x16xf32, #tpu.memory_space<vmem>>)
      %add3A_542 = arith.constant 13 : i32
      %add3A_543 = arith.addi %mul3A_11, %add3A_542 : i32
      %dma_wait3A_544 = arith.constant 0 : i32
      %dma_wait3A_545 = arith.constant 13 : i32
      %dma_wait3A_546 = arith.constant 0 : i32
      %dma_wait3A_547 = arith.constant 0 : i32
      %dma_wait3A_548 = tpu.memref_slice %arg6[%dma_wait3A_545, %dma_wait3A_546, %dma_wait3A_547] : memref<25x80x16xf32, #tpu.memory_space<vmem>> -> memref<1x80x16xf32, #tpu.memory_space<vmem>>
      %dma_wait3A_549 = tpu.memref_squeeze %dma_wait3A_548 : memref<1x80x16xf32, #tpu.memory_space<vmem>> -> memref<80x16xf32, #tpu.memory_space<vmem>>
      %dma_wait3A_550 = arith.constant 0 : i32
      %dma_wait3A_551 = tpu.memref_slice %arg5[%add3A_543, %dma_wait3A_544, %dma_wait3A_550] : memref<125x1x80xi32, #tpu.memory_space<vmem>> -> memref<1x1x80xi32, #tpu.memory_space<vmem>>
      %dma_wait3A_552 = tpu.memref_squeeze %dma_wait3A_551 : memref<1x1x80xi32, #tpu.memory_space<vmem>> -> memref<80xi32, #tpu.memory_space<vmem>>
      %dma_wait3A_553 = arith.constant 0 : i32
      %dma_wait3A_554 = arith.constant 0 : i32
      %dma_wait3A_555 = tpu.memref_slice %arg2[%dma_wait3A_553, %dma_wait3A_554] : memref<10000x16xf32, #tpu.memory_space<hbm>> -> memref<10000x16xf32, #tpu.memory_space<hbm>>
      tpu.wait_indirect_dma semaphore(%arg7 : memref<!tpu.dma_semaphore, #tpu.memory_space<semaphore_mem>>) src(%dma_wait3A_555 : memref<10000x16xf32, #tpu.memory_space<hbm>>) dst(%dma_wait3A_549 : memref<80x16xf32, #tpu.memory_space<vmem>>)
      %add3A_556 = arith.constant 14 : i32
      %add3A_557 = arith.addi %mul3A_11, %add3A_556 : i32
      %dma_wait3A_558 = arith.constant 0 : i32
      %dma_wait3A_559 = arith.constant 14 : i32
      %dma_wait3A_560 = arith.constant 0 : i32
      %dma_wait3A_561 = arith.constant 0 : i32
      %dma_wait3A_562 = tpu.memref_slice %arg6[%dma_wait3A_559, %dma_wait3A_560, %dma_wait3A_561] : memref<25x80x16xf32, #tpu.memory_space<vmem>> -> memref<1x80x16xf32, #tpu.memory_space<vmem>>
      %dma_wait3A_563 = tpu.memref_squeeze %dma_wait3A_562 : memref<1x80x16xf32, #tpu.memory_space<vmem>> -> memref<80x16xf32, #tpu.memory_space<vmem>>
      %dma_wait3A_564 = arith.constant 0 : i32
      %dma_wait3A_565 = tpu.memref_slice %arg5[%add3A_557, %dma_wait3A_558, %dma_wait3A_564] : memref<125x1x80xi32, #tpu.memory_space<vmem>> -> memref<1x1x80xi32, #tpu.memory_space<vmem>>
      %dma_wait3A_566 = tpu.memref_squeeze %dma_wait3A_565 : memref<1x1x80xi32, #tpu.memory_space<vmem>> -> memref<80xi32, #tpu.memory_space<vmem>>
      %dma_wait3A_567 = arith.constant 0 : i32
      %dma_wait3A_568 = arith.constant 0 : i32
      %dma_wait3A_569 = tpu.memref_slice %arg2[%dma_wait3A_567, %dma_wait3A_568] : memref<10000x16xf32, #tpu.memory_space<hbm>> -> memref<10000x16xf32, #tpu.memory_space<hbm>>
      tpu.wait_indirect_dma semaphore(%arg7 : memref<!tpu.dma_semaphore, #tpu.memory_space<semaphore_mem>>) src(%dma_wait3A_569 : memref<10000x16xf32, #tpu.memory_space<hbm>>) dst(%dma_wait3A_563 : memref<80x16xf32, #tpu.memory_space<vmem>>)
      %add3A_570 = arith.constant 15 : i32
      %add3A_571 = arith.addi %mul3A_11, %add3A_570 : i32
      %dma_wait3A_572 = arith.constant 0 : i32
      %dma_wait3A_573 = arith.constant 15 : i32
      %dma_wait3A_574 = arith.constant 0 : i32
      %dma_wait3A_575 = arith.constant 0 : i32
      %dma_wait3A_576 = tpu.memref_slice %arg6[%dma_wait3A_573, %dma_wait3A_574, %dma_wait3A_575] : memref<25x80x16xf32, #tpu.memory_space<vmem>> -> memref<1x80x16xf32, #tpu.memory_space<vmem>>
      %dma_wait3A_577 = tpu.memref_squeeze %dma_wait3A_576 : memref<1x80x16xf32, #tpu.memory_space<vmem>> -> memref<80x16xf32, #tpu.memory_space<vmem>>
      %dma_wait3A_578 = arith.constant 0 : i32
      %dma_wait3A_579 = tpu.memref_slice %arg5[%add3A_571, %dma_wait3A_572, %dma_wait3A_578] : memref<125x1x80xi32, #tpu.memory_space<vmem>> -> memref<1x1x80xi32, #tpu.memory_space<vmem>>
      %dma_wait3A_580 = tpu.memref_squeeze %dma_wait3A_579 : memref<1x1x80xi32, #tpu.memory_space<vmem>> -> memref<80xi32, #tpu.memory_space<vmem>>
      %dma_wait3A_581 = arith.constant 0 : i32
      %dma_wait3A_582 = arith.constant 0 : i32
      %dma_wait3A_583 = tpu.memref_slice %arg2[%dma_wait3A_581, %dma_wait3A_582] : memref<10000x16xf32, #tpu.memory_space<hbm>> -> memref<10000x16xf32, #tpu.memory_space<hbm>>
      tpu.wait_indirect_dma semaphore(%arg7 : memref<!tpu.dma_semaphore, #tpu.memory_space<semaphore_mem>>) src(%dma_wait3A_583 : memref<10000x16xf32, #tpu.memory_space<hbm>>) dst(%dma_wait3A_577 : memref<80x16xf32, #tpu.memory_space<vmem>>)
      %add3A_584 = arith.constant 16 : i32
      %add3A_585 = arith.addi %mul3A_11, %add3A_584 : i32
      %dma_wait3A_586 = arith.constant 0 : i32
      %dma_wait3A_587 = arith.constant 16 : i32
      %dma_wait3A_588 = arith.constant 0 : i32
      %dma_wait3A_589 = arith.constant 0 : i32
      %dma_wait3A_590 = tpu.memref_slice %arg6[%dma_wait3A_587, %dma_wait3A_588, %dma_wait3A_589] : memref<25x80x16xf32, #tpu.memory_space<vmem>> -> memref<1x80x16xf32, #tpu.memory_space<vmem>>
      %dma_wait3A_591 = tpu.memref_squeeze %dma_wait3A_590 : memref<1x80x16xf32, #tpu.memory_space<vmem>> -> memref<80x16xf32, #tpu.memory_space<vmem>>
      %dma_wait3A_592 = arith.constant 0 : i32
      %dma_wait3A_593 = tpu.memref_slice %arg5[%add3A_585, %dma_wait3A_586, %dma_wait3A_592] : memref<125x1x80xi32, #tpu.memory_space<vmem>> -> memref<1x1x80xi32, #tpu.memory_space<vmem>>
      %dma_wait3A_594 = tpu.memref_squeeze %dma_wait3A_593 : memref<1x1x80xi32, #tpu.memory_space<vmem>> -> memref<80xi32, #tpu.memory_space<vmem>>
      %dma_wait3A_595 = arith.constant 0 : i32
      %dma_wait3A_596 = arith.constant 0 : i32
      %dma_wait3A_597 = tpu.memref_slice %arg2[%dma_wait3A_595, %dma_wait3A_596] : memref<10000x16xf32, #tpu.memory_space<hbm>> -> memref<10000x16xf32, #tpu.memory_space<hbm>>
      tpu.wait_indirect_dma semaphore(%arg7 : memref<!tpu.dma_semaphore, #tpu.memory_space<semaphore_mem>>) src(%dma_wait3A_597 : memref<10000x16xf32, #tpu.memory_space<hbm>>) dst(%dma_wait3A_591 : memref<80x16xf32, #tpu.memory_space<vmem>>)
      %add3A_598 = arith.constant 17 : i32
      %add3A_599 = arith.addi %mul3A_11, %add3A_598 : i32
      %dma_wait3A_600 = arith.constant 0 : i32
      %dma_wait3A_601 = arith.constant 17 : i32
      %dma_wait3A_602 = arith.constant 0 : i32
      %dma_wait3A_603 = arith.constant 0 : i32
      %dma_wait3A_604 = tpu.memref_slice %arg6[%dma_wait3A_601, %dma_wait3A_602, %dma_wait3A_603] : memref<25x80x16xf32, #tpu.memory_space<vmem>> -> memref<1x80x16xf32, #tpu.memory_space<vmem>>
      %dma_wait3A_605 = tpu.memref_squeeze %dma_wait3A_604 : memref<1x80x16xf32, #tpu.memory_space<vmem>> -> memref<80x16xf32, #tpu.memory_space<vmem>>
      %dma_wait3A_606 = arith.constant 0 : i32
      %dma_wait3A_607 = tpu.memref_slice %arg5[%add3A_599, %dma_wait3A_600, %dma_wait3A_606] : memref<125x1x80xi32, #tpu.memory_space<vmem>> -> memref<1x1x80xi32, #tpu.memory_space<vmem>>
      %dma_wait3A_608 = tpu.memref_squeeze %dma_wait3A_607 : memref<1x1x80xi32, #tpu.memory_space<vmem>> -> memref<80xi32, #tpu.memory_space<vmem>>
      %dma_wait3A_609 = arith.constant 0 : i32
      %dma_wait3A_610 = arith.constant 0 : i32
      %dma_wait3A_611 = tpu.memref_slice %arg2[%dma_wait3A_609, %dma_wait3A_610] : memref<10000x16xf32, #tpu.memory_space<hbm>> -> memref<10000x16xf32, #tpu.memory_space<hbm>>
      tpu.wait_indirect_dma semaphore(%arg7 : memref<!tpu.dma_semaphore, #tpu.memory_space<semaphore_mem>>) src(%dma_wait3A_611 : memref<10000x16xf32, #tpu.memory_space<hbm>>) dst(%dma_wait3A_605 : memref<80x16xf32, #tpu.memory_space<vmem>>)
      %add3A_612 = arith.constant 18 : i32
      %add3A_613 = arith.addi %mul3A_11, %add3A_612 : i32
      %dma_wait3A_614 = arith.constant 0 : i32
      %dma_wait3A_615 = arith.constant 18 : i32
      %dma_wait3A_616 = arith.constant 0 : i32
      %dma_wait3A_617 = arith.constant 0 : i32
      %dma_wait3A_618 = tpu.memref_slice %arg6[%dma_wait3A_615, %dma_wait3A_616, %dma_wait3A_617] : memref<25x80x16xf32, #tpu.memory_space<vmem>> -> memref<1x80x16xf32, #tpu.memory_space<vmem>>
      %dma_wait3A_619 = tpu.memref_squeeze %dma_wait3A_618 : memref<1x80x16xf32, #tpu.memory_space<vmem>> -> memref<80x16xf32, #tpu.memory_space<vmem>>
      %dma_wait3A_620 = arith.constant 0 : i32
      %dma_wait3A_621 = tpu.memref_slice %arg5[%add3A_613, %dma_wait3A_614, %dma_wait3A_620] : memref<125x1x80xi32, #tpu.memory_space<vmem>> -> memref<1x1x80xi32, #tpu.memory_space<vmem>>
      %dma_wait3A_622 = tpu.memref_squeeze %dma_wait3A_621 : memref<1x1x80xi32, #tpu.memory_space<vmem>> -> memref<80xi32, #tpu.memory_space<vmem>>
      %dma_wait3A_623 = arith.constant 0 : i32
      %dma_wait3A_624 = arith.constant 0 : i32
      %dma_wait3A_625 = tpu.memref_slice %arg2[%dma_wait3A_623, %dma_wait3A_624] : memref<10000x16xf32, #tpu.memory_space<hbm>> -> memref<10000x16xf32, #tpu.memory_space<hbm>>
      tpu.wait_indirect_dma semaphore(%arg7 : memref<!tpu.dma_semaphore, #tpu.memory_space<semaphore_mem>>) src(%dma_wait3A_625 : memref<10000x16xf32, #tpu.memory_space<hbm>>) dst(%dma_wait3A_619 : memref<80x16xf32, #tpu.memory_space<vmem>>)
      %add3A_626 = arith.constant 19 : i32
      %add3A_627 = arith.addi %mul3A_11, %add3A_626 : i32
      %dma_wait3A_628 = arith.constant 0 : i32
      %dma_wait3A_629 = arith.constant 19 : i32
      %dma_wait3A_630 = arith.constant 0 : i32
      %dma_wait3A_631 = arith.constant 0 : i32
      %dma_wait3A_632 = tpu.memref_slice %arg6[%dma_wait3A_629, %dma_wait3A_630, %dma_wait3A_631] : memref<25x80x16xf32, #tpu.memory_space<vmem>> -> memref<1x80x16xf32, #tpu.memory_space<vmem>>
      %dma_wait3A_633 = tpu.memref_squeeze %dma_wait3A_632 : memref<1x80x16xf32, #tpu.memory_space<vmem>> -> memref<80x16xf32, #tpu.memory_space<vmem>>
      %dma_wait3A_634 = arith.constant 0 : i32
      %dma_wait3A_635 = tpu.memref_slice %arg5[%add3A_627, %dma_wait3A_628, %dma_wait3A_634] : memref<125x1x80xi32, #tpu.memory_space<vmem>> -> memref<1x1x80xi32, #tpu.memory_space<vmem>>
      %dma_wait3A_636 = tpu.memref_squeeze %dma_wait3A_635 : memref<1x1x80xi32, #tpu.memory_space<vmem>> -> memref<80xi32, #tpu.memory_space<vmem>>
      %dma_wait3A_637 = arith.constant 0 : i32
      %dma_wait3A_638 = arith.constant 0 : i32
      %dma_wait3A_639 = tpu.memref_slice %arg2[%dma_wait3A_637, %dma_wait3A_638] : memref<10000x16xf32, #tpu.memory_space<hbm>> -> memref<10000x16xf32, #tpu.memory_space<hbm>>
      tpu.wait_indirect_dma semaphore(%arg7 : memref<!tpu.dma_semaphore, #tpu.memory_space<semaphore_mem>>) src(%dma_wait3A_639 : memref<10000x16xf32, #tpu.memory_space<hbm>>) dst(%dma_wait3A_633 : memref<80x16xf32, #tpu.memory_space<vmem>>)
      %add3A_640 = arith.constant 20 : i32
      %add3A_641 = arith.addi %mul3A_11, %add3A_640 : i32
      %dma_wait3A_642 = arith.constant 0 : i32
      %dma_wait3A_643 = arith.constant 20 : i32
      %dma_wait3A_644 = arith.constant 0 : i32
      %dma_wait3A_645 = arith.constant 0 : i32
      %dma_wait3A_646 = tpu.memref_slice %arg6[%dma_wait3A_643, %dma_wait3A_644, %dma_wait3A_645] : memref<25x80x16xf32, #tpu.memory_space<vmem>> -> memref<1x80x16xf32, #tpu.memory_space<vmem>>
      %dma_wait3A_647 = tpu.memref_squeeze %dma_wait3A_646 : memref<1x80x16xf32, #tpu.memory_space<vmem>> -> memref<80x16xf32, #tpu.memory_space<vmem>>
      %dma_wait3A_648 = arith.constant 0 : i32
      %dma_wait3A_649 = tpu.memref_slice %arg5[%add3A_641, %dma_wait3A_642, %dma_wait3A_648] : memref<125x1x80xi32, #tpu.memory_space<vmem>> -> memref<1x1x80xi32, #tpu.memory_space<vmem>>
      %dma_wait3A_650 = tpu.memref_squeeze %dma_wait3A_649 : memref<1x1x80xi32, #tpu.memory_space<vmem>> -> memref<80xi32, #tpu.memory_space<vmem>>
      %dma_wait3A_651 = arith.constant 0 : i32
      %dma_wait3A_652 = arith.constant 0 : i32
      %dma_wait3A_653 = tpu.memref_slice %arg2[%dma_wait3A_651, %dma_wait3A_652] : memref<10000x16xf32, #tpu.memory_space<hbm>> -> memref<10000x16xf32, #tpu.memory_space<hbm>>
      tpu.wait_indirect_dma semaphore(%arg7 : memref<!tpu.dma_semaphore, #tpu.memory_space<semaphore_mem>>) src(%dma_wait3A_653 : memref<10000x16xf32, #tpu.memory_space<hbm>>) dst(%dma_wait3A_647 : memref<80x16xf32, #tpu.memory_space<vmem>>)
      %add3A_654 = arith.constant 21 : i32
      %add3A_655 = arith.addi %mul3A_11, %add3A_654 : i32
      %dma_wait3A_656 = arith.constant 0 : i32
      %dma_wait3A_657 = arith.constant 21 : i32
      %dma_wait3A_658 = arith.constant 0 : i32
      %dma_wait3A_659 = arith.constant 0 : i32
      %dma_wait3A_660 = tpu.memref_slice %arg6[%dma_wait3A_657, %dma_wait3A_658, %dma_wait3A_659] : memref<25x80x16xf32, #tpu.memory_space<vmem>> -> memref<1x80x16xf32, #tpu.memory_space<vmem>>
      %dma_wait3A_661 = tpu.memref_squeeze %dma_wait3A_660 : memref<1x80x16xf32, #tpu.memory_space<vmem>> -> memref<80x16xf32, #tpu.memory_space<vmem>>
      %dma_wait3A_662 = arith.constant 0 : i32
      %dma_wait3A_663 = tpu.memref_slice %arg5[%add3A_655, %dma_wait3A_656, %dma_wait3A_662] : memref<125x1x80xi32, #tpu.memory_space<vmem>> -> memref<1x1x80xi32, #tpu.memory_space<vmem>>
      %dma_wait3A_664 = tpu.memref_squeeze %dma_wait3A_663 : memref<1x1x80xi32, #tpu.memory_space<vmem>> -> memref<80xi32, #tpu.memory_space<vmem>>
      %dma_wait3A_665 = arith.constant 0 : i32
      %dma_wait3A_666 = arith.constant 0 : i32
      %dma_wait3A_667 = tpu.memref_slice %arg2[%dma_wait3A_665, %dma_wait3A_666] : memref<10000x16xf32, #tpu.memory_space<hbm>> -> memref<10000x16xf32, #tpu.memory_space<hbm>>
      tpu.wait_indirect_dma semaphore(%arg7 : memref<!tpu.dma_semaphore, #tpu.memory_space<semaphore_mem>>) src(%dma_wait3A_667 : memref<10000x16xf32, #tpu.memory_space<hbm>>) dst(%dma_wait3A_661 : memref<80x16xf32, #tpu.memory_space<vmem>>)
      %add3A_668 = arith.constant 22 : i32
      %add3A_669 = arith.addi %mul3A_11, %add3A_668 : i32
      %dma_wait3A_670 = arith.constant 0 : i32
      %dma_wait3A_671 = arith.constant 22 : i32
      %dma_wait3A_672 = arith.constant 0 : i32
      %dma_wait3A_673 = arith.constant 0 : i32
      %dma_wait3A_674 = tpu.memref_slice %arg6[%dma_wait3A_671, %dma_wait3A_672, %dma_wait3A_673] : memref<25x80x16xf32, #tpu.memory_space<vmem>> -> memref<1x80x16xf32, #tpu.memory_space<vmem>>
      %dma_wait3A_675 = tpu.memref_squeeze %dma_wait3A_674 : memref<1x80x16xf32, #tpu.memory_space<vmem>> -> memref<80x16xf32, #tpu.memory_space<vmem>>
      %dma_wait3A_676 = arith.constant 0 : i32
      %dma_wait3A_677 = tpu.memref_slice %arg5[%add3A_669, %dma_wait3A_670, %dma_wait3A_676] : memref<125x1x80xi32, #tpu.memory_space<vmem>> -> memref<1x1x80xi32, #tpu.memory_space<vmem>>
      %dma_wait3A_678 = tpu.memref_squeeze %dma_wait3A_677 : memref<1x1x80xi32, #tpu.memory_space<vmem>> -> memref<80xi32, #tpu.memory_space<vmem>>
      %dma_wait3A_679 = arith.constant 0 : i32
      %dma_wait3A_680 = arith.constant 0 : i32
      %dma_wait3A_681 = tpu.memref_slice %arg2[%dma_wait3A_679, %dma_wait3A_680] : memref<10000x16xf32, #tpu.memory_space<hbm>> -> memref<10000x16xf32, #tpu.memory_space<hbm>>
      tpu.wait_indirect_dma semaphore(%arg7 : memref<!tpu.dma_semaphore, #tpu.memory_space<semaphore_mem>>) src(%dma_wait3A_681 : memref<10000x16xf32, #tpu.memory_space<hbm>>) dst(%dma_wait3A_675 : memref<80x16xf32, #tpu.memory_space<vmem>>)
      %add3A_682 = arith.constant 23 : i32
      %add3A_683 = arith.addi %mul3A_11, %add3A_682 : i32
      %dma_wait3A_684 = arith.constant 0 : i32
      %dma_wait3A_685 = arith.constant 23 : i32
      %dma_wait3A_686 = arith.constant 0 : i32
      %dma_wait3A_687 = arith.constant 0 : i32
      %dma_wait3A_688 = tpu.memref_slice %arg6[%dma_wait3A_685, %dma_wait3A_686, %dma_wait3A_687] : memref<25x80x16xf32, #tpu.memory_space<vmem>> -> memref<1x80x16xf32, #tpu.memory_space<vmem>>
      %dma_wait3A_689 = tpu.memref_squeeze %dma_wait3A_688 : memref<1x80x16xf32, #tpu.memory_space<vmem>> -> memref<80x16xf32, #tpu.memory_space<vmem>>
      %dma_wait3A_690 = arith.constant 0 : i32
      %dma_wait3A_691 = tpu.memref_slice %arg5[%add3A_683, %dma_wait3A_684, %dma_wait3A_690] : memref<125x1x80xi32, #tpu.memory_space<vmem>> -> memref<1x1x80xi32, #tpu.memory_space<vmem>>
      %dma_wait3A_692 = tpu.memref_squeeze %dma_wait3A_691 : memref<1x1x80xi32, #tpu.memory_space<vmem>> -> memref<80xi32, #tpu.memory_space<vmem>>
      %dma_wait3A_693 = arith.constant 0 : i32
      %dma_wait3A_694 = arith.constant 0 : i32
      %dma_wait3A_695 = tpu.memref_slice %arg2[%dma_wait3A_693, %dma_wait3A_694] : memref<10000x16xf32, #tpu.memory_space<hbm>> -> memref<10000x16xf32, #tpu.memory_space<hbm>>
      tpu.wait_indirect_dma semaphore(%arg7 : memref<!tpu.dma_semaphore, #tpu.memory_space<semaphore_mem>>) src(%dma_wait3A_695 : memref<10000x16xf32, #tpu.memory_space<hbm>>) dst(%dma_wait3A_689 : memref<80x16xf32, #tpu.memory_space<vmem>>)
      %add3A_696 = arith.constant 24 : i32
      %add3A_697 = arith.addi %mul3A_11, %add3A_696 : i32
      %dma_wait3A_698 = arith.constant 0 : i32
      %dma_wait3A_699 = arith.constant 24 : i32
      %dma_wait3A_700 = arith.constant 0 : i32
      %dma_wait3A_701 = arith.constant 0 : i32
      %dma_wait3A_702 = tpu.memref_slice %arg6[%dma_wait3A_699, %dma_wait3A_700, %dma_wait3A_701] : memref<25x80x16xf32, #tpu.memory_space<vmem>> -> memref<1x80x16xf32, #tpu.memory_space<vmem>>
      %dma_wait3A_703 = tpu.memref_squeeze %dma_wait3A_702 : memref<1x80x16xf32, #tpu.memory_space<vmem>> -> memref<80x16xf32, #tpu.memory_space<vmem>>
      %dma_wait3A_704 = arith.constant 0 : i32
      %dma_wait3A_705 = tpu.memref_slice %arg5[%add3A_697, %dma_wait3A_698, %dma_wait3A_704] : memref<125x1x80xi32, #tpu.memory_space<vmem>> -> memref<1x1x80xi32, #tpu.memory_space<vmem>>
      %dma_wait3A_706 = tpu.memref_squeeze %dma_wait3A_705 : memref<1x1x80xi32, #tpu.memory_space<vmem>> -> memref<80xi32, #tpu.memory_space<vmem>>
      %dma_wait3A_707 = arith.constant 0 : i32
      %dma_wait3A_708 = arith.constant 0 : i32
      %dma_wait3A_709 = tpu.memref_slice %arg2[%dma_wait3A_707, %dma_wait3A_708] : memref<10000x16xf32, #tpu.memory_space<hbm>> -> memref<10000x16xf32, #tpu.memory_space<hbm>>
      tpu.wait_indirect_dma semaphore(%arg7 : memref<!tpu.dma_semaphore, #tpu.memory_space<semaphore_mem>>) src(%dma_wait3A_709 : memref<10000x16xf32, #tpu.memory_space<hbm>>) dst(%dma_wait3A_703 : memref<80x16xf32, #tpu.memory_space<vmem>>)
      %add3A_710 = arith.constant 0 : i32
      %add3A_711 = arith.addi %mul3A_11, %add3A_710 : i32
      %mul3A_712 = arith.constant 80 : i32
      %mul3A_713 = arith.muli %add3A_711, %mul3A_712 : i32
      %dma_start3A_714 = arith.constant 0 : i32
      %dma_start3A_715 = arith.constant 0 : i32
      %dma_start3A_716 = arith.constant 0 : i32
      %dma_start3A_717 = tpu.memref_slice %arg6[%dma_start3A_714, %dma_start3A_715, %dma_start3A_716] : memref<25x80x16xf32, #tpu.memory_space<vmem>> -> memref<1x80x16xf32, #tpu.memory_space<vmem>>
      %dma_start3A_718 = tpu.memref_squeeze %dma_start3A_717 : memref<1x80x16xf32, #tpu.memory_space<vmem>> -> memref<80x16xf32, #tpu.memory_space<vmem>>
      %dma_start3A_719 = arith.constant 0 : i32
      %dma_start3A_720 = arith.constant 0 : i32
      %dma_start3A_721 = tpu.memref_slice %arg4[%add3A, %dma_start3A_719, %dma_start3A_720] : memref<32x10000x16xf32, #tpu.memory_space<hbm>> -> memref<1x10000x16xf32, #tpu.memory_space<hbm>>
      %dma_start3A_722 = tpu.memref_squeeze %dma_start3A_721 : memref<1x10000x16xf32, #tpu.memory_space<hbm>> -> memref<10000x16xf32, #tpu.memory_space<hbm>>
      %dma_start3A_723 = arith.constant 0 : i32
      %dma_start3A_724 = tpu.memref_slice %dma_start3A_722[%mul3A_713, %dma_start3A_723] : memref<10000x16xf32, #tpu.memory_space<hbm>> -> memref<80x16xf32, #tpu.memory_space<hbm>>
      %dma_start3A_725 = arith.constant 0 : i32
      %dma_start3A_726 = arith.constant 0 : i32
      %dma_start3A_727 = tpu.memref_slice %arg4[%add3A, %dma_start3A_725, %dma_start3A_726] : memref<32x10000x16xf32, #tpu.memory_space<hbm>> -> memref<1x10000x16xf32, #tpu.memory_space<hbm>>
      %dma_start3A_728 = tpu.memref_squeeze %dma_start3A_727 : memref<1x10000x16xf32, #tpu.memory_space<hbm>> -> memref<10000x16xf32, #tpu.memory_space<hbm>>
      %dma_start3A_729 = arith.constant 0 : i32
      %dma_start3A_730 = tpu.memref_slice %dma_start3A_728[%mul3A_713, %dma_start3A_729] : memref<10000x16xf32, #tpu.memory_space<hbm>> -> memref<80x16xf32, #tpu.memory_space<hbm>>
      %dma_start3A_731 = arith.constant 0 : i32
      %dma_start3A_732 = arith.constant 0 : i32
      %dma_start3A_733 = tpu.memref_slice %arg6[%dma_start3A_714, %dma_start3A_731, %dma_start3A_732] : memref<25x80x16xf32, #tpu.memory_space<vmem>> -> memref<1x80x16xf32, #tpu.memory_space<vmem>>
      %dma_start3A_734 = tpu.memref_squeeze %dma_start3A_733 : memref<1x80x16xf32, #tpu.memory_space<vmem>> -> memref<80x16xf32, #tpu.memory_space<vmem>>
      tpu.enqueue_dma source(%dma_start3A_734 : memref<80x16xf32, #tpu.memory_space<vmem>>) target(%dma_start3A_730 : memref<80x16xf32, #tpu.memory_space<hbm>>) target_semaphore(%arg8 : memref<!tpu.dma_semaphore, #tpu.memory_space<semaphore_mem>>)
      %add3A_735 = arith.constant 1 : i32
      %add3A_736 = arith.addi %mul3A_11, %add3A_735 : i32
      %mul3A_737 = arith.constant 80 : i32
      %mul3A_738 = arith.muli %add3A_736, %mul3A_737 : i32
      %dma_start3A_739 = arith.constant 1 : i32
      %dma_start3A_740 = arith.constant 0 : i32
      %dma_start3A_741 = arith.constant 0 : i32
      %dma_start3A_742 = tpu.memref_slice %arg6[%dma_start3A_739, %dma_start3A_740, %dma_start3A_741] : memref<25x80x16xf32, #tpu.memory_space<vmem>> -> memref<1x80x16xf32, #tpu.memory_space<vmem>>
      %dma_start3A_743 = tpu.memref_squeeze %dma_start3A_742 : memref<1x80x16xf32, #tpu.memory_space<vmem>> -> memref<80x16xf32, #tpu.memory_space<vmem>>
      %dma_start3A_744 = arith.constant 0 : i32
      %dma_start3A_745 = arith.constant 0 : i32
      %dma_start3A_746 = tpu.memref_slice %arg4[%add3A, %dma_start3A_744, %dma_start3A_745] : memref<32x10000x16xf32, #tpu.memory_space<hbm>> -> memref<1x10000x16xf32, #tpu.memory_space<hbm>>
      %dma_start3A_747 = tpu.memref_squeeze %dma_start3A_746 : memref<1x10000x16xf32, #tpu.memory_space<hbm>> -> memref<10000x16xf32, #tpu.memory_space<hbm>>
      %dma_start3A_748 = arith.constant 0 : i32
      %dma_start3A_749 = tpu.memref_slice %dma_start3A_747[%mul3A_738, %dma_start3A_748] : memref<10000x16xf32, #tpu.memory_space<hbm>> -> memref<80x16xf32, #tpu.memory_space<hbm>>
      %dma_start3A_750 = arith.constant 0 : i32
      %dma_start3A_751 = arith.constant 0 : i32
      %dma_start3A_752 = tpu.memref_slice %arg4[%add3A, %dma_start3A_750, %dma_start3A_751] : memref<32x10000x16xf32, #tpu.memory_space<hbm>> -> memref<1x10000x16xf32, #tpu.memory_space<hbm>>
      %dma_start3A_753 = tpu.memref_squeeze %dma_start3A_752 : memref<1x10000x16xf32, #tpu.memory_space<hbm>> -> memref<10000x16xf32, #tpu.memory_space<hbm>>
      %dma_start3A_754 = arith.constant 0 : i32
      %dma_start3A_755 = tpu.memref_slice %dma_start3A_753[%mul3A_738, %dma_start3A_754] : memref<10000x16xf32, #tpu.memory_space<hbm>> -> memref<80x16xf32, #tpu.memory_space<hbm>>
      %dma_start3A_756 = arith.constant 0 : i32
      %dma_start3A_757 = arith.constant 0 : i32
      %dma_start3A_758 = tpu.memref_slice %arg6[%dma_start3A_739, %dma_start3A_756, %dma_start3A_757] : memref<25x80x16xf32, #tpu.memory_space<vmem>> -> memref<1x80x16xf32, #tpu.memory_space<vmem>>
      %dma_start3A_759 = tpu.memref_squeeze %dma_start3A_758 : memref<1x80x16xf32, #tpu.memory_space<vmem>> -> memref<80x16xf32, #tpu.memory_space<vmem>>
      tpu.enqueue_dma source(%dma_start3A_759 : memref<80x16xf32, #tpu.memory_space<vmem>>) target(%dma_start3A_755 : memref<80x16xf32, #tpu.memory_space<hbm>>) target_semaphore(%arg8 : memref<!tpu.dma_semaphore, #tpu.memory_space<semaphore_mem>>)
      %add3A_760 = arith.constant 2 : i32
      %add3A_761 = arith.addi %mul3A_11, %add3A_760 : i32
      %mul3A_762 = arith.constant 80 : i32
      %mul3A_763 = arith.muli %add3A_761, %mul3A_762 : i32
      %dma_start3A_764 = arith.constant 2 : i32
      %dma_start3A_765 = arith.constant 0 : i32
      %dma_start3A_766 = arith.constant 0 : i32
      %dma_start3A_767 = tpu.memref_slice %arg6[%dma_start3A_764, %dma_start3A_765, %dma_start3A_766] : memref<25x80x16xf32, #tpu.memory_space<vmem>> -> memref<1x80x16xf32, #tpu.memory_space<vmem>>
      %dma_start3A_768 = tpu.memref_squeeze %dma_start3A_767 : memref<1x80x16xf32, #tpu.memory_space<vmem>> -> memref<80x16xf32, #tpu.memory_space<vmem>>
      %dma_start3A_769 = arith.constant 0 : i32
      %dma_start3A_770 = arith.constant 0 : i32
      %dma_start3A_771 = tpu.memref_slice %arg4[%add3A, %dma_start3A_769, %dma_start3A_770] : memref<32x10000x16xf32, #tpu.memory_space<hbm>> -> memref<1x10000x16xf32, #tpu.memory_space<hbm>>
      %dma_start3A_772 = tpu.memref_squeeze %dma_start3A_771 : memref<1x10000x16xf32, #tpu.memory_space<hbm>> -> memref<10000x16xf32, #tpu.memory_space<hbm>>
      %dma_start3A_773 = arith.constant 0 : i32
      %dma_start3A_774 = tpu.memref_slice %dma_start3A_772[%mul3A_763, %dma_start3A_773] : memref<10000x16xf32, #tpu.memory_space<hbm>> -> memref<80x16xf32, #tpu.memory_space<hbm>>
      %dma_start3A_775 = arith.constant 0 : i32
      %dma_start3A_776 = arith.constant 0 : i32
      %dma_start3A_777 = tpu.memref_slice %arg4[%add3A, %dma_start3A_775, %dma_start3A_776] : memref<32x10000x16xf32, #tpu.memory_space<hbm>> -> memref<1x10000x16xf32, #tpu.memory_space<hbm>>
      %dma_start3A_778 = tpu.memref_squeeze %dma_start3A_777 : memref<1x10000x16xf32, #tpu.memory_space<hbm>> -> memref<10000x16xf32, #tpu.memory_space<hbm>>
      %dma_start3A_779 = arith.constant 0 : i32
      %dma_start3A_780 = tpu.memref_slice %dma_start3A_778[%mul3A_763, %dma_start3A_779] : memref<10000x16xf32, #tpu.memory_space<hbm>> -> memref<80x16xf32, #tpu.memory_space<hbm>>
      %dma_start3A_781 = arith.constant 0 : i32
      %dma_start3A_782 = arith.constant 0 : i32
      %dma_start3A_783 = tpu.memref_slice %arg6[%dma_start3A_764, %dma_start3A_781, %dma_start3A_782] : memref<25x80x16xf32, #tpu.memory_space<vmem>> -> memref<1x80x16xf32, #tpu.memory_space<vmem>>
      %dma_start3A_784 = tpu.memref_squeeze %dma_start3A_783 : memref<1x80x16xf32, #tpu.memory_space<vmem>> -> memref<80x16xf32, #tpu.memory_space<vmem>>
      tpu.enqueue_dma source(%dma_start3A_784 : memref<80x16xf32, #tpu.memory_space<vmem>>) target(%dma_start3A_780 : memref<80x16xf32, #tpu.memory_space<hbm>>) target_semaphore(%arg8 : memref<!tpu.dma_semaphore, #tpu.memory_space<semaphore_mem>>)
      %add3A_785 = arith.constant 3 : i32
      %add3A_786 = arith.addi %mul3A_11, %add3A_785 : i32
      %mul3A_787 = arith.constant 80 : i32
      %mul3A_788 = arith.muli %add3A_786, %mul3A_787 : i32
      %dma_start3A_789 = arith.constant 3 : i32
      %dma_start3A_790 = arith.constant 0 : i32
      %dma_start3A_791 = arith.constant 0 : i32
      %dma_start3A_792 = tpu.memref_slice %arg6[%dma_start3A_789, %dma_start3A_790, %dma_start3A_791] : memref<25x80x16xf32, #tpu.memory_space<vmem>> -> memref<1x80x16xf32, #tpu.memory_space<vmem>>
      %dma_start3A_793 = tpu.memref_squeeze %dma_start3A_792 : memref<1x80x16xf32, #tpu.memory_space<vmem>> -> memref<80x16xf32, #tpu.memory_space<vmem>>
      %dma_start3A_794 = arith.constant 0 : i32
      %dma_start3A_795 = arith.constant 0 : i32
      %dma_start3A_796 = tpu.memref_slice %arg4[%add3A, %dma_start3A_794, %dma_start3A_795] : memref<32x10000x16xf32, #tpu.memory_space<hbm>> -> memref<1x10000x16xf32, #tpu.memory_space<hbm>>
      %dma_start3A_797 = tpu.memref_squeeze %dma_start3A_796 : memref<1x10000x16xf32, #tpu.memory_space<hbm>> -> memref<10000x16xf32, #tpu.memory_space<hbm>>
      %dma_start3A_798 = arith.constant 0 : i32
      %dma_start3A_799 = tpu.memref_slice %dma_start3A_797[%mul3A_788, %dma_start3A_798] : memref<10000x16xf32, #tpu.memory_space<hbm>> -> memref<80x16xf32, #tpu.memory_space<hbm>>
      %dma_start3A_800 = arith.constant 0 : i32
      %dma_start3A_801 = arith.constant 0 : i32
      %dma_start3A_802 = tpu.memref_slice %arg4[%add3A, %dma_start3A_800, %dma_start3A_801] : memref<32x10000x16xf32, #tpu.memory_space<hbm>> -> memref<1x10000x16xf32, #tpu.memory_space<hbm>>
      %dma_start3A_803 = tpu.memref_squeeze %dma_start3A_802 : memref<1x10000x16xf32, #tpu.memory_space<hbm>> -> memref<10000x16xf32, #tpu.memory_space<hbm>>
      %dma_start3A_804 = arith.constant 0 : i32
      %dma_start3A_805 = tpu.memref_slice %dma_start3A_803[%mul3A_788, %dma_start3A_804] : memref<10000x16xf32, #tpu.memory_space<hbm>> -> memref<80x16xf32, #tpu.memory_space<hbm>>
      %dma_start3A_806 = arith.constant 0 : i32
      %dma_start3A_807 = arith.constant 0 : i32
      %dma_start3A_808 = tpu.memref_slice %arg6[%dma_start3A_789, %dma_start3A_806, %dma_start3A_807] : memref<25x80x16xf32, #tpu.memory_space<vmem>> -> memref<1x80x16xf32, #tpu.memory_space<vmem>>
      %dma_start3A_809 = tpu.memref_squeeze %dma_start3A_808 : memref<1x80x16xf32, #tpu.memory_space<vmem>> -> memref<80x16xf32, #tpu.memory_space<vmem>>
      tpu.enqueue_dma source(%dma_start3A_809 : memref<80x16xf32, #tpu.memory_space<vmem>>) target(%dma_start3A_805 : memref<80x16xf32, #tpu.memory_space<hbm>>) target_semaphore(%arg8 : memref<!tpu.dma_semaphore, #tpu.memory_space<semaphore_mem>>)
      %add3A_810 = arith.constant 4 : i32
      %add3A_811 = arith.addi %mul3A_11, %add3A_810 : i32
      %mul3A_812 = arith.constant 80 : i32
      %mul3A_813 = arith.muli %add3A_811, %mul3A_812 : i32
      %dma_start3A_814 = arith.constant 4 : i32
      %dma_start3A_815 = arith.constant 0 : i32
      %dma_start3A_816 = arith.constant 0 : i32
      %dma_start3A_817 = tpu.memref_slice %arg6[%dma_start3A_814, %dma_start3A_815, %dma_start3A_816] : memref<25x80x16xf32, #tpu.memory_space<vmem>> -> memref<1x80x16xf32, #tpu.memory_space<vmem>>
      %dma_start3A_818 = tpu.memref_squeeze %dma_start3A_817 : memref<1x80x16xf32, #tpu.memory_space<vmem>> -> memref<80x16xf32, #tpu.memory_space<vmem>>
      %dma_start3A_819 = arith.constant 0 : i32
      %dma_start3A_820 = arith.constant 0 : i32
      %dma_start3A_821 = tpu.memref_slice %arg4[%add3A, %dma_start3A_819, %dma_start3A_820] : memref<32x10000x16xf32, #tpu.memory_space<hbm>> -> memref<1x10000x16xf32, #tpu.memory_space<hbm>>
      %dma_start3A_822 = tpu.memref_squeeze %dma_start3A_821 : memref<1x10000x16xf32, #tpu.memory_space<hbm>> -> memref<10000x16xf32, #tpu.memory_space<hbm>>
      %dma_start3A_823 = arith.constant 0 : i32
      %dma_start3A_824 = tpu.memref_slice %dma_start3A_822[%mul3A_813, %dma_start3A_823] : memref<10000x16xf32, #tpu.memory_space<hbm>> -> memref<80x16xf32, #tpu.memory_space<hbm>>
      %dma_start3A_825 = arith.constant 0 : i32
      %dma_start3A_826 = arith.constant 0 : i32
      %dma_start3A_827 = tpu.memref_slice %arg4[%add3A, %dma_start3A_825, %dma_start3A_826] : memref<32x10000x16xf32, #tpu.memory_space<hbm>> -> memref<1x10000x16xf32, #tpu.memory_space<hbm>>
      %dma_start3A_828 = tpu.memref_squeeze %dma_start3A_827 : memref<1x10000x16xf32, #tpu.memory_space<hbm>> -> memref<10000x16xf32, #tpu.memory_space<hbm>>
      %dma_start3A_829 = arith.constant 0 : i32
      %dma_start3A_830 = tpu.memref_slice %dma_start3A_828[%mul3A_813, %dma_start3A_829] : memref<10000x16xf32, #tpu.memory_space<hbm>> -> memref<80x16xf32, #tpu.memory_space<hbm>>
      %dma_start3A_831 = arith.constant 0 : i32
      %dma_start3A_832 = arith.constant 0 : i32
      %dma_start3A_833 = tpu.memref_slice %arg6[%dma_start3A_814, %dma_start3A_831, %dma_start3A_832] : memref<25x80x16xf32, #tpu.memory_space<vmem>> -> memref<1x80x16xf32, #tpu.memory_space<vmem>>
      %dma_start3A_834 = tpu.memref_squeeze %dma_start3A_833 : memref<1x80x16xf32, #tpu.memory_space<vmem>> -> memref<80x16xf32, #tpu.memory_space<vmem>>
      tpu.enqueue_dma source(%dma_start3A_834 : memref<80x16xf32, #tpu.memory_space<vmem>>) target(%dma_start3A_830 : memref<80x16xf32, #tpu.memory_space<hbm>>) target_semaphore(%arg8 : memref<!tpu.dma_semaphore, #tpu.memory_space<semaphore_mem>>)
      %add3A_835 = arith.constant 5 : i32
      %add3A_836 = arith.addi %mul3A_11, %add3A_835 : i32
      %mul3A_837 = arith.constant 80 : i32
      %mul3A_838 = arith.muli %add3A_836, %mul3A_837 : i32
      %dma_start3A_839 = arith.constant 5 : i32
      %dma_start3A_840 = arith.constant 0 : i32
      %dma_start3A_841 = arith.constant 0 : i32
      %dma_start3A_842 = tpu.memref_slice %arg6[%dma_start3A_839, %dma_start3A_840, %dma_start3A_841] : memref<25x80x16xf32, #tpu.memory_space<vmem>> -> memref<1x80x16xf32, #tpu.memory_space<vmem>>
      %dma_start3A_843 = tpu.memref_squeeze %dma_start3A_842 : memref<1x80x16xf32, #tpu.memory_space<vmem>> -> memref<80x16xf32, #tpu.memory_space<vmem>>
      %dma_start3A_844 = arith.constant 0 : i32
      %dma_start3A_845 = arith.constant 0 : i32
      %dma_start3A_846 = tpu.memref_slice %arg4[%add3A, %dma_start3A_844, %dma_start3A_845] : memref<32x10000x16xf32, #tpu.memory_space<hbm>> -> memref<1x10000x16xf32, #tpu.memory_space<hbm>>
      %dma_start3A_847 = tpu.memref_squeeze %dma_start3A_846 : memref<1x10000x16xf32, #tpu.memory_space<hbm>> -> memref<10000x16xf32, #tpu.memory_space<hbm>>
      %dma_start3A_848 = arith.constant 0 : i32
      %dma_start3A_849 = tpu.memref_slice %dma_start3A_847[%mul3A_838, %dma_start3A_848] : memref<10000x16xf32, #tpu.memory_space<hbm>> -> memref<80x16xf32, #tpu.memory_space<hbm>>
      %dma_start3A_850 = arith.constant 0 : i32
      %dma_start3A_851 = arith.constant 0 : i32
      %dma_start3A_852 = tpu.memref_slice %arg4[%add3A, %dma_start3A_850, %dma_start3A_851] : memref<32x10000x16xf32, #tpu.memory_space<hbm>> -> memref<1x10000x16xf32, #tpu.memory_space<hbm>>
      %dma_start3A_853 = tpu.memref_squeeze %dma_start3A_852 : memref<1x10000x16xf32, #tpu.memory_space<hbm>> -> memref<10000x16xf32, #tpu.memory_space<hbm>>
      %dma_start3A_854 = arith.constant 0 : i32
      %dma_start3A_855 = tpu.memref_slice %dma_start3A_853[%mul3A_838, %dma_start3A_854] : memref<10000x16xf32, #tpu.memory_space<hbm>> -> memref<80x16xf32, #tpu.memory_space<hbm>>
      %dma_start3A_856 = arith.constant 0 : i32
      %dma_start3A_857 = arith.constant 0 : i32
      %dma_start3A_858 = tpu.memref_slice %arg6[%dma_start3A_839, %dma_start3A_856, %dma_start3A_857] : memref<25x80x16xf32, #tpu.memory_space<vmem>> -> memref<1x80x16xf32, #tpu.memory_space<vmem>>
      %dma_start3A_859 = tpu.memref_squeeze %dma_start3A_858 : memref<1x80x16xf32, #tpu.memory_space<vmem>> -> memref<80x16xf32, #tpu.memory_space<vmem>>
      tpu.enqueue_dma source(%dma_start3A_859 : memref<80x16xf32, #tpu.memory_space<vmem>>) target(%dma_start3A_855 : memref<80x16xf32, #tpu.memory_space<hbm>>) target_semaphore(%arg8 : memref<!tpu.dma_semaphore, #tpu.memory_space<semaphore_mem>>)
      %add3A_860 = arith.constant 6 : i32
      %add3A_861 = arith.addi %mul3A_11, %add3A_860 : i32
      %mul3A_862 = arith.constant 80 : i32
      %mul3A_863 = arith.muli %add3A_861, %mul3A_862 : i32
      %dma_start3A_864 = arith.constant 6 : i32
      %dma_start3A_865 = arith.constant 0 : i32
      %dma_start3A_866 = arith.constant 0 : i32
      %dma_start3A_867 = tpu.memref_slice %arg6[%dma_start3A_864, %dma_start3A_865, %dma_start3A_866] : memref<25x80x16xf32, #tpu.memory_space<vmem>> -> memref<1x80x16xf32, #tpu.memory_space<vmem>>
      %dma_start3A_868 = tpu.memref_squeeze %dma_start3A_867 : memref<1x80x16xf32, #tpu.memory_space<vmem>> -> memref<80x16xf32, #tpu.memory_space<vmem>>
      %dma_start3A_869 = arith.constant 0 : i32
      %dma_start3A_870 = arith.constant 0 : i32
      %dma_start3A_871 = tpu.memref_slice %arg4[%add3A, %dma_start3A_869, %dma_start3A_870] : memref<32x10000x16xf32, #tpu.memory_space<hbm>> -> memref<1x10000x16xf32, #tpu.memory_space<hbm>>
      %dma_start3A_872 = tpu.memref_squeeze %dma_start3A_871 : memref<1x10000x16xf32, #tpu.memory_space<hbm>> -> memref<10000x16xf32, #tpu.memory_space<hbm>>
      %dma_start3A_873 = arith.constant 0 : i32
      %dma_start3A_874 = tpu.memref_slice %dma_start3A_872[%mul3A_863, %dma_start3A_873] : memref<10000x16xf32, #tpu.memory_space<hbm>> -> memref<80x16xf32, #tpu.memory_space<hbm>>
      %dma_start3A_875 = arith.constant 0 : i32
      %dma_start3A_876 = arith.constant 0 : i32
      %dma_start3A_877 = tpu.memref_slice %arg4[%add3A, %dma_start3A_875, %dma_start3A_876] : memref<32x10000x16xf32, #tpu.memory_space<hbm>> -> memref<1x10000x16xf32, #tpu.memory_space<hbm>>
      %dma_start3A_878 = tpu.memref_squeeze %dma_start3A_877 : memref<1x10000x16xf32, #tpu.memory_space<hbm>> -> memref<10000x16xf32, #tpu.memory_space<hbm>>
      %dma_start3A_879 = arith.constant 0 : i32
      %dma_start3A_880 = tpu.memref_slice %dma_start3A_878[%mul3A_863, %dma_start3A_879] : memref<10000x16xf32, #tpu.memory_space<hbm>> -> memref<80x16xf32, #tpu.memory_space<hbm>>
      %dma_start3A_881 = arith.constant 0 : i32
      %dma_start3A_882 = arith.constant 0 : i32
      %dma_start3A_883 = tpu.memref_slice %arg6[%dma_start3A_864, %dma_start3A_881, %dma_start3A_882] : memref<25x80x16xf32, #tpu.memory_space<vmem>> -> memref<1x80x16xf32, #tpu.memory_space<vmem>>
      %dma_start3A_884 = tpu.memref_squeeze %dma_start3A_883 : memref<1x80x16xf32, #tpu.memory_space<vmem>> -> memref<80x16xf32, #tpu.memory_space<vmem>>
      tpu.enqueue_dma source(%dma_start3A_884 : memref<80x16xf32, #tpu.memory_space<vmem>>) target(%dma_start3A_880 : memref<80x16xf32, #tpu.memory_space<hbm>>) target_semaphore(%arg8 : memref<!tpu.dma_semaphore, #tpu.memory_space<semaphore_mem>>)
      %add3A_885 = arith.constant 7 : i32
      %add3A_886 = arith.addi %mul3A_11, %add3A_885 : i32
      %mul3A_887 = arith.constant 80 : i32
      %mul3A_888 = arith.muli %add3A_886, %mul3A_887 : i32
      %dma_start3A_889 = arith.constant 7 : i32
      %dma_start3A_890 = arith.constant 0 : i32
      %dma_start3A_891 = arith.constant 0 : i32
      %dma_start3A_892 = tpu.memref_slice %arg6[%dma_start3A_889, %dma_start3A_890, %dma_start3A_891] : memref<25x80x16xf32, #tpu.memory_space<vmem>> -> memref<1x80x16xf32, #tpu.memory_space<vmem>>
      %dma_start3A_893 = tpu.memref_squeeze %dma_start3A_892 : memref<1x80x16xf32, #tpu.memory_space<vmem>> -> memref<80x16xf32, #tpu.memory_space<vmem>>
      %dma_start3A_894 = arith.constant 0 : i32
      %dma_start3A_895 = arith.constant 0 : i32
      %dma_start3A_896 = tpu.memref_slice %arg4[%add3A, %dma_start3A_894, %dma_start3A_895] : memref<32x10000x16xf32, #tpu.memory_space<hbm>> -> memref<1x10000x16xf32, #tpu.memory_space<hbm>>
      %dma_start3A_897 = tpu.memref_squeeze %dma_start3A_896 : memref<1x10000x16xf32, #tpu.memory_space<hbm>> -> memref<10000x16xf32, #tpu.memory_space<hbm>>
      %dma_start3A_898 = arith.constant 0 : i32
      %dma_start3A_899 = tpu.memref_slice %dma_start3A_897[%mul3A_888, %dma_start3A_898] : memref<10000x16xf32, #tpu.memory_space<hbm>> -> memref<80x16xf32, #tpu.memory_space<hbm>>
      %dma_start3A_900 = arith.constant 0 : i32
      %dma_start3A_901 = arith.constant 0 : i32
      %dma_start3A_902 = tpu.memref_slice %arg4[%add3A, %dma_start3A_900, %dma_start3A_901] : memref<32x10000x16xf32, #tpu.memory_space<hbm>> -> memref<1x10000x16xf32, #tpu.memory_space<hbm>>
      %dma_start3A_903 = tpu.memref_squeeze %dma_start3A_902 : memref<1x10000x16xf32, #tpu.memory_space<hbm>> -> memref<10000x16xf32, #tpu.memory_space<hbm>>
      %dma_start3A_904 = arith.constant 0 : i32
      %dma_start3A_905 = tpu.memref_slice %dma_start3A_903[%mul3A_888, %dma_start3A_904] : memref<10000x16xf32, #tpu.memory_space<hbm>> -> memref<80x16xf32, #tpu.memory_space<hbm>>
      %dma_start3A_906 = arith.constant 0 : i32
      %dma_start3A_907 = arith.constant 0 : i32
      %dma_start3A_908 = tpu.memref_slice %arg6[%dma_start3A_889, %dma_start3A_906, %dma_start3A_907] : memref<25x80x16xf32, #tpu.memory_space<vmem>> -> memref<1x80x16xf32, #tpu.memory_space<vmem>>
      %dma_start3A_909 = tpu.memref_squeeze %dma_start3A_908 : memref<1x80x16xf32, #tpu.memory_space<vmem>> -> memref<80x16xf32, #tpu.memory_space<vmem>>
      tpu.enqueue_dma source(%dma_start3A_909 : memref<80x16xf32, #tpu.memory_space<vmem>>) target(%dma_start3A_905 : memref<80x16xf32, #tpu.memory_space<hbm>>) target_semaphore(%arg8 : memref<!tpu.dma_semaphore, #tpu.memory_space<semaphore_mem>>)
      %add3A_910 = arith.constant 8 : i32
      %add3A_911 = arith.addi %mul3A_11, %add3A_910 : i32
      %mul3A_912 = arith.constant 80 : i32
      %mul3A_913 = arith.muli %add3A_911, %mul3A_912 : i32
      %dma_start3A_914 = arith.constant 8 : i32
      %dma_start3A_915 = arith.constant 0 : i32
      %dma_start3A_916 = arith.constant 0 : i32
      %dma_start3A_917 = tpu.memref_slice %arg6[%dma_start3A_914, %dma_start3A_915, %dma_start3A_916] : memref<25x80x16xf32, #tpu.memory_space<vmem>> -> memref<1x80x16xf32, #tpu.memory_space<vmem>>
      %dma_start3A_918 = tpu.memref_squeeze %dma_start3A_917 : memref<1x80x16xf32, #tpu.memory_space<vmem>> -> memref<80x16xf32, #tpu.memory_space<vmem>>
      %dma_start3A_919 = arith.constant 0 : i32
      %dma_start3A_920 = arith.constant 0 : i32
      %dma_start3A_921 = tpu.memref_slice %arg4[%add3A, %dma_start3A_919, %dma_start3A_920] : memref<32x10000x16xf32, #tpu.memory_space<hbm>> -> memref<1x10000x16xf32, #tpu.memory_space<hbm>>
      %dma_start3A_922 = tpu.memref_squeeze %dma_start3A_921 : memref<1x10000x16xf32, #tpu.memory_space<hbm>> -> memref<10000x16xf32, #tpu.memory_space<hbm>>
      %dma_start3A_923 = arith.constant 0 : i32
      %dma_start3A_924 = tpu.memref_slice %dma_start3A_922[%mul3A_913, %dma_start3A_923] : memref<10000x16xf32, #tpu.memory_space<hbm>> -> memref<80x16xf32, #tpu.memory_space<hbm>>
      %dma_start3A_925 = arith.constant 0 : i32
      %dma_start3A_926 = arith.constant 0 : i32
      %dma_start3A_927 = tpu.memref_slice %arg4[%add3A, %dma_start3A_925, %dma_start3A_926] : memref<32x10000x16xf32, #tpu.memory_space<hbm>> -> memref<1x10000x16xf32, #tpu.memory_space<hbm>>
      %dma_start3A_928 = tpu.memref_squeeze %dma_start3A_927 : memref<1x10000x16xf32, #tpu.memory_space<hbm>> -> memref<10000x16xf32, #tpu.memory_space<hbm>>
      %dma_start3A_929 = arith.constant 0 : i32
      %dma_start3A_930 = tpu.memref_slice %dma_start3A_928[%mul3A_913, %dma_start3A_929] : memref<10000x16xf32, #tpu.memory_space<hbm>> -> memref<80x16xf32, #tpu.memory_space<hbm>>
      %dma_start3A_931 = arith.constant 0 : i32
      %dma_start3A_932 = arith.constant 0 : i32
      %dma_start3A_933 = tpu.memref_slice %arg6[%dma_start3A_914, %dma_start3A_931, %dma_start3A_932] : memref<25x80x16xf32, #tpu.memory_space<vmem>> -> memref<1x80x16xf32, #tpu.memory_space<vmem>>
      %dma_start3A_934 = tpu.memref_squeeze %dma_start3A_933 : memref<1x80x16xf32, #tpu.memory_space<vmem>> -> memref<80x16xf32, #tpu.memory_space<vmem>>
      tpu.enqueue_dma source(%dma_start3A_934 : memref<80x16xf32, #tpu.memory_space<vmem>>) target(%dma_start3A_930 : memref<80x16xf32, #tpu.memory_space<hbm>>) target_semaphore(%arg8 : memref<!tpu.dma_semaphore, #tpu.memory_space<semaphore_mem>>)
      %add3A_935 = arith.constant 9 : i32
      %add3A_936 = arith.addi %mul3A_11, %add3A_935 : i32
      %mul3A_937 = arith.constant 80 : i32
      %mul3A_938 = arith.muli %add3A_936, %mul3A_937 : i32
      %dma_start3A_939 = arith.constant 9 : i32
      %dma_start3A_940 = arith.constant 0 : i32
      %dma_start3A_941 = arith.constant 0 : i32
      %dma_start3A_942 = tpu.memref_slice %arg6[%dma_start3A_939, %dma_start3A_940, %dma_start3A_941] : memref<25x80x16xf32, #tpu.memory_space<vmem>> -> memref<1x80x16xf32, #tpu.memory_space<vmem>>
      %dma_start3A_943 = tpu.memref_squeeze %dma_start3A_942 : memref<1x80x16xf32, #tpu.memory_space<vmem>> -> memref<80x16xf32, #tpu.memory_space<vmem>>
      %dma_start3A_944 = arith.constant 0 : i32
      %dma_start3A_945 = arith.constant 0 : i32
      %dma_start3A_946 = tpu.memref_slice %arg4[%add3A, %dma_start3A_944, %dma_start3A_945] : memref<32x10000x16xf32, #tpu.memory_space<hbm>> -> memref<1x10000x16xf32, #tpu.memory_space<hbm>>
      %dma_start3A_947 = tpu.memref_squeeze %dma_start3A_946 : memref<1x10000x16xf32, #tpu.memory_space<hbm>> -> memref<10000x16xf32, #tpu.memory_space<hbm>>
      %dma_start3A_948 = arith.constant 0 : i32
      %dma_start3A_949 = tpu.memref_slice %dma_start3A_947[%mul3A_938, %dma_start3A_948] : memref<10000x16xf32, #tpu.memory_space<hbm>> -> memref<80x16xf32, #tpu.memory_space<hbm>>
      %dma_start3A_950 = arith.constant 0 : i32
      %dma_start3A_951 = arith.constant 0 : i32
      %dma_start3A_952 = tpu.memref_slice %arg4[%add3A, %dma_start3A_950, %dma_start3A_951] : memref<32x10000x16xf32, #tpu.memory_space<hbm>> -> memref<1x10000x16xf32, #tpu.memory_space<hbm>>
      %dma_start3A_953 = tpu.memref_squeeze %dma_start3A_952 : memref<1x10000x16xf32, #tpu.memory_space<hbm>> -> memref<10000x16xf32, #tpu.memory_space<hbm>>
      %dma_start3A_954 = arith.constant 0 : i32
      %dma_start3A_955 = tpu.memref_slice %dma_start3A_953[%mul3A_938, %dma_start3A_954] : memref<10000x16xf32, #tpu.memory_space<hbm>> -> memref<80x16xf32, #tpu.memory_space<hbm>>
      %dma_start3A_956 = arith.constant 0 : i32
      %dma_start3A_957 = arith.constant 0 : i32
      %dma_start3A_958 = tpu.memref_slice %arg6[%dma_start3A_939, %dma_start3A_956, %dma_start3A_957] : memref<25x80x16xf32, #tpu.memory_space<vmem>> -> memref<1x80x16xf32, #tpu.memory_space<vmem>>
      %dma_start3A_959 = tpu.memref_squeeze %dma_start3A_958 : memref<1x80x16xf32, #tpu.memory_space<vmem>> -> memref<80x16xf32, #tpu.memory_space<vmem>>
      tpu.enqueue_dma source(%dma_start3A_959 : memref<80x16xf32, #tpu.memory_space<vmem>>) target(%dma_start3A_955 : memref<80x16xf32, #tpu.memory_space<hbm>>) target_semaphore(%arg8 : memref<!tpu.dma_semaphore, #tpu.memory_space<semaphore_mem>>)
      %add3A_960 = arith.constant 10 : i32
      %add3A_961 = arith.addi %mul3A_11, %add3A_960 : i32
      %mul3A_962 = arith.constant 80 : i32
      %mul3A_963 = arith.muli %add3A_961, %mul3A_962 : i32
      %dma_start3A_964 = arith.constant 10 : i32
      %dma_start3A_965 = arith.constant 0 : i32
      %dma_start3A_966 = arith.constant 0 : i32
      %dma_start3A_967 = tpu.memref_slice %arg6[%dma_start3A_964, %dma_start3A_965, %dma_start3A_966] : memref<25x80x16xf32, #tpu.memory_space<vmem>> -> memref<1x80x16xf32, #tpu.memory_space<vmem>>
      %dma_start3A_968 = tpu.memref_squeeze %dma_start3A_967 : memref<1x80x16xf32, #tpu.memory_space<vmem>> -> memref<80x16xf32, #tpu.memory_space<vmem>>
      %dma_start3A_969 = arith.constant 0 : i32
      %dma_start3A_970 = arith.constant 0 : i32
      %dma_start3A_971 = tpu.memref_slice %arg4[%add3A, %dma_start3A_969, %dma_start3A_970] : memref<32x10000x16xf32, #tpu.memory_space<hbm>> -> memref<1x10000x16xf32, #tpu.memory_space<hbm>>
      %dma_start3A_972 = tpu.memref_squeeze %dma_start3A_971 : memref<1x10000x16xf32, #tpu.memory_space<hbm>> -> memref<10000x16xf32, #tpu.memory_space<hbm>>
      %dma_start3A_973 = arith.constant 0 : i32
      %dma_start3A_974 = tpu.memref_slice %dma_start3A_972[%mul3A_963, %dma_start3A_973] : memref<10000x16xf32, #tpu.memory_space<hbm>> -> memref<80x16xf32, #tpu.memory_space<hbm>>
      %dma_start3A_975 = arith.constant 0 : i32
      %dma_start3A_976 = arith.constant 0 : i32
      %dma_start3A_977 = tpu.memref_slice %arg4[%add3A, %dma_start3A_975, %dma_start3A_976] : memref<32x10000x16xf32, #tpu.memory_space<hbm>> -> memref<1x10000x16xf32, #tpu.memory_space<hbm>>
      %dma_start3A_978 = tpu.memref_squeeze %dma_start3A_977 : memref<1x10000x16xf32, #tpu.memory_space<hbm>> -> memref<10000x16xf32, #tpu.memory_space<hbm>>
      %dma_start3A_979 = arith.constant 0 : i32
      %dma_start3A_980 = tpu.memref_slice %dma_start3A_978[%mul3A_963, %dma_start3A_979] : memref<10000x16xf32, #tpu.memory_space<hbm>> -> memref<80x16xf32, #tpu.memory_space<hbm>>
      %dma_start3A_981 = arith.constant 0 : i32
      %dma_start3A_982 = arith.constant 0 : i32
      %dma_start3A_983 = tpu.memref_slice %arg6[%dma_start3A_964, %dma_start3A_981, %dma_start3A_982] : memref<25x80x16xf32, #tpu.memory_space<vmem>> -> memref<1x80x16xf32, #tpu.memory_space<vmem>>
      %dma_start3A_984 = tpu.memref_squeeze %dma_start3A_983 : memref<1x80x16xf32, #tpu.memory_space<vmem>> -> memref<80x16xf32, #tpu.memory_space<vmem>>
      tpu.enqueue_dma source(%dma_start3A_984 : memref<80x16xf32, #tpu.memory_space<vmem>>) target(%dma_start3A_980 : memref<80x16xf32, #tpu.memory_space<hbm>>) target_semaphore(%arg8 : memref<!tpu.dma_semaphore, #tpu.memory_space<semaphore_mem>>)
      %add3A_985 = arith.constant 11 : i32
      %add3A_986 = arith.addi %mul3A_11, %add3A_985 : i32
      %mul3A_987 = arith.constant 80 : i32
      %mul3A_988 = arith.muli %add3A_986, %mul3A_987 : i32
      %dma_start3A_989 = arith.constant 11 : i32
      %dma_start3A_990 = arith.constant 0 : i32
      %dma_start3A_991 = arith.constant 0 : i32
      %dma_start3A_992 = tpu.memref_slice %arg6[%dma_start3A_989, %dma_start3A_990, %dma_start3A_991] : memref<25x80x16xf32, #tpu.memory_space<vmem>> -> memref<1x80x16xf32, #tpu.memory_space<vmem>>
      %dma_start3A_993 = tpu.memref_squeeze %dma_start3A_992 : memref<1x80x16xf32, #tpu.memory_space<vmem>> -> memref<80x16xf32, #tpu.memory_space<vmem>>
      %dma_start3A_994 = arith.constant 0 : i32
      %dma_start3A_995 = arith.constant 0 : i32
      %dma_start3A_996 = tpu.memref_slice %arg4[%add3A, %dma_start3A_994, %dma_start3A_995] : memref<32x10000x16xf32, #tpu.memory_space<hbm>> -> memref<1x10000x16xf32, #tpu.memory_space<hbm>>
      %dma_start3A_997 = tpu.memref_squeeze %dma_start3A_996 : memref<1x10000x16xf32, #tpu.memory_space<hbm>> -> memref<10000x16xf32, #tpu.memory_space<hbm>>
      %dma_start3A_998 = arith.constant 0 : i32
      %dma_start3A_999 = tpu.memref_slice %dma_start3A_997[%mul3A_988, %dma_start3A_998] : memref<10000x16xf32, #tpu.memory_space<hbm>> -> memref<80x16xf32, #tpu.memory_space<hbm>>
      %dma_start3A_1000 = arith.constant 0 : i32
      %dma_start3A_1001 = arith.constant 0 : i32
      %dma_start3A_1002 = tpu.memref_slice %arg4[%add3A, %dma_start3A_1000, %dma_start3A_1001] : memref<32x10000x16xf32, #tpu.memory_space<hbm>> -> memref<1x10000x16xf32, #tpu.memory_space<hbm>>
      %dma_start3A_1003 = tpu.memref_squeeze %dma_start3A_1002 : memref<1x10000x16xf32, #tpu.memory_space<hbm>> -> memref<10000x16xf32, #tpu.memory_space<hbm>>
      %dma_start3A_1004 = arith.constant 0 : i32
      %dma_start3A_1005 = tpu.memref_slice %dma_start3A_1003[%mul3A_988, %dma_start3A_1004] : memref<10000x16xf32, #tpu.memory_space<hbm>> -> memref<80x16xf32, #tpu.memory_space<hbm>>
      %dma_start3A_1006 = arith.constant 0 : i32
      %dma_start3A_1007 = arith.constant 0 : i32
      %dma_start3A_1008 = tpu.memref_slice %arg6[%dma_start3A_989, %dma_start3A_1006, %dma_start3A_1007] : memref<25x80x16xf32, #tpu.memory_space<vmem>> -> memref<1x80x16xf32, #tpu.memory_space<vmem>>
      %dma_start3A_1009 = tpu.memref_squeeze %dma_start3A_1008 : memref<1x80x16xf32, #tpu.memory_space<vmem>> -> memref<80x16xf32, #tpu.memory_space<vmem>>
      tpu.enqueue_dma source(%dma_start3A_1009 : memref<80x16xf32, #tpu.memory_space<vmem>>) target(%dma_start3A_1005 : memref<80x16xf32, #tpu.memory_space<hbm>>) target_semaphore(%arg8 : memref<!tpu.dma_semaphore, #tpu.memory_space<semaphore_mem>>)
      %add3A_1010 = arith.constant 12 : i32
      %add3A_1011 = arith.addi %mul3A_11, %add3A_1010 : i32
      %mul3A_1012 = arith.constant 80 : i32
      %mul3A_1013 = arith.muli %add3A_1011, %mul3A_1012 : i32
      %dma_start3A_1014 = arith.constant 12 : i32
      %dma_start3A_1015 = arith.constant 0 : i32
      %dma_start3A_1016 = arith.constant 0 : i32
      %dma_start3A_1017 = tpu.memref_slice %arg6[%dma_start3A_1014, %dma_start3A_1015, %dma_start3A_1016] : memref<25x80x16xf32, #tpu.memory_space<vmem>> -> memref<1x80x16xf32, #tpu.memory_space<vmem>>
      %dma_start3A_1018 = tpu.memref_squeeze %dma_start3A_1017 : memref<1x80x16xf32, #tpu.memory_space<vmem>> -> memref<80x16xf32, #tpu.memory_space<vmem>>
      %dma_start3A_1019 = arith.constant 0 : i32
      %dma_start3A_1020 = arith.constant 0 : i32
      %dma_start3A_1021 = tpu.memref_slice %arg4[%add3A, %dma_start3A_1019, %dma_start3A_1020] : memref<32x10000x16xf32, #tpu.memory_space<hbm>> -> memref<1x10000x16xf32, #tpu.memory_space<hbm>>
      %dma_start3A_1022 = tpu.memref_squeeze %dma_start3A_1021 : memref<1x10000x16xf32, #tpu.memory_space<hbm>> -> memref<10000x16xf32, #tpu.memory_space<hbm>>
      %dma_start3A_1023 = arith.constant 0 : i32
      %dma_start3A_1024 = tpu.memref_slice %dma_start3A_1022[%mul3A_1013, %dma_start3A_1023] : memref<10000x16xf32, #tpu.memory_space<hbm>> -> memref<80x16xf32, #tpu.memory_space<hbm>>
      %dma_start3A_1025 = arith.constant 0 : i32
      %dma_start3A_1026 = arith.constant 0 : i32
      %dma_start3A_1027 = tpu.memref_slice %arg4[%add3A, %dma_start3A_1025, %dma_start3A_1026] : memref<32x10000x16xf32, #tpu.memory_space<hbm>> -> memref<1x10000x16xf32, #tpu.memory_space<hbm>>
      %dma_start3A_1028 = tpu.memref_squeeze %dma_start3A_1027 : memref<1x10000x16xf32, #tpu.memory_space<hbm>> -> memref<10000x16xf32, #tpu.memory_space<hbm>>
      %dma_start3A_1029 = arith.constant 0 : i32
      %dma_start3A_1030 = tpu.memref_slice %dma_start3A_1028[%mul3A_1013, %dma_start3A_1029] : memref<10000x16xf32, #tpu.memory_space<hbm>> -> memref<80x16xf32, #tpu.memory_space<hbm>>
      %dma_start3A_1031 = arith.constant 0 : i32
      %dma_start3A_1032 = arith.constant 0 : i32
      %dma_start3A_1033 = tpu.memref_slice %arg6[%dma_start3A_1014, %dma_start3A_1031, %dma_start3A_1032] : memref<25x80x16xf32, #tpu.memory_space<vmem>> -> memref<1x80x16xf32, #tpu.memory_space<vmem>>
      %dma_start3A_1034 = tpu.memref_squeeze %dma_start3A_1033 : memref<1x80x16xf32, #tpu.memory_space<vmem>> -> memref<80x16xf32, #tpu.memory_space<vmem>>
      tpu.enqueue_dma source(%dma_start3A_1034 : memref<80x16xf32, #tpu.memory_space<vmem>>) target(%dma_start3A_1030 : memref<80x16xf32, #tpu.memory_space<hbm>>) target_semaphore(%arg8 : memref<!tpu.dma_semaphore, #tpu.memory_space<semaphore_mem>>)
      %add3A_1035 = arith.constant 13 : i32
      %add3A_1036 = arith.addi %mul3A_11, %add3A_1035 : i32
      %mul3A_1037 = arith.constant 80 : i32
      %mul3A_1038 = arith.muli %add3A_1036, %mul3A_1037 : i32
      %dma_start3A_1039 = arith.constant 13 : i32
      %dma_start3A_1040 = arith.constant 0 : i32
      %dma_start3A_1041 = arith.constant 0 : i32
      %dma_start3A_1042 = tpu.memref_slice %arg6[%dma_start3A_1039, %dma_start3A_1040, %dma_start3A_1041] : memref<25x80x16xf32, #tpu.memory_space<vmem>> -> memref<1x80x16xf32, #tpu.memory_space<vmem>>
      %dma_start3A_1043 = tpu.memref_squeeze %dma_start3A_1042 : memref<1x80x16xf32, #tpu.memory_space<vmem>> -> memref<80x16xf32, #tpu.memory_space<vmem>>
      %dma_start3A_1044 = arith.constant 0 : i32
      %dma_start3A_1045 = arith.constant 0 : i32
      %dma_start3A_1046 = tpu.memref_slice %arg4[%add3A, %dma_start3A_1044, %dma_start3A_1045] : memref<32x10000x16xf32, #tpu.memory_space<hbm>> -> memref<1x10000x16xf32, #tpu.memory_space<hbm>>
      %dma_start3A_1047 = tpu.memref_squeeze %dma_start3A_1046 : memref<1x10000x16xf32, #tpu.memory_space<hbm>> -> memref<10000x16xf32, #tpu.memory_space<hbm>>
      %dma_start3A_1048 = arith.constant 0 : i32
      %dma_start3A_1049 = tpu.memref_slice %dma_start3A_1047[%mul3A_1038, %dma_start3A_1048] : memref<10000x16xf32, #tpu.memory_space<hbm>> -> memref<80x16xf32, #tpu.memory_space<hbm>>
      %dma_start3A_1050 = arith.constant 0 : i32
      %dma_start3A_1051 = arith.constant 0 : i32
      %dma_start3A_1052 = tpu.memref_slice %arg4[%add3A, %dma_start3A_1050, %dma_start3A_1051] : memref<32x10000x16xf32, #tpu.memory_space<hbm>> -> memref<1x10000x16xf32, #tpu.memory_space<hbm>>
      %dma_start3A_1053 = tpu.memref_squeeze %dma_start3A_1052 : memref<1x10000x16xf32, #tpu.memory_space<hbm>> -> memref<10000x16xf32, #tpu.memory_space<hbm>>
      %dma_start3A_1054 = arith.constant 0 : i32
      %dma_start3A_1055 = tpu.memref_slice %dma_start3A_1053[%mul3A_1038, %dma_start3A_1054] : memref<10000x16xf32, #tpu.memory_space<hbm>> -> memref<80x16xf32, #tpu.memory_space<hbm>>
      %dma_start3A_1056 = arith.constant 0 : i32
      %dma_start3A_1057 = arith.constant 0 : i32
      %dma_start3A_1058 = tpu.memref_slice %arg6[%dma_start3A_1039, %dma_start3A_1056, %dma_start3A_1057] : memref<25x80x16xf32, #tpu.memory_space<vmem>> -> memref<1x80x16xf32, #tpu.memory_space<vmem>>
      %dma_start3A_1059 = tpu.memref_squeeze %dma_start3A_1058 : memref<1x80x16xf32, #tpu.memory_space<vmem>> -> memref<80x16xf32, #tpu.memory_space<vmem>>
      tpu.enqueue_dma source(%dma_start3A_1059 : memref<80x16xf32, #tpu.memory_space<vmem>>) target(%dma_start3A_1055 : memref<80x16xf32, #tpu.memory_space<hbm>>) target_semaphore(%arg8 : memref<!tpu.dma_semaphore, #tpu.memory_space<semaphore_mem>>)
      %add3A_1060 = arith.constant 14 : i32
      %add3A_1061 = arith.addi %mul3A_11, %add3A_1060 : i32
      %mul3A_1062 = arith.constant 80 : i32
      %mul3A_1063 = arith.muli %add3A_1061, %mul3A_1062 : i32
      %dma_start3A_1064 = arith.constant 14 : i32
      %dma_start3A_1065 = arith.constant 0 : i32
      %dma_start3A_1066 = arith.constant 0 : i32
      %dma_start3A_1067 = tpu.memref_slice %arg6[%dma_start3A_1064, %dma_start3A_1065, %dma_start3A_1066] : memref<25x80x16xf32, #tpu.memory_space<vmem>> -> memref<1x80x16xf32, #tpu.memory_space<vmem>>
      %dma_start3A_1068 = tpu.memref_squeeze %dma_start3A_1067 : memref<1x80x16xf32, #tpu.memory_space<vmem>> -> memref<80x16xf32, #tpu.memory_space<vmem>>
      %dma_start3A_1069 = arith.constant 0 : i32
      %dma_start3A_1070 = arith.constant 0 : i32
      %dma_start3A_1071 = tpu.memref_slice %arg4[%add3A, %dma_start3A_1069, %dma_start3A_1070] : memref<32x10000x16xf32, #tpu.memory_space<hbm>> -> memref<1x10000x16xf32, #tpu.memory_space<hbm>>
      %dma_start3A_1072 = tpu.memref_squeeze %dma_start3A_1071 : memref<1x10000x16xf32, #tpu.memory_space<hbm>> -> memref<10000x16xf32, #tpu.memory_space<hbm>>
      %dma_start3A_1073 = arith.constant 0 : i32
      %dma_start3A_1074 = tpu.memref_slice %dma_start3A_1072[%mul3A_1063, %dma_start3A_1073] : memref<10000x16xf32, #tpu.memory_space<hbm>> -> memref<80x16xf32, #tpu.memory_space<hbm>>
      %dma_start3A_1075 = arith.constant 0 : i32
      %dma_start3A_1076 = arith.constant 0 : i32
      %dma_start3A_1077 = tpu.memref_slice %arg4[%add3A, %dma_start3A_1075, %dma_start3A_1076] : memref<32x10000x16xf32, #tpu.memory_space<hbm>> -> memref<1x10000x16xf32, #tpu.memory_space<hbm>>
      %dma_start3A_1078 = tpu.memref_squeeze %dma_start3A_1077 : memref<1x10000x16xf32, #tpu.memory_space<hbm>> -> memref<10000x16xf32, #tpu.memory_space<hbm>>
      %dma_start3A_1079 = arith.constant 0 : i32
      %dma_start3A_1080 = tpu.memref_slice %dma_start3A_1078[%mul3A_1063, %dma_start3A_1079] : memref<10000x16xf32, #tpu.memory_space<hbm>> -> memref<80x16xf32, #tpu.memory_space<hbm>>
      %dma_start3A_1081 = arith.constant 0 : i32
      %dma_start3A_1082 = arith.constant 0 : i32
      %dma_start3A_1083 = tpu.memref_slice %arg6[%dma_start3A_1064, %dma_start3A_1081, %dma_start3A_1082] : memref<25x80x16xf32, #tpu.memory_space<vmem>> -> memref<1x80x16xf32, #tpu.memory_space<vmem>>
      %dma_start3A_1084 = tpu.memref_squeeze %dma_start3A_1083 : memref<1x80x16xf32, #tpu.memory_space<vmem>> -> memref<80x16xf32, #tpu.memory_space<vmem>>
      tpu.enqueue_dma source(%dma_start3A_1084 : memref<80x16xf32, #tpu.memory_space<vmem>>) target(%dma_start3A_1080 : memref<80x16xf32, #tpu.memory_space<hbm>>) target_semaphore(%arg8 : memref<!tpu.dma_semaphore, #tpu.memory_space<semaphore_mem>>)
      %add3A_1085 = arith.constant 15 : i32
      %add3A_1086 = arith.addi %mul3A_11, %add3A_1085 : i32
      %mul3A_1087 = arith.constant 80 : i32
      %mul3A_1088 = arith.muli %add3A_1086, %mul3A_1087 : i32
      %dma_start3A_1089 = arith.constant 15 : i32
      %dma_start3A_1090 = arith.constant 0 : i32
      %dma_start3A_1091 = arith.constant 0 : i32
      %dma_start3A_1092 = tpu.memref_slice %arg6[%dma_start3A_1089, %dma_start3A_1090, %dma_start3A_1091] : memref<25x80x16xf32, #tpu.memory_space<vmem>> -> memref<1x80x16xf32, #tpu.memory_space<vmem>>
      %dma_start3A_1093 = tpu.memref_squeeze %dma_start3A_1092 : memref<1x80x16xf32, #tpu.memory_space<vmem>> -> memref<80x16xf32, #tpu.memory_space<vmem>>
      %dma_start3A_1094 = arith.constant 0 : i32
      %dma_start3A_1095 = arith.constant 0 : i32
      %dma_start3A_1096 = tpu.memref_slice %arg4[%add3A, %dma_start3A_1094, %dma_start3A_1095] : memref<32x10000x16xf32, #tpu.memory_space<hbm>> -> memref<1x10000x16xf32, #tpu.memory_space<hbm>>
      %dma_start3A_1097 = tpu.memref_squeeze %dma_start3A_1096 : memref<1x10000x16xf32, #tpu.memory_space<hbm>> -> memref<10000x16xf32, #tpu.memory_space<hbm>>
      %dma_start3A_1098 = arith.constant 0 : i32
      %dma_start3A_1099 = tpu.memref_slice %dma_start3A_1097[%mul3A_1088, %dma_start3A_1098] : memref<10000x16xf32, #tpu.memory_space<hbm>> -> memref<80x16xf32, #tpu.memory_space<hbm>>
      %dma_start3A_1100 = arith.constant 0 : i32
      %dma_start3A_1101 = arith.constant 0 : i32
      %dma_start3A_1102 = tpu.memref_slice %arg4[%add3A, %dma_start3A_1100, %dma_start3A_1101] : memref<32x10000x16xf32, #tpu.memory_space<hbm>> -> memref<1x10000x16xf32, #tpu.memory_space<hbm>>
      %dma_start3A_1103 = tpu.memref_squeeze %dma_start3A_1102 : memref<1x10000x16xf32, #tpu.memory_space<hbm>> -> memref<10000x16xf32, #tpu.memory_space<hbm>>
      %dma_start3A_1104 = arith.constant 0 : i32
      %dma_start3A_1105 = tpu.memref_slice %dma_start3A_1103[%mul3A_1088, %dma_start3A_1104] : memref<10000x16xf32, #tpu.memory_space<hbm>> -> memref<80x16xf32, #tpu.memory_space<hbm>>
      %dma_start3A_1106 = arith.constant 0 : i32
      %dma_start3A_1107 = arith.constant 0 : i32
      %dma_start3A_1108 = tpu.memref_slice %arg6[%dma_start3A_1089, %dma_start3A_1106, %dma_start3A_1107] : memref<25x80x16xf32, #tpu.memory_space<vmem>> -> memref<1x80x16xf32, #tpu.memory_space<vmem>>
      %dma_start3A_1109 = tpu.memref_squeeze %dma_start3A_1108 : memref<1x80x16xf32, #tpu.memory_space<vmem>> -> memref<80x16xf32, #tpu.memory_space<vmem>>
      tpu.enqueue_dma source(%dma_start3A_1109 : memref<80x16xf32, #tpu.memory_space<vmem>>) target(%dma_start3A_1105 : memref<80x16xf32, #tpu.memory_space<hbm>>) target_semaphore(%arg8 : memref<!tpu.dma_semaphore, #tpu.memory_space<semaphore_mem>>)
      %add3A_1110 = arith.constant 16 : i32
      %add3A_1111 = arith.addi %mul3A_11, %add3A_1110 : i32
      %mul3A_1112 = arith.constant 80 : i32
      %mul3A_1113 = arith.muli %add3A_1111, %mul3A_1112 : i32
      %dma_start3A_1114 = arith.constant 16 : i32
      %dma_start3A_1115 = arith.constant 0 : i32
      %dma_start3A_1116 = arith.constant 0 : i32
      %dma_start3A_1117 = tpu.memref_slice %arg6[%dma_start3A_1114, %dma_start3A_1115, %dma_start3A_1116] : memref<25x80x16xf32, #tpu.memory_space<vmem>> -> memref<1x80x16xf32, #tpu.memory_space<vmem>>
      %dma_start3A_1118 = tpu.memref_squeeze %dma_start3A_1117 : memref<1x80x16xf32, #tpu.memory_space<vmem>> -> memref<80x16xf32, #tpu.memory_space<vmem>>
      %dma_start3A_1119 = arith.constant 0 : i32
      %dma_start3A_1120 = arith.constant 0 : i32
      %dma_start3A_1121 = tpu.memref_slice %arg4[%add3A, %dma_start3A_1119, %dma_start3A_1120] : memref<32x10000x16xf32, #tpu.memory_space<hbm>> -> memref<1x10000x16xf32, #tpu.memory_space<hbm>>
      %dma_start3A_1122 = tpu.memref_squeeze %dma_start3A_1121 : memref<1x10000x16xf32, #tpu.memory_space<hbm>> -> memref<10000x16xf32, #tpu.memory_space<hbm>>
      %dma_start3A_1123 = arith.constant 0 : i32
      %dma_start3A_1124 = tpu.memref_slice %dma_start3A_1122[%mul3A_1113, %dma_start3A_1123] : memref<10000x16xf32, #tpu.memory_space<hbm>> -> memref<80x16xf32, #tpu.memory_space<hbm>>
      %dma_start3A_1125 = arith.constant 0 : i32
      %dma_start3A_1126 = arith.constant 0 : i32
      %dma_start3A_1127 = tpu.memref_slice %arg4[%add3A, %dma_start3A_1125, %dma_start3A_1126] : memref<32x10000x16xf32, #tpu.memory_space<hbm>> -> memref<1x10000x16xf32, #tpu.memory_space<hbm>>
      %dma_start3A_1128 = tpu.memref_squeeze %dma_start3A_1127 : memref<1x10000x16xf32, #tpu.memory_space<hbm>> -> memref<10000x16xf32, #tpu.memory_space<hbm>>
      %dma_start3A_1129 = arith.constant 0 : i32
      %dma_start3A_1130 = tpu.memref_slice %dma_start3A_1128[%mul3A_1113, %dma_start3A_1129] : memref<10000x16xf32, #tpu.memory_space<hbm>> -> memref<80x16xf32, #tpu.memory_space<hbm>>
      %dma_start3A_1131 = arith.constant 0 : i32
      %dma_start3A_1132 = arith.constant 0 : i32
      %dma_start3A_1133 = tpu.memref_slice %arg6[%dma_start3A_1114, %dma_start3A_1131, %dma_start3A_1132] : memref<25x80x16xf32, #tpu.memory_space<vmem>> -> memref<1x80x16xf32, #tpu.memory_space<vmem>>
      %dma_start3A_1134 = tpu.memref_squeeze %dma_start3A_1133 : memref<1x80x16xf32, #tpu.memory_space<vmem>> -> memref<80x16xf32, #tpu.memory_space<vmem>>
      tpu.enqueue_dma source(%dma_start3A_1134 : memref<80x16xf32, #tpu.memory_space<vmem>>) target(%dma_start3A_1130 : memref<80x16xf32, #tpu.memory_space<hbm>>) target_semaphore(%arg8 : memref<!tpu.dma_semaphore, #tpu.memory_space<semaphore_mem>>)
      %add3A_1135 = arith.constant 17 : i32
      %add3A_1136 = arith.addi %mul3A_11, %add3A_1135 : i32
      %mul3A_1137 = arith.constant 80 : i32
      %mul3A_1138 = arith.muli %add3A_1136, %mul3A_1137 : i32
      %dma_start3A_1139 = arith.constant 17 : i32
      %dma_start3A_1140 = arith.constant 0 : i32
      %dma_start3A_1141 = arith.constant 0 : i32
      %dma_start3A_1142 = tpu.memref_slice %arg6[%dma_start3A_1139, %dma_start3A_1140, %dma_start3A_1141] : memref<25x80x16xf32, #tpu.memory_space<vmem>> -> memref<1x80x16xf32, #tpu.memory_space<vmem>>
      %dma_start3A_1143 = tpu.memref_squeeze %dma_start3A_1142 : memref<1x80x16xf32, #tpu.memory_space<vmem>> -> memref<80x16xf32, #tpu.memory_space<vmem>>
      %dma_start3A_1144 = arith.constant 0 : i32
      %dma_start3A_1145 = arith.constant 0 : i32
      %dma_start3A_1146 = tpu.memref_slice %arg4[%add3A, %dma_start3A_1144, %dma_start3A_1145] : memref<32x10000x16xf32, #tpu.memory_space<hbm>> -> memref<1x10000x16xf32, #tpu.memory_space<hbm>>
      %dma_start3A_1147 = tpu.memref_squeeze %dma_start3A_1146 : memref<1x10000x16xf32, #tpu.memory_space<hbm>> -> memref<10000x16xf32, #tpu.memory_space<hbm>>
      %dma_start3A_1148 = arith.constant 0 : i32
      %dma_start3A_1149 = tpu.memref_slice %dma_start3A_1147[%mul3A_1138, %dma_start3A_1148] : memref<10000x16xf32, #tpu.memory_space<hbm>> -> memref<80x16xf32, #tpu.memory_space<hbm>>
      %dma_start3A_1150 = arith.constant 0 : i32
      %dma_start3A_1151 = arith.constant 0 : i32
      %dma_start3A_1152 = tpu.memref_slice %arg4[%add3A, %dma_start3A_1150, %dma_start3A_1151] : memref<32x10000x16xf32, #tpu.memory_space<hbm>> -> memref<1x10000x16xf32, #tpu.memory_space<hbm>>
      %dma_start3A_1153 = tpu.memref_squeeze %dma_start3A_1152 : memref<1x10000x16xf32, #tpu.memory_space<hbm>> -> memref<10000x16xf32, #tpu.memory_space<hbm>>
      %dma_start3A_1154 = arith.constant 0 : i32
      %dma_start3A_1155 = tpu.memref_slice %dma_start3A_1153[%mul3A_1138, %dma_start3A_1154] : memref<10000x16xf32, #tpu.memory_space<hbm>> -> memref<80x16xf32, #tpu.memory_space<hbm>>
      %dma_start3A_1156 = arith.constant 0 : i32
      %dma_start3A_1157 = arith.constant 0 : i32
      %dma_start3A_1158 = tpu.memref_slice %arg6[%dma_start3A_1139, %dma_start3A_1156, %dma_start3A_1157] : memref<25x80x16xf32, #tpu.memory_space<vmem>> -> memref<1x80x16xf32, #tpu.memory_space<vmem>>
      %dma_start3A_1159 = tpu.memref_squeeze %dma_start3A_1158 : memref<1x80x16xf32, #tpu.memory_space<vmem>> -> memref<80x16xf32, #tpu.memory_space<vmem>>
      tpu.enqueue_dma source(%dma_start3A_1159 : memref<80x16xf32, #tpu.memory_space<vmem>>) target(%dma_start3A_1155 : memref<80x16xf32, #tpu.memory_space<hbm>>) target_semaphore(%arg8 : memref<!tpu.dma_semaphore, #tpu.memory_space<semaphore_mem>>)
      %add3A_1160 = arith.constant 18 : i32
      %add3A_1161 = arith.addi %mul3A_11, %add3A_1160 : i32
      %mul3A_1162 = arith.constant 80 : i32
      %mul3A_1163 = arith.muli %add3A_1161, %mul3A_1162 : i32
      %dma_start3A_1164 = arith.constant 18 : i32
      %dma_start3A_1165 = arith.constant 0 : i32
      %dma_start3A_1166 = arith.constant 0 : i32
      %dma_start3A_1167 = tpu.memref_slice %arg6[%dma_start3A_1164, %dma_start3A_1165, %dma_start3A_1166] : memref<25x80x16xf32, #tpu.memory_space<vmem>> -> memref<1x80x16xf32, #tpu.memory_space<vmem>>
      %dma_start3A_1168 = tpu.memref_squeeze %dma_start3A_1167 : memref<1x80x16xf32, #tpu.memory_space<vmem>> -> memref<80x16xf32, #tpu.memory_space<vmem>>
      %dma_start3A_1169 = arith.constant 0 : i32
      %dma_start3A_1170 = arith.constant 0 : i32
      %dma_start3A_1171 = tpu.memref_slice %arg4[%add3A, %dma_start3A_1169, %dma_start3A_1170] : memref<32x10000x16xf32, #tpu.memory_space<hbm>> -> memref<1x10000x16xf32, #tpu.memory_space<hbm>>
      %dma_start3A_1172 = tpu.memref_squeeze %dma_start3A_1171 : memref<1x10000x16xf32, #tpu.memory_space<hbm>> -> memref<10000x16xf32, #tpu.memory_space<hbm>>
      %dma_start3A_1173 = arith.constant 0 : i32
      %dma_start3A_1174 = tpu.memref_slice %dma_start3A_1172[%mul3A_1163, %dma_start3A_1173] : memref<10000x16xf32, #tpu.memory_space<hbm>> -> memref<80x16xf32, #tpu.memory_space<hbm>>
      %dma_start3A_1175 = arith.constant 0 : i32
      %dma_start3A_1176 = arith.constant 0 : i32
      %dma_start3A_1177 = tpu.memref_slice %arg4[%add3A, %dma_start3A_1175, %dma_start3A_1176] : memref<32x10000x16xf32, #tpu.memory_space<hbm>> -> memref<1x10000x16xf32, #tpu.memory_space<hbm>>
      %dma_start3A_1178 = tpu.memref_squeeze %dma_start3A_1177 : memref<1x10000x16xf32, #tpu.memory_space<hbm>> -> memref<10000x16xf32, #tpu.memory_space<hbm>>
      %dma_start3A_1179 = arith.constant 0 : i32
      %dma_start3A_1180 = tpu.memref_slice %dma_start3A_1178[%mul3A_1163, %dma_start3A_1179] : memref<10000x16xf32, #tpu.memory_space<hbm>> -> memref<80x16xf32, #tpu.memory_space<hbm>>
      %dma_start3A_1181 = arith.constant 0 : i32
      %dma_start3A_1182 = arith.constant 0 : i32
      %dma_start3A_1183 = tpu.memref_slice %arg6[%dma_start3A_1164, %dma_start3A_1181, %dma_start3A_1182] : memref<25x80x16xf32, #tpu.memory_space<vmem>> -> memref<1x80x16xf32, #tpu.memory_space<vmem>>
      %dma_start3A_1184 = tpu.memref_squeeze %dma_start3A_1183 : memref<1x80x16xf32, #tpu.memory_space<vmem>> -> memref<80x16xf32, #tpu.memory_space<vmem>>
      tpu.enqueue_dma source(%dma_start3A_1184 : memref<80x16xf32, #tpu.memory_space<vmem>>) target(%dma_start3A_1180 : memref<80x16xf32, #tpu.memory_space<hbm>>) target_semaphore(%arg8 : memref<!tpu.dma_semaphore, #tpu.memory_space<semaphore_mem>>)
      %add3A_1185 = arith.constant 19 : i32
      %add3A_1186 = arith.addi %mul3A_11, %add3A_1185 : i32
      %mul3A_1187 = arith.constant 80 : i32
      %mul3A_1188 = arith.muli %add3A_1186, %mul3A_1187 : i32
      %dma_start3A_1189 = arith.constant 19 : i32
      %dma_start3A_1190 = arith.constant 0 : i32
      %dma_start3A_1191 = arith.constant 0 : i32
      %dma_start3A_1192 = tpu.memref_slice %arg6[%dma_start3A_1189, %dma_start3A_1190, %dma_start3A_1191] : memref<25x80x16xf32, #tpu.memory_space<vmem>> -> memref<1x80x16xf32, #tpu.memory_space<vmem>>
      %dma_start3A_1193 = tpu.memref_squeeze %dma_start3A_1192 : memref<1x80x16xf32, #tpu.memory_space<vmem>> -> memref<80x16xf32, #tpu.memory_space<vmem>>
      %dma_start3A_1194 = arith.constant 0 : i32
      %dma_start3A_1195 = arith.constant 0 : i32
      %dma_start3A_1196 = tpu.memref_slice %arg4[%add3A, %dma_start3A_1194, %dma_start3A_1195] : memref<32x10000x16xf32, #tpu.memory_space<hbm>> -> memref<1x10000x16xf32, #tpu.memory_space<hbm>>
      %dma_start3A_1197 = tpu.memref_squeeze %dma_start3A_1196 : memref<1x10000x16xf32, #tpu.memory_space<hbm>> -> memref<10000x16xf32, #tpu.memory_space<hbm>>
      %dma_start3A_1198 = arith.constant 0 : i32
      %dma_start3A_1199 = tpu.memref_slice %dma_start3A_1197[%mul3A_1188, %dma_start3A_1198] : memref<10000x16xf32, #tpu.memory_space<hbm>> -> memref<80x16xf32, #tpu.memory_space<hbm>>
      %dma_start3A_1200 = arith.constant 0 : i32
      %dma_start3A_1201 = arith.constant 0 : i32
      %dma_start3A_1202 = tpu.memref_slice %arg4[%add3A, %dma_start3A_1200, %dma_start3A_1201] : memref<32x10000x16xf32, #tpu.memory_space<hbm>> -> memref<1x10000x16xf32, #tpu.memory_space<hbm>>
      %dma_start3A_1203 = tpu.memref_squeeze %dma_start3A_1202 : memref<1x10000x16xf32, #tpu.memory_space<hbm>> -> memref<10000x16xf32, #tpu.memory_space<hbm>>
      %dma_start3A_1204 = arith.constant 0 : i32
      %dma_start3A_1205 = tpu.memref_slice %dma_start3A_1203[%mul3A_1188, %dma_start3A_1204] : memref<10000x16xf32, #tpu.memory_space<hbm>> -> memref<80x16xf32, #tpu.memory_space<hbm>>
      %dma_start3A_1206 = arith.constant 0 : i32
      %dma_start3A_1207 = arith.constant 0 : i32
      %dma_start3A_1208 = tpu.memref_slice %arg6[%dma_start3A_1189, %dma_start3A_1206, %dma_start3A_1207] : memref<25x80x16xf32, #tpu.memory_space<vmem>> -> memref<1x80x16xf32, #tpu.memory_space<vmem>>
      %dma_start3A_1209 = tpu.memref_squeeze %dma_start3A_1208 : memref<1x80x16xf32, #tpu.memory_space<vmem>> -> memref<80x16xf32, #tpu.memory_space<vmem>>
      tpu.enqueue_dma source(%dma_start3A_1209 : memref<80x16xf32, #tpu.memory_space<vmem>>) target(%dma_start3A_1205 : memref<80x16xf32, #tpu.memory_space<hbm>>) target_semaphore(%arg8 : memref<!tpu.dma_semaphore, #tpu.memory_space<semaphore_mem>>)
      %add3A_1210 = arith.constant 20 : i32
      %add3A_1211 = arith.addi %mul3A_11, %add3A_1210 : i32
      %mul3A_1212 = arith.constant 80 : i32
      %mul3A_1213 = arith.muli %add3A_1211, %mul3A_1212 : i32
      %dma_start3A_1214 = arith.constant 20 : i32
      %dma_start3A_1215 = arith.constant 0 : i32
      %dma_start3A_1216 = arith.constant 0 : i32
      %dma_start3A_1217 = tpu.memref_slice %arg6[%dma_start3A_1214, %dma_start3A_1215, %dma_start3A_1216] : memref<25x80x16xf32, #tpu.memory_space<vmem>> -> memref<1x80x16xf32, #tpu.memory_space<vmem>>
      %dma_start3A_1218 = tpu.memref_squeeze %dma_start3A_1217 : memref<1x80x16xf32, #tpu.memory_space<vmem>> -> memref<80x16xf32, #tpu.memory_space<vmem>>
      %dma_start3A_1219 = arith.constant 0 : i32
      %dma_start3A_1220 = arith.constant 0 : i32
      %dma_start3A_1221 = tpu.memref_slice %arg4[%add3A, %dma_start3A_1219, %dma_start3A_1220] : memref<32x10000x16xf32, #tpu.memory_space<hbm>> -> memref<1x10000x16xf32, #tpu.memory_space<hbm>>
      %dma_start3A_1222 = tpu.memref_squeeze %dma_start3A_1221 : memref<1x10000x16xf32, #tpu.memory_space<hbm>> -> memref<10000x16xf32, #tpu.memory_space<hbm>>
      %dma_start3A_1223 = arith.constant 0 : i32
      %dma_start3A_1224 = tpu.memref_slice %dma_start3A_1222[%mul3A_1213, %dma_start3A_1223] : memref<10000x16xf32, #tpu.memory_space<hbm>> -> memref<80x16xf32, #tpu.memory_space<hbm>>
      %dma_start3A_1225 = arith.constant 0 : i32
      %dma_start3A_1226 = arith.constant 0 : i32
      %dma_start3A_1227 = tpu.memref_slice %arg4[%add3A, %dma_start3A_1225, %dma_start3A_1226] : memref<32x10000x16xf32, #tpu.memory_space<hbm>> -> memref<1x10000x16xf32, #tpu.memory_space<hbm>>
      %dma_start3A_1228 = tpu.memref_squeeze %dma_start3A_1227 : memref<1x10000x16xf32, #tpu.memory_space<hbm>> -> memref<10000x16xf32, #tpu.memory_space<hbm>>
      %dma_start3A_1229 = arith.constant 0 : i32
      %dma_start3A_1230 = tpu.memref_slice %dma_start3A_1228[%mul3A_1213, %dma_start3A_1229] : memref<10000x16xf32, #tpu.memory_space<hbm>> -> memref<80x16xf32, #tpu.memory_space<hbm>>
      %dma_start3A_1231 = arith.constant 0 : i32
      %dma_start3A_1232 = arith.constant 0 : i32
      %dma_start3A_1233 = tpu.memref_slice %arg6[%dma_start3A_1214, %dma_start3A_1231, %dma_start3A_1232] : memref<25x80x16xf32, #tpu.memory_space<vmem>> -> memref<1x80x16xf32, #tpu.memory_space<vmem>>
      %dma_start3A_1234 = tpu.memref_squeeze %dma_start3A_1233 : memref<1x80x16xf32, #tpu.memory_space<vmem>> -> memref<80x16xf32, #tpu.memory_space<vmem>>
      tpu.enqueue_dma source(%dma_start3A_1234 : memref<80x16xf32, #tpu.memory_space<vmem>>) target(%dma_start3A_1230 : memref<80x16xf32, #tpu.memory_space<hbm>>) target_semaphore(%arg8 : memref<!tpu.dma_semaphore, #tpu.memory_space<semaphore_mem>>)
      %add3A_1235 = arith.constant 21 : i32
      %add3A_1236 = arith.addi %mul3A_11, %add3A_1235 : i32
      %mul3A_1237 = arith.constant 80 : i32
      %mul3A_1238 = arith.muli %add3A_1236, %mul3A_1237 : i32
      %dma_start3A_1239 = arith.constant 21 : i32
      %dma_start3A_1240 = arith.constant 0 : i32
      %dma_start3A_1241 = arith.constant 0 : i32
      %dma_start3A_1242 = tpu.memref_slice %arg6[%dma_start3A_1239, %dma_start3A_1240, %dma_start3A_1241] : memref<25x80x16xf32, #tpu.memory_space<vmem>> -> memref<1x80x16xf32, #tpu.memory_space<vmem>>
      %dma_start3A_1243 = tpu.memref_squeeze %dma_start3A_1242 : memref<1x80x16xf32, #tpu.memory_space<vmem>> -> memref<80x16xf32, #tpu.memory_space<vmem>>
      %dma_start3A_1244 = arith.constant 0 : i32
      %dma_start3A_1245 = arith.constant 0 : i32
      %dma_start3A_1246 = tpu.memref_slice %arg4[%add3A, %dma_start3A_1244, %dma_start3A_1245] : memref<32x10000x16xf32, #tpu.memory_space<hbm>> -> memref<1x10000x16xf32, #tpu.memory_space<hbm>>
      %dma_start3A_1247 = tpu.memref_squeeze %dma_start3A_1246 : memref<1x10000x16xf32, #tpu.memory_space<hbm>> -> memref<10000x16xf32, #tpu.memory_space<hbm>>
      %dma_start3A_1248 = arith.constant 0 : i32
      %dma_start3A_1249 = tpu.memref_slice %dma_start3A_1247[%mul3A_1238, %dma_start3A_1248] : memref<10000x16xf32, #tpu.memory_space<hbm>> -> memref<80x16xf32, #tpu.memory_space<hbm>>
      %dma_start3A_1250 = arith.constant 0 : i32
      %dma_start3A_1251 = arith.constant 0 : i32
      %dma_start3A_1252 = tpu.memref_slice %arg4[%add3A, %dma_start3A_1250, %dma_start3A_1251] : memref<32x10000x16xf32, #tpu.memory_space<hbm>> -> memref<1x10000x16xf32, #tpu.memory_space<hbm>>
      %dma_start3A_1253 = tpu.memref_squeeze %dma_start3A_1252 : memref<1x10000x16xf32, #tpu.memory_space<hbm>> -> memref<10000x16xf32, #tpu.memory_space<hbm>>
      %dma_start3A_1254 = arith.constant 0 : i32
      %dma_start3A_1255 = tpu.memref_slice %dma_start3A_1253[%mul3A_1238, %dma_start3A_1254] : memref<10000x16xf32, #tpu.memory_space<hbm>> -> memref<80x16xf32, #tpu.memory_space<hbm>>
      %dma_start3A_1256 = arith.constant 0 : i32
      %dma_start3A_1257 = arith.constant 0 : i32
      %dma_start3A_1258 = tpu.memref_slice %arg6[%dma_start3A_1239, %dma_start3A_1256, %dma_start3A_1257] : memref<25x80x16xf32, #tpu.memory_space<vmem>> -> memref<1x80x16xf32, #tpu.memory_space<vmem>>
      %dma_start3A_1259 = tpu.memref_squeeze %dma_start3A_1258 : memref<1x80x16xf32, #tpu.memory_space<vmem>> -> memref<80x16xf32, #tpu.memory_space<vmem>>
      tpu.enqueue_dma source(%dma_start3A_1259 : memref<80x16xf32, #tpu.memory_space<vmem>>) target(%dma_start3A_1255 : memref<80x16xf32, #tpu.memory_space<hbm>>) target_semaphore(%arg8 : memref<!tpu.dma_semaphore, #tpu.memory_space<semaphore_mem>>)
      %add3A_1260 = arith.constant 22 : i32
      %add3A_1261 = arith.addi %mul3A_11, %add3A_1260 : i32
      %mul3A_1262 = arith.constant 80 : i32
      %mul3A_1263 = arith.muli %add3A_1261, %mul3A_1262 : i32
      %dma_start3A_1264 = arith.constant 22 : i32
      %dma_start3A_1265 = arith.constant 0 : i32
      %dma_start3A_1266 = arith.constant 0 : i32
      %dma_start3A_1267 = tpu.memref_slice %arg6[%dma_start3A_1264, %dma_start3A_1265, %dma_start3A_1266] : memref<25x80x16xf32, #tpu.memory_space<vmem>> -> memref<1x80x16xf32, #tpu.memory_space<vmem>>
      %dma_start3A_1268 = tpu.memref_squeeze %dma_start3A_1267 : memref<1x80x16xf32, #tpu.memory_space<vmem>> -> memref<80x16xf32, #tpu.memory_space<vmem>>
      %dma_start3A_1269 = arith.constant 0 : i32
      %dma_start3A_1270 = arith.constant 0 : i32
      %dma_start3A_1271 = tpu.memref_slice %arg4[%add3A, %dma_start3A_1269, %dma_start3A_1270] : memref<32x10000x16xf32, #tpu.memory_space<hbm>> -> memref<1x10000x16xf32, #tpu.memory_space<hbm>>
      %dma_start3A_1272 = tpu.memref_squeeze %dma_start3A_1271 : memref<1x10000x16xf32, #tpu.memory_space<hbm>> -> memref<10000x16xf32, #tpu.memory_space<hbm>>
      %dma_start3A_1273 = arith.constant 0 : i32
      %dma_start3A_1274 = tpu.memref_slice %dma_start3A_1272[%mul3A_1263, %dma_start3A_1273] : memref<10000x16xf32, #tpu.memory_space<hbm>> -> memref<80x16xf32, #tpu.memory_space<hbm>>
      %dma_start3A_1275 = arith.constant 0 : i32
      %dma_start3A_1276 = arith.constant 0 : i32
      %dma_start3A_1277 = tpu.memref_slice %arg4[%add3A, %dma_start3A_1275, %dma_start3A_1276] : memref<32x10000x16xf32, #tpu.memory_space<hbm>> -> memref<1x10000x16xf32, #tpu.memory_space<hbm>>
      %dma_start3A_1278 = tpu.memref_squeeze %dma_start3A_1277 : memref<1x10000x16xf32, #tpu.memory_space<hbm>> -> memref<10000x16xf32, #tpu.memory_space<hbm>>
      %dma_start3A_1279 = arith.constant 0 : i32
      %dma_start3A_1280 = tpu.memref_slice %dma_start3A_1278[%mul3A_1263, %dma_start3A_1279] : memref<10000x16xf32, #tpu.memory_space<hbm>> -> memref<80x16xf32, #tpu.memory_space<hbm>>
      %dma_start3A_1281 = arith.constant 0 : i32
      %dma_start3A_1282 = arith.constant 0 : i32
      %dma_start3A_1283 = tpu.memref_slice %arg6[%dma_start3A_1264, %dma_start3A_1281, %dma_start3A_1282] : memref<25x80x16xf32, #tpu.memory_space<vmem>> -> memref<1x80x16xf32, #tpu.memory_space<vmem>>
      %dma_start3A_1284 = tpu.memref_squeeze %dma_start3A_1283 : memref<1x80x16xf32, #tpu.memory_space<vmem>> -> memref<80x16xf32, #tpu.memory_space<vmem>>
      tpu.enqueue_dma source(%dma_start3A_1284 : memref<80x16xf32, #tpu.memory_space<vmem>>) target(%dma_start3A_1280 : memref<80x16xf32, #tpu.memory_space<hbm>>) target_semaphore(%arg8 : memref<!tpu.dma_semaphore, #tpu.memory_space<semaphore_mem>>)
      %add3A_1285 = arith.constant 23 : i32
      %add3A_1286 = arith.addi %mul3A_11, %add3A_1285 : i32
      %mul3A_1287 = arith.constant 80 : i32
      %mul3A_1288 = arith.muli %add3A_1286, %mul3A_1287 : i32
      %dma_start3A_1289 = arith.constant 23 : i32
      %dma_start3A_1290 = arith.constant 0 : i32
      %dma_start3A_1291 = arith.constant 0 : i32
      %dma_start3A_1292 = tpu.memref_slice %arg6[%dma_start3A_1289, %dma_start3A_1290, %dma_start3A_1291] : memref<25x80x16xf32, #tpu.memory_space<vmem>> -> memref<1x80x16xf32, #tpu.memory_space<vmem>>
      %dma_start3A_1293 = tpu.memref_squeeze %dma_start3A_1292 : memref<1x80x16xf32, #tpu.memory_space<vmem>> -> memref<80x16xf32, #tpu.memory_space<vmem>>
      %dma_start3A_1294 = arith.constant 0 : i32
      %dma_start3A_1295 = arith.constant 0 : i32
      %dma_start3A_1296 = tpu.memref_slice %arg4[%add3A, %dma_start3A_1294, %dma_start3A_1295] : memref<32x10000x16xf32, #tpu.memory_space<hbm>> -> memref<1x10000x16xf32, #tpu.memory_space<hbm>>
      %dma_start3A_1297 = tpu.memref_squeeze %dma_start3A_1296 : memref<1x10000x16xf32, #tpu.memory_space<hbm>> -> memref<10000x16xf32, #tpu.memory_space<hbm>>
      %dma_start3A_1298 = arith.constant 0 : i32
      %dma_start3A_1299 = tpu.memref_slice %dma_start3A_1297[%mul3A_1288, %dma_start3A_1298] : memref<10000x16xf32, #tpu.memory_space<hbm>> -> memref<80x16xf32, #tpu.memory_space<hbm>>
      %dma_start3A_1300 = arith.constant 0 : i32
      %dma_start3A_1301 = arith.constant 0 : i32
      %dma_start3A_1302 = tpu.memref_slice %arg4[%add3A, %dma_start3A_1300, %dma_start3A_1301] : memref<32x10000x16xf32, #tpu.memory_space<hbm>> -> memref<1x10000x16xf32, #tpu.memory_space<hbm>>
      %dma_start3A_1303 = tpu.memref_squeeze %dma_start3A_1302 : memref<1x10000x16xf32, #tpu.memory_space<hbm>> -> memref<10000x16xf32, #tpu.memory_space<hbm>>
      %dma_start3A_1304 = arith.constant 0 : i32
      %dma_start3A_1305 = tpu.memref_slice %dma_start3A_1303[%mul3A_1288, %dma_start3A_1304] : memref<10000x16xf32, #tpu.memory_space<hbm>> -> memref<80x16xf32, #tpu.memory_space<hbm>>
      %dma_start3A_1306 = arith.constant 0 : i32
      %dma_start3A_1307 = arith.constant 0 : i32
      %dma_start3A_1308 = tpu.memref_slice %arg6[%dma_start3A_1289, %dma_start3A_1306, %dma_start3A_1307] : memref<25x80x16xf32, #tpu.memory_space<vmem>> -> memref<1x80x16xf32, #tpu.memory_space<vmem>>
      %dma_start3A_1309 = tpu.memref_squeeze %dma_start3A_1308 : memref<1x80x16xf32, #tpu.memory_space<vmem>> -> memref<80x16xf32, #tpu.memory_space<vmem>>
      tpu.enqueue_dma source(%dma_start3A_1309 : memref<80x16xf32, #tpu.memory_space<vmem>>) target(%dma_start3A_1305 : memref<80x16xf32, #tpu.memory_space<hbm>>) target_semaphore(%arg8 : memref<!tpu.dma_semaphore, #tpu.memory_space<semaphore_mem>>)
      %add3A_1310 = arith.constant 24 : i32
      %add3A_1311 = arith.addi %mul3A_11, %add3A_1310 : i32
      %mul3A_1312 = arith.constant 80 : i32
      %mul3A_1313 = arith.muli %add3A_1311, %mul3A_1312 : i32
      %dma_start3A_1314 = arith.constant 24 : i32
      %dma_start3A_1315 = arith.constant 0 : i32
      %dma_start3A_1316 = arith.constant 0 : i32
      %dma_start3A_1317 = tpu.memref_slice %arg6[%dma_start3A_1314, %dma_start3A_1315, %dma_start3A_1316] : memref<25x80x16xf32, #tpu.memory_space<vmem>> -> memref<1x80x16xf32, #tpu.memory_space<vmem>>
      %dma_start3A_1318 = tpu.memref_squeeze %dma_start3A_1317 : memref<1x80x16xf32, #tpu.memory_space<vmem>> -> memref<80x16xf32, #tpu.memory_space<vmem>>
      %dma_start3A_1319 = arith.constant 0 : i32
      %dma_start3A_1320 = arith.constant 0 : i32
      %dma_start3A_1321 = tpu.memref_slice %arg4[%add3A, %dma_start3A_1319, %dma_start3A_1320] : memref<32x10000x16xf32, #tpu.memory_space<hbm>> -> memref<1x10000x16xf32, #tpu.memory_space<hbm>>
      %dma_start3A_1322 = tpu.memref_squeeze %dma_start3A_1321 : memref<1x10000x16xf32, #tpu.memory_space<hbm>> -> memref<10000x16xf32, #tpu.memory_space<hbm>>
      %dma_start3A_1323 = arith.constant 0 : i32
      %dma_start3A_1324 = tpu.memref_slice %dma_start3A_1322[%mul3A_1313, %dma_start3A_1323] : memref<10000x16xf32, #tpu.memory_space<hbm>> -> memref<80x16xf32, #tpu.memory_space<hbm>>
      %dma_start3A_1325 = arith.constant 0 : i32
      %dma_start3A_1326 = arith.constant 0 : i32
      %dma_start3A_1327 = tpu.memref_slice %arg4[%add3A, %dma_start3A_1325, %dma_start3A_1326] : memref<32x10000x16xf32, #tpu.memory_space<hbm>> -> memref<1x10000x16xf32, #tpu.memory_space<hbm>>
      %dma_start3A_1328 = tpu.memref_squeeze %dma_start3A_1327 : memref<1x10000x16xf32, #tpu.memory_space<hbm>> -> memref<10000x16xf32, #tpu.memory_space<hbm>>
      %dma_start3A_1329 = arith.constant 0 : i32
      %dma_start3A_1330 = tpu.memref_slice %dma_start3A_1328[%mul3A_1313, %dma_start3A_1329] : memref<10000x16xf32, #tpu.memory_space<hbm>> -> memref<80x16xf32, #tpu.memory_space<hbm>>
      %dma_start3A_1331 = arith.constant 0 : i32
      %dma_start3A_1332 = arith.constant 0 : i32
      %dma_start3A_1333 = tpu.memref_slice %arg6[%dma_start3A_1314, %dma_start3A_1331, %dma_start3A_1332] : memref<25x80x16xf32, #tpu.memory_space<vmem>> -> memref<1x80x16xf32, #tpu.memory_space<vmem>>
      %dma_start3A_1334 = tpu.memref_squeeze %dma_start3A_1333 : memref<1x80x16xf32, #tpu.memory_space<vmem>> -> memref<80x16xf32, #tpu.memory_space<vmem>>
      tpu.enqueue_dma source(%dma_start3A_1334 : memref<80x16xf32, #tpu.memory_space<vmem>>) target(%dma_start3A_1330 : memref<80x16xf32, #tpu.memory_space<hbm>>) target_semaphore(%arg8 : memref<!tpu.dma_semaphore, #tpu.memory_space<semaphore_mem>>)
      %add3A_1335 = arith.constant 0 : i32
      %add3A_1336 = arith.addi %mul3A_11, %add3A_1335 : i32
      %mul3A_1337 = arith.constant 80 : i32
      %mul3A_1338 = arith.muli %add3A_1336, %mul3A_1337 : i32
      %dma_wait3A_1339 = arith.constant 0 : i32
      %dma_wait3A_1340 = arith.constant 0 : i32
      %dma_wait3A_1341 = arith.constant 0 : i32
      %dma_wait3A_1342 = tpu.memref_slice %arg6[%dma_wait3A_1339, %dma_wait3A_1340, %dma_wait3A_1341] : memref<25x80x16xf32, #tpu.memory_space<vmem>> -> memref<1x80x16xf32, #tpu.memory_space<vmem>>
      %dma_wait3A_1343 = tpu.memref_squeeze %dma_wait3A_1342 : memref<1x80x16xf32, #tpu.memory_space<vmem>> -> memref<80x16xf32, #tpu.memory_space<vmem>>
      %dma_wait3A_1344 = arith.constant 0 : i32
      %dma_wait3A_1345 = arith.constant 0 : i32
      %dma_wait3A_1346 = tpu.memref_slice %arg4[%add3A, %dma_wait3A_1344, %dma_wait3A_1345] : memref<32x10000x16xf32, #tpu.memory_space<hbm>> -> memref<1x10000x16xf32, #tpu.memory_space<hbm>>
      %dma_wait3A_1347 = tpu.memref_squeeze %dma_wait3A_1346 : memref<1x10000x16xf32, #tpu.memory_space<hbm>> -> memref<10000x16xf32, #tpu.memory_space<hbm>>
      %dma_wait3A_1348 = arith.constant 0 : i32
      %dma_wait3A_1349 = tpu.memref_slice %dma_wait3A_1347[%mul3A_1338, %dma_wait3A_1348] : memref<10000x16xf32, #tpu.memory_space<hbm>> -> memref<80x16xf32, #tpu.memory_space<hbm>>
      %dma_wait3A_1350 = arith.constant 0 : i32
      %dma_wait3A_1351 = arith.constant 0 : i32
      %dma_wait3A_1352 = tpu.memref_slice %arg4[%add3A, %dma_wait3A_1350, %dma_wait3A_1351] : memref<32x10000x16xf32, #tpu.memory_space<hbm>> -> memref<1x10000x16xf32, #tpu.memory_space<hbm>>
      %dma_wait3A_1353 = tpu.memref_squeeze %dma_wait3A_1352 : memref<1x10000x16xf32, #tpu.memory_space<hbm>> -> memref<10000x16xf32, #tpu.memory_space<hbm>>
      %dma_wait3A_1354 = arith.constant 0 : i32
      %dma_wait3A_1355 = tpu.memref_slice %dma_wait3A_1353[%mul3A_1338, %dma_wait3A_1354] : memref<10000x16xf32, #tpu.memory_space<hbm>> -> memref<80x16xf32, #tpu.memory_space<hbm>>
      %dma_wait3A_1356 = arith.constant 0 : i32
      %dma_wait3A_1357 = arith.constant 0 : i32
      %dma_wait3A_1358 = tpu.memref_slice %arg6[%dma_wait3A_1339, %dma_wait3A_1356, %dma_wait3A_1357] : memref<25x80x16xf32, #tpu.memory_space<vmem>> -> memref<1x80x16xf32, #tpu.memory_space<vmem>>
      %dma_wait3A_1359 = tpu.memref_squeeze %dma_wait3A_1358 : memref<1x80x16xf32, #tpu.memory_space<vmem>> -> memref<80x16xf32, #tpu.memory_space<vmem>>
      tpu.wait_dma2 semaphore(%arg8 : memref<!tpu.dma_semaphore, #tpu.memory_space<semaphore_mem>>) src(%dma_wait3A_1359 : memref<80x16xf32, #tpu.memory_space<vmem>>) dst(%dma_wait3A_1355 : memref<80x16xf32, #tpu.memory_space<hbm>>)
      %add3A_1360 = arith.constant 1 : i32
      %add3A_1361 = arith.addi %mul3A_11, %add3A_1360 : i32
      %mul3A_1362 = arith.constant 80 : i32
      %mul3A_1363 = arith.muli %add3A_1361, %mul3A_1362 : i32
      %dma_wait3A_1364 = arith.constant 1 : i32
      %dma_wait3A_1365 = arith.constant 0 : i32
      %dma_wait3A_1366 = arith.constant 0 : i32
      %dma_wait3A_1367 = tpu.memref_slice %arg6[%dma_wait3A_1364, %dma_wait3A_1365, %dma_wait3A_1366] : memref<25x80x16xf32, #tpu.memory_space<vmem>> -> memref<1x80x16xf32, #tpu.memory_space<vmem>>
      %dma_wait3A_1368 = tpu.memref_squeeze %dma_wait3A_1367 : memref<1x80x16xf32, #tpu.memory_space<vmem>> -> memref<80x16xf32, #tpu.memory_space<vmem>>
      %dma_wait3A_1369 = arith.constant 0 : i32
      %dma_wait3A_1370 = arith.constant 0 : i32
      %dma_wait3A_1371 = tpu.memref_slice %arg4[%add3A, %dma_wait3A_1369, %dma_wait3A_1370] : memref<32x10000x16xf32, #tpu.memory_space<hbm>> -> memref<1x10000x16xf32, #tpu.memory_space<hbm>>
      %dma_wait3A_1372 = tpu.memref_squeeze %dma_wait3A_1371 : memref<1x10000x16xf32, #tpu.memory_space<hbm>> -> memref<10000x16xf32, #tpu.memory_space<hbm>>
      %dma_wait3A_1373 = arith.constant 0 : i32
      %dma_wait3A_1374 = tpu.memref_slice %dma_wait3A_1372[%mul3A_1363, %dma_wait3A_1373] : memref<10000x16xf32, #tpu.memory_space<hbm>> -> memref<80x16xf32, #tpu.memory_space<hbm>>
      %dma_wait3A_1375 = arith.constant 0 : i32
      %dma_wait3A_1376 = arith.constant 0 : i32
      %dma_wait3A_1377 = tpu.memref_slice %arg4[%add3A, %dma_wait3A_1375, %dma_wait3A_1376] : memref<32x10000x16xf32, #tpu.memory_space<hbm>> -> memref<1x10000x16xf32, #tpu.memory_space<hbm>>
      %dma_wait3A_1378 = tpu.memref_squeeze %dma_wait3A_1377 : memref<1x10000x16xf32, #tpu.memory_space<hbm>> -> memref<10000x16xf32, #tpu.memory_space<hbm>>
      %dma_wait3A_1379 = arith.constant 0 : i32
      %dma_wait3A_1380 = tpu.memref_slice %dma_wait3A_1378[%mul3A_1363, %dma_wait3A_1379] : memref<10000x16xf32, #tpu.memory_space<hbm>> -> memref<80x16xf32, #tpu.memory_space<hbm>>
      %dma_wait3A_1381 = arith.constant 0 : i32
      %dma_wait3A_1382 = arith.constant 0 : i32
      %dma_wait3A_1383 = tpu.memref_slice %arg6[%dma_wait3A_1364, %dma_wait3A_1381, %dma_wait3A_1382] : memref<25x80x16xf32, #tpu.memory_space<vmem>> -> memref<1x80x16xf32, #tpu.memory_space<vmem>>
      %dma_wait3A_1384 = tpu.memref_squeeze %dma_wait3A_1383 : memref<1x80x16xf32, #tpu.memory_space<vmem>> -> memref<80x16xf32, #tpu.memory_space<vmem>>
      tpu.wait_dma2 semaphore(%arg8 : memref<!tpu.dma_semaphore, #tpu.memory_space<semaphore_mem>>) src(%dma_wait3A_1384 : memref<80x16xf32, #tpu.memory_space<vmem>>) dst(%dma_wait3A_1380 : memref<80x16xf32, #tpu.memory_space<hbm>>)
      %add3A_1385 = arith.constant 2 : i32
      %add3A_1386 = arith.addi %mul3A_11, %add3A_1385 : i32
      %mul3A_1387 = arith.constant 80 : i32
      %mul3A_1388 = arith.muli %add3A_1386, %mul3A_1387 : i32
      %dma_wait3A_1389 = arith.constant 2 : i32
      %dma_wait3A_1390 = arith.constant 0 : i32
      %dma_wait3A_1391 = arith.constant 0 : i32
      %dma_wait3A_1392 = tpu.memref_slice %arg6[%dma_wait3A_1389, %dma_wait3A_1390, %dma_wait3A_1391] : memref<25x80x16xf32, #tpu.memory_space<vmem>> -> memref<1x80x16xf32, #tpu.memory_space<vmem>>
      %dma_wait3A_1393 = tpu.memref_squeeze %dma_wait3A_1392 : memref<1x80x16xf32, #tpu.memory_space<vmem>> -> memref<80x16xf32, #tpu.memory_space<vmem>>
      %dma_wait3A_1394 = arith.constant 0 : i32
      %dma_wait3A_1395 = arith.constant 0 : i32
      %dma_wait3A_1396 = tpu.memref_slice %arg4[%add3A, %dma_wait3A_1394, %dma_wait3A_1395] : memref<32x10000x16xf32, #tpu.memory_space<hbm>> -> memref<1x10000x16xf32, #tpu.memory_space<hbm>>
      %dma_wait3A_1397 = tpu.memref_squeeze %dma_wait3A_1396 : memref<1x10000x16xf32, #tpu.memory_space<hbm>> -> memref<10000x16xf32, #tpu.memory_space<hbm>>
      %dma_wait3A_1398 = arith.constant 0 : i32
      %dma_wait3A_1399 = tpu.memref_slice %dma_wait3A_1397[%mul3A_1388, %dma_wait3A_1398] : memref<10000x16xf32, #tpu.memory_space<hbm>> -> memref<80x16xf32, #tpu.memory_space<hbm>>
      %dma_wait3A_1400 = arith.constant 0 : i32
      %dma_wait3A_1401 = arith.constant 0 : i32
      %dma_wait3A_1402 = tpu.memref_slice %arg4[%add3A, %dma_wait3A_1400, %dma_wait3A_1401] : memref<32x10000x16xf32, #tpu.memory_space<hbm>> -> memref<1x10000x16xf32, #tpu.memory_space<hbm>>
      %dma_wait3A_1403 = tpu.memref_squeeze %dma_wait3A_1402 : memref<1x10000x16xf32, #tpu.memory_space<hbm>> -> memref<10000x16xf32, #tpu.memory_space<hbm>>
      %dma_wait3A_1404 = arith.constant 0 : i32
      %dma_wait3A_1405 = tpu.memref_slice %dma_wait3A_1403[%mul3A_1388, %dma_wait3A_1404] : memref<10000x16xf32, #tpu.memory_space<hbm>> -> memref<80x16xf32, #tpu.memory_space<hbm>>
      %dma_wait3A_1406 = arith.constant 0 : i32
      %dma_wait3A_1407 = arith.constant 0 : i32
      %dma_wait3A_1408 = tpu.memref_slice %arg6[%dma_wait3A_1389, %dma_wait3A_1406, %dma_wait3A_1407] : memref<25x80x16xf32, #tpu.memory_space<vmem>> -> memref<1x80x16xf32, #tpu.memory_space<vmem>>
      %dma_wait3A_1409 = tpu.memref_squeeze %dma_wait3A_1408 : memref<1x80x16xf32, #tpu.memory_space<vmem>> -> memref<80x16xf32, #tpu.memory_space<vmem>>
      tpu.wait_dma2 semaphore(%arg8 : memref<!tpu.dma_semaphore, #tpu.memory_space<semaphore_mem>>) src(%dma_wait3A_1409 : memref<80x16xf32, #tpu.memory_space<vmem>>) dst(%dma_wait3A_1405 : memref<80x16xf32, #tpu.memory_space<hbm>>)
      %add3A_1410 = arith.constant 3 : i32
      %add3A_1411 = arith.addi %mul3A_11, %add3A_1410 : i32
      %mul3A_1412 = arith.constant 80 : i32
      %mul3A_1413 = arith.muli %add3A_1411, %mul3A_1412 : i32
      %dma_wait3A_1414 = arith.constant 3 : i32
      %dma_wait3A_1415 = arith.constant 0 : i32
      %dma_wait3A_1416 = arith.constant 0 : i32
      %dma_wait3A_1417 = tpu.memref_slice %arg6[%dma_wait3A_1414, %dma_wait3A_1415, %dma_wait3A_1416] : memref<25x80x16xf32, #tpu.memory_space<vmem>> -> memref<1x80x16xf32, #tpu.memory_space<vmem>>
      %dma_wait3A_1418 = tpu.memref_squeeze %dma_wait3A_1417 : memref<1x80x16xf32, #tpu.memory_space<vmem>> -> memref<80x16xf32, #tpu.memory_space<vmem>>
      %dma_wait3A_1419 = arith.constant 0 : i32
      %dma_wait3A_1420 = arith.constant 0 : i32
      %dma_wait3A_1421 = tpu.memref_slice %arg4[%add3A, %dma_wait3A_1419, %dma_wait3A_1420] : memref<32x10000x16xf32, #tpu.memory_space<hbm>> -> memref<1x10000x16xf32, #tpu.memory_space<hbm>>
      %dma_wait3A_1422 = tpu.memref_squeeze %dma_wait3A_1421 : memref<1x10000x16xf32, #tpu.memory_space<hbm>> -> memref<10000x16xf32, #tpu.memory_space<hbm>>
      %dma_wait3A_1423 = arith.constant 0 : i32
      %dma_wait3A_1424 = tpu.memref_slice %dma_wait3A_1422[%mul3A_1413, %dma_wait3A_1423] : memref<10000x16xf32, #tpu.memory_space<hbm>> -> memref<80x16xf32, #tpu.memory_space<hbm>>
      %dma_wait3A_1425 = arith.constant 0 : i32
      %dma_wait3A_1426 = arith.constant 0 : i32
      %dma_wait3A_1427 = tpu.memref_slice %arg4[%add3A, %dma_wait3A_1425, %dma_wait3A_1426] : memref<32x10000x16xf32, #tpu.memory_space<hbm>> -> memref<1x10000x16xf32, #tpu.memory_space<hbm>>
      %dma_wait3A_1428 = tpu.memref_squeeze %dma_wait3A_1427 : memref<1x10000x16xf32, #tpu.memory_space<hbm>> -> memref<10000x16xf32, #tpu.memory_space<hbm>>
      %dma_wait3A_1429 = arith.constant 0 : i32
      %dma_wait3A_1430 = tpu.memref_slice %dma_wait3A_1428[%mul3A_1413, %dma_wait3A_1429] : memref<10000x16xf32, #tpu.memory_space<hbm>> -> memref<80x16xf32, #tpu.memory_space<hbm>>
      %dma_wait3A_1431 = arith.constant 0 : i32
      %dma_wait3A_1432 = arith.constant 0 : i32
      %dma_wait3A_1433 = tpu.memref_slice %arg6[%dma_wait3A_1414, %dma_wait3A_1431, %dma_wait3A_1432] : memref<25x80x16xf32, #tpu.memory_space<vmem>> -> memref<1x80x16xf32, #tpu.memory_space<vmem>>
      %dma_wait3A_1434 = tpu.memref_squeeze %dma_wait3A_1433 : memref<1x80x16xf32, #tpu.memory_space<vmem>> -> memref<80x16xf32, #tpu.memory_space<vmem>>
      tpu.wait_dma2 semaphore(%arg8 : memref<!tpu.dma_semaphore, #tpu.memory_space<semaphore_mem>>) src(%dma_wait3A_1434 : memref<80x16xf32, #tpu.memory_space<vmem>>) dst(%dma_wait3A_1430 : memref<80x16xf32, #tpu.memory_space<hbm>>)
      %add3A_1435 = arith.constant 4 : i32
      %add3A_1436 = arith.addi %mul3A_11, %add3A_1435 : i32
      %mul3A_1437 = arith.constant 80 : i32
      %mul3A_1438 = arith.muli %add3A_1436, %mul3A_1437 : i32
      %dma_wait3A_1439 = arith.constant 4 : i32
      %dma_wait3A_1440 = arith.constant 0 : i32
      %dma_wait3A_1441 = arith.constant 0 : i32
      %dma_wait3A_1442 = tpu.memref_slice %arg6[%dma_wait3A_1439, %dma_wait3A_1440, %dma_wait3A_1441] : memref<25x80x16xf32, #tpu.memory_space<vmem>> -> memref<1x80x16xf32, #tpu.memory_space<vmem>>
      %dma_wait3A_1443 = tpu.memref_squeeze %dma_wait3A_1442 : memref<1x80x16xf32, #tpu.memory_space<vmem>> -> memref<80x16xf32, #tpu.memory_space<vmem>>
      %dma_wait3A_1444 = arith.constant 0 : i32
      %dma_wait3A_1445 = arith.constant 0 : i32
      %dma_wait3A_1446 = tpu.memref_slice %arg4[%add3A, %dma_wait3A_1444, %dma_wait3A_1445] : memref<32x10000x16xf32, #tpu.memory_space<hbm>> -> memref<1x10000x16xf32, #tpu.memory_space<hbm>>
      %dma_wait3A_1447 = tpu.memref_squeeze %dma_wait3A_1446 : memref<1x10000x16xf32, #tpu.memory_space<hbm>> -> memref<10000x16xf32, #tpu.memory_space<hbm>>
      %dma_wait3A_1448 = arith.constant 0 : i32
      %dma_wait3A_1449 = tpu.memref_slice %dma_wait3A_1447[%mul3A_1438, %dma_wait3A_1448] : memref<10000x16xf32, #tpu.memory_space<hbm>> -> memref<80x16xf32, #tpu.memory_space<hbm>>
      %dma_wait3A_1450 = arith.constant 0 : i32
      %dma_wait3A_1451 = arith.constant 0 : i32
      %dma_wait3A_1452 = tpu.memref_slice %arg4[%add3A, %dma_wait3A_1450, %dma_wait3A_1451] : memref<32x10000x16xf32, #tpu.memory_space<hbm>> -> memref<1x10000x16xf32, #tpu.memory_space<hbm>>
      %dma_wait3A_1453 = tpu.memref_squeeze %dma_wait3A_1452 : memref<1x10000x16xf32, #tpu.memory_space<hbm>> -> memref<10000x16xf32, #tpu.memory_space<hbm>>
      %dma_wait3A_1454 = arith.constant 0 : i32
      %dma_wait3A_1455 = tpu.memref_slice %dma_wait3A_1453[%mul3A_1438, %dma_wait3A_1454] : memref<10000x16xf32, #tpu.memory_space<hbm>> -> memref<80x16xf32, #tpu.memory_space<hbm>>
      %dma_wait3A_1456 = arith.constant 0 : i32
      %dma_wait3A_1457 = arith.constant 0 : i32
      %dma_wait3A_1458 = tpu.memref_slice %arg6[%dma_wait3A_1439, %dma_wait3A_1456, %dma_wait3A_1457] : memref<25x80x16xf32, #tpu.memory_space<vmem>> -> memref<1x80x16xf32, #tpu.memory_space<vmem>>
      %dma_wait3A_1459 = tpu.memref_squeeze %dma_wait3A_1458 : memref<1x80x16xf32, #tpu.memory_space<vmem>> -> memref<80x16xf32, #tpu.memory_space<vmem>>
      tpu.wait_dma2 semaphore(%arg8 : memref<!tpu.dma_semaphore, #tpu.memory_space<semaphore_mem>>) src(%dma_wait3A_1459 : memref<80x16xf32, #tpu.memory_space<vmem>>) dst(%dma_wait3A_1455 : memref<80x16xf32, #tpu.memory_space<hbm>>)
      %add3A_1460 = arith.constant 5 : i32
      %add3A_1461 = arith.addi %mul3A_11, %add3A_1460 : i32
      %mul3A_1462 = arith.constant 80 : i32
      %mul3A_1463 = arith.muli %add3A_1461, %mul3A_1462 : i32
      %dma_wait3A_1464 = arith.constant 5 : i32
      %dma_wait3A_1465 = arith.constant 0 : i32
      %dma_wait3A_1466 = arith.constant 0 : i32
      %dma_wait3A_1467 = tpu.memref_slice %arg6[%dma_wait3A_1464, %dma_wait3A_1465, %dma_wait3A_1466] : memref<25x80x16xf32, #tpu.memory_space<vmem>> -> memref<1x80x16xf32, #tpu.memory_space<vmem>>
      %dma_wait3A_1468 = tpu.memref_squeeze %dma_wait3A_1467 : memref<1x80x16xf32, #tpu.memory_space<vmem>> -> memref<80x16xf32, #tpu.memory_space<vmem>>
      %dma_wait3A_1469 = arith.constant 0 : i32
      %dma_wait3A_1470 = arith.constant 0 : i32
      %dma_wait3A_1471 = tpu.memref_slice %arg4[%add3A, %dma_wait3A_1469, %dma_wait3A_1470] : memref<32x10000x16xf32, #tpu.memory_space<hbm>> -> memref<1x10000x16xf32, #tpu.memory_space<hbm>>
      %dma_wait3A_1472 = tpu.memref_squeeze %dma_wait3A_1471 : memref<1x10000x16xf32, #tpu.memory_space<hbm>> -> memref<10000x16xf32, #tpu.memory_space<hbm>>
      %dma_wait3A_1473 = arith.constant 0 : i32
      %dma_wait3A_1474 = tpu.memref_slice %dma_wait3A_1472[%mul3A_1463, %dma_wait3A_1473] : memref<10000x16xf32, #tpu.memory_space<hbm>> -> memref<80x16xf32, #tpu.memory_space<hbm>>
      %dma_wait3A_1475 = arith.constant 0 : i32
      %dma_wait3A_1476 = arith.constant 0 : i32
      %dma_wait3A_1477 = tpu.memref_slice %arg4[%add3A, %dma_wait3A_1475, %dma_wait3A_1476] : memref<32x10000x16xf32, #tpu.memory_space<hbm>> -> memref<1x10000x16xf32, #tpu.memory_space<hbm>>
      %dma_wait3A_1478 = tpu.memref_squeeze %dma_wait3A_1477 : memref<1x10000x16xf32, #tpu.memory_space<hbm>> -> memref<10000x16xf32, #tpu.memory_space<hbm>>
      %dma_wait3A_1479 = arith.constant 0 : i32
      %dma_wait3A_1480 = tpu.memref_slice %dma_wait3A_1478[%mul3A_1463, %dma_wait3A_1479] : memref<10000x16xf32, #tpu.memory_space<hbm>> -> memref<80x16xf32, #tpu.memory_space<hbm>>
      %dma_wait3A_1481 = arith.constant 0 : i32
      %dma_wait3A_1482 = arith.constant 0 : i32
      %dma_wait3A_1483 = tpu.memref_slice %arg6[%dma_wait3A_1464, %dma_wait3A_1481, %dma_wait3A_1482] : memref<25x80x16xf32, #tpu.memory_space<vmem>> -> memref<1x80x16xf32, #tpu.memory_space<vmem>>
      %dma_wait3A_1484 = tpu.memref_squeeze %dma_wait3A_1483 : memref<1x80x16xf32, #tpu.memory_space<vmem>> -> memref<80x16xf32, #tpu.memory_space<vmem>>
      tpu.wait_dma2 semaphore(%arg8 : memref<!tpu.dma_semaphore, #tpu.memory_space<semaphore_mem>>) src(%dma_wait3A_1484 : memref<80x16xf32, #tpu.memory_space<vmem>>) dst(%dma_wait3A_1480 : memref<80x16xf32, #tpu.memory_space<hbm>>)
      %add3A_1485 = arith.constant 6 : i32
      %add3A_1486 = arith.addi %mul3A_11, %add3A_1485 : i32
      %mul3A_1487 = arith.constant 80 : i32
      %mul3A_1488 = arith.muli %add3A_1486, %mul3A_1487 : i32
      %dma_wait3A_1489 = arith.constant 6 : i32
      %dma_wait3A_1490 = arith.constant 0 : i32
      %dma_wait3A_1491 = arith.constant 0 : i32
      %dma_wait3A_1492 = tpu.memref_slice %arg6[%dma_wait3A_1489, %dma_wait3A_1490, %dma_wait3A_1491] : memref<25x80x16xf32, #tpu.memory_space<vmem>> -> memref<1x80x16xf32, #tpu.memory_space<vmem>>
      %dma_wait3A_1493 = tpu.memref_squeeze %dma_wait3A_1492 : memref<1x80x16xf32, #tpu.memory_space<vmem>> -> memref<80x16xf32, #tpu.memory_space<vmem>>
      %dma_wait3A_1494 = arith.constant 0 : i32
      %dma_wait3A_1495 = arith.constant 0 : i32
      %dma_wait3A_1496 = tpu.memref_slice %arg4[%add3A, %dma_wait3A_1494, %dma_wait3A_1495] : memref<32x10000x16xf32, #tpu.memory_space<hbm>> -> memref<1x10000x16xf32, #tpu.memory_space<hbm>>
      %dma_wait3A_1497 = tpu.memref_squeeze %dma_wait3A_1496 : memref<1x10000x16xf32, #tpu.memory_space<hbm>> -> memref<10000x16xf32, #tpu.memory_space<hbm>>
      %dma_wait3A_1498 = arith.constant 0 : i32
      %dma_wait3A_1499 = tpu.memref_slice %dma_wait3A_1497[%mul3A_1488, %dma_wait3A_1498] : memref<10000x16xf32, #tpu.memory_space<hbm>> -> memref<80x16xf32, #tpu.memory_space<hbm>>
      %dma_wait3A_1500 = arith.constant 0 : i32
      %dma_wait3A_1501 = arith.constant 0 : i32
      %dma_wait3A_1502 = tpu.memref_slice %arg4[%add3A, %dma_wait3A_1500, %dma_wait3A_1501] : memref<32x10000x16xf32, #tpu.memory_space<hbm>> -> memref<1x10000x16xf32, #tpu.memory_space<hbm>>
      %dma_wait3A_1503 = tpu.memref_squeeze %dma_wait3A_1502 : memref<1x10000x16xf32, #tpu.memory_space<hbm>> -> memref<10000x16xf32, #tpu.memory_space<hbm>>
      %dma_wait3A_1504 = arith.constant 0 : i32
      %dma_wait3A_1505 = tpu.memref_slice %dma_wait3A_1503[%mul3A_1488, %dma_wait3A_1504] : memref<10000x16xf32, #tpu.memory_space<hbm>> -> memref<80x16xf32, #tpu.memory_space<hbm>>
      %dma_wait3A_1506 = arith.constant 0 : i32
      %dma_wait3A_1507 = arith.constant 0 : i32
      %dma_wait3A_1508 = tpu.memref_slice %arg6[%dma_wait3A_1489, %dma_wait3A_1506, %dma_wait3A_1507] : memref<25x80x16xf32, #tpu.memory_space<vmem>> -> memref<1x80x16xf32, #tpu.memory_space<vmem>>
      %dma_wait3A_1509 = tpu.memref_squeeze %dma_wait3A_1508 : memref<1x80x16xf32, #tpu.memory_space<vmem>> -> memref<80x16xf32, #tpu.memory_space<vmem>>
      tpu.wait_dma2 semaphore(%arg8 : memref<!tpu.dma_semaphore, #tpu.memory_space<semaphore_mem>>) src(%dma_wait3A_1509 : memref<80x16xf32, #tpu.memory_space<vmem>>) dst(%dma_wait3A_1505 : memref<80x16xf32, #tpu.memory_space<hbm>>)
      %add3A_1510 = arith.constant 7 : i32
      %add3A_1511 = arith.addi %mul3A_11, %add3A_1510 : i32
      %mul3A_1512 = arith.constant 80 : i32
      %mul3A_1513 = arith.muli %add3A_1511, %mul3A_1512 : i32
      %dma_wait3A_1514 = arith.constant 7 : i32
      %dma_wait3A_1515 = arith.constant 0 : i32
      %dma_wait3A_1516 = arith.constant 0 : i32
      %dma_wait3A_1517 = tpu.memref_slice %arg6[%dma_wait3A_1514, %dma_wait3A_1515, %dma_wait3A_1516] : memref<25x80x16xf32, #tpu.memory_space<vmem>> -> memref<1x80x16xf32, #tpu.memory_space<vmem>>
      %dma_wait3A_1518 = tpu.memref_squeeze %dma_wait3A_1517 : memref<1x80x16xf32, #tpu.memory_space<vmem>> -> memref<80x16xf32, #tpu.memory_space<vmem>>
      %dma_wait3A_1519 = arith.constant 0 : i32
      %dma_wait3A_1520 = arith.constant 0 : i32
      %dma_wait3A_1521 = tpu.memref_slice %arg4[%add3A, %dma_wait3A_1519, %dma_wait3A_1520] : memref<32x10000x16xf32, #tpu.memory_space<hbm>> -> memref<1x10000x16xf32, #tpu.memory_space<hbm>>
      %dma_wait3A_1522 = tpu.memref_squeeze %dma_wait3A_1521 : memref<1x10000x16xf32, #tpu.memory_space<hbm>> -> memref<10000x16xf32, #tpu.memory_space<hbm>>
      %dma_wait3A_1523 = arith.constant 0 : i32
      %dma_wait3A_1524 = tpu.memref_slice %dma_wait3A_1522[%mul3A_1513, %dma_wait3A_1523] : memref<10000x16xf32, #tpu.memory_space<hbm>> -> memref<80x16xf32, #tpu.memory_space<hbm>>
      %dma_wait3A_1525 = arith.constant 0 : i32
      %dma_wait3A_1526 = arith.constant 0 : i32
      %dma_wait3A_1527 = tpu.memref_slice %arg4[%add3A, %dma_wait3A_1525, %dma_wait3A_1526] : memref<32x10000x16xf32, #tpu.memory_space<hbm>> -> memref<1x10000x16xf32, #tpu.memory_space<hbm>>
      %dma_wait3A_1528 = tpu.memref_squeeze %dma_wait3A_1527 : memref<1x10000x16xf32, #tpu.memory_space<hbm>> -> memref<10000x16xf32, #tpu.memory_space<hbm>>
      %dma_wait3A_1529 = arith.constant 0 : i32
      %dma_wait3A_1530 = tpu.memref_slice %dma_wait3A_1528[%mul3A_1513, %dma_wait3A_1529] : memref<10000x16xf32, #tpu.memory_space<hbm>> -> memref<80x16xf32, #tpu.memory_space<hbm>>
      %dma_wait3A_1531 = arith.constant 0 : i32
      %dma_wait3A_1532 = arith.constant 0 : i32
      %dma_wait3A_1533 = tpu.memref_slice %arg6[%dma_wait3A_1514, %dma_wait3A_1531, %dma_wait3A_1532] : memref<25x80x16xf32, #tpu.memory_space<vmem>> -> memref<1x80x16xf32, #tpu.memory_space<vmem>>
      %dma_wait3A_1534 = tpu.memref_squeeze %dma_wait3A_1533 : memref<1x80x16xf32, #tpu.memory_space<vmem>> -> memref<80x16xf32, #tpu.memory_space<vmem>>
      tpu.wait_dma2 semaphore(%arg8 : memref<!tpu.dma_semaphore, #tpu.memory_space<semaphore_mem>>) src(%dma_wait3A_1534 : memref<80x16xf32, #tpu.memory_space<vmem>>) dst(%dma_wait3A_1530 : memref<80x16xf32, #tpu.memory_space<hbm>>)
      %add3A_1535 = arith.constant 8 : i32
      %add3A_1536 = arith.addi %mul3A_11, %add3A_1535 : i32
      %mul3A_1537 = arith.constant 80 : i32
      %mul3A_1538 = arith.muli %add3A_1536, %mul3A_1537 : i32
      %dma_wait3A_1539 = arith.constant 8 : i32
      %dma_wait3A_1540 = arith.constant 0 : i32
      %dma_wait3A_1541 = arith.constant 0 : i32
      %dma_wait3A_1542 = tpu.memref_slice %arg6[%dma_wait3A_1539, %dma_wait3A_1540, %dma_wait3A_1541] : memref<25x80x16xf32, #tpu.memory_space<vmem>> -> memref<1x80x16xf32, #tpu.memory_space<vmem>>
      %dma_wait3A_1543 = tpu.memref_squeeze %dma_wait3A_1542 : memref<1x80x16xf32, #tpu.memory_space<vmem>> -> memref<80x16xf32, #tpu.memory_space<vmem>>
      %dma_wait3A_1544 = arith.constant 0 : i32
      %dma_wait3A_1545 = arith.constant 0 : i32
      %dma_wait3A_1546 = tpu.memref_slice %arg4[%add3A, %dma_wait3A_1544, %dma_wait3A_1545] : memref<32x10000x16xf32, #tpu.memory_space<hbm>> -> memref<1x10000x16xf32, #tpu.memory_space<hbm>>
      %dma_wait3A_1547 = tpu.memref_squeeze %dma_wait3A_1546 : memref<1x10000x16xf32, #tpu.memory_space<hbm>> -> memref<10000x16xf32, #tpu.memory_space<hbm>>
      %dma_wait3A_1548 = arith.constant 0 : i32
      %dma_wait3A_1549 = tpu.memref_slice %dma_wait3A_1547[%mul3A_1538, %dma_wait3A_1548] : memref<10000x16xf32, #tpu.memory_space<hbm>> -> memref<80x16xf32, #tpu.memory_space<hbm>>
      %dma_wait3A_1550 = arith.constant 0 : i32
      %dma_wait3A_1551 = arith.constant 0 : i32
      %dma_wait3A_1552 = tpu.memref_slice %arg4[%add3A, %dma_wait3A_1550, %dma_wait3A_1551] : memref<32x10000x16xf32, #tpu.memory_space<hbm>> -> memref<1x10000x16xf32, #tpu.memory_space<hbm>>
      %dma_wait3A_1553 = tpu.memref_squeeze %dma_wait3A_1552 : memref<1x10000x16xf32, #tpu.memory_space<hbm>> -> memref<10000x16xf32, #tpu.memory_space<hbm>>
      %dma_wait3A_1554 = arith.constant 0 : i32
      %dma_wait3A_1555 = tpu.memref_slice %dma_wait3A_1553[%mul3A_1538, %dma_wait3A_1554] : memref<10000x16xf32, #tpu.memory_space<hbm>> -> memref<80x16xf32, #tpu.memory_space<hbm>>
      %dma_wait3A_1556 = arith.constant 0 : i32
      %dma_wait3A_1557 = arith.constant 0 : i32
      %dma_wait3A_1558 = tpu.memref_slice %arg6[%dma_wait3A_1539, %dma_wait3A_1556, %dma_wait3A_1557] : memref<25x80x16xf32, #tpu.memory_space<vmem>> -> memref<1x80x16xf32, #tpu.memory_space<vmem>>
      %dma_wait3A_1559 = tpu.memref_squeeze %dma_wait3A_1558 : memref<1x80x16xf32, #tpu.memory_space<vmem>> -> memref<80x16xf32, #tpu.memory_space<vmem>>
      tpu.wait_dma2 semaphore(%arg8 : memref<!tpu.dma_semaphore, #tpu.memory_space<semaphore_mem>>) src(%dma_wait3A_1559 : memref<80x16xf32, #tpu.memory_space<vmem>>) dst(%dma_wait3A_1555 : memref<80x16xf32, #tpu.memory_space<hbm>>)
      %add3A_1560 = arith.constant 9 : i32
      %add3A_1561 = arith.addi %mul3A_11, %add3A_1560 : i32
      %mul3A_1562 = arith.constant 80 : i32
      %mul3A_1563 = arith.muli %add3A_1561, %mul3A_1562 : i32
      %dma_wait3A_1564 = arith.constant 9 : i32
      %dma_wait3A_1565 = arith.constant 0 : i32
      %dma_wait3A_1566 = arith.constant 0 : i32
      %dma_wait3A_1567 = tpu.memref_slice %arg6[%dma_wait3A_1564, %dma_wait3A_1565, %dma_wait3A_1566] : memref<25x80x16xf32, #tpu.memory_space<vmem>> -> memref<1x80x16xf32, #tpu.memory_space<vmem>>
      %dma_wait3A_1568 = tpu.memref_squeeze %dma_wait3A_1567 : memref<1x80x16xf32, #tpu.memory_space<vmem>> -> memref<80x16xf32, #tpu.memory_space<vmem>>
      %dma_wait3A_1569 = arith.constant 0 : i32
      %dma_wait3A_1570 = arith.constant 0 : i32
      %dma_wait3A_1571 = tpu.memref_slice %arg4[%add3A, %dma_wait3A_1569, %dma_wait3A_1570] : memref<32x10000x16xf32, #tpu.memory_space<hbm>> -> memref<1x10000x16xf32, #tpu.memory_space<hbm>>
      %dma_wait3A_1572 = tpu.memref_squeeze %dma_wait3A_1571 : memref<1x10000x16xf32, #tpu.memory_space<hbm>> -> memref<10000x16xf32, #tpu.memory_space<hbm>>
      %dma_wait3A_1573 = arith.constant 0 : i32
      %dma_wait3A_1574 = tpu.memref_slice %dma_wait3A_1572[%mul3A_1563, %dma_wait3A_1573] : memref<10000x16xf32, #tpu.memory_space<hbm>> -> memref<80x16xf32, #tpu.memory_space<hbm>>
      %dma_wait3A_1575 = arith.constant 0 : i32
      %dma_wait3A_1576 = arith.constant 0 : i32
      %dma_wait3A_1577 = tpu.memref_slice %arg4[%add3A, %dma_wait3A_1575, %dma_wait3A_1576] : memref<32x10000x16xf32, #tpu.memory_space<hbm>> -> memref<1x10000x16xf32, #tpu.memory_space<hbm>>
      %dma_wait3A_1578 = tpu.memref_squeeze %dma_wait3A_1577 : memref<1x10000x16xf32, #tpu.memory_space<hbm>> -> memref<10000x16xf32, #tpu.memory_space<hbm>>
      %dma_wait3A_1579 = arith.constant 0 : i32
      %dma_wait3A_1580 = tpu.memref_slice %dma_wait3A_1578[%mul3A_1563, %dma_wait3A_1579] : memref<10000x16xf32, #tpu.memory_space<hbm>> -> memref<80x16xf32, #tpu.memory_space<hbm>>
      %dma_wait3A_1581 = arith.constant 0 : i32
      %dma_wait3A_1582 = arith.constant 0 : i32
      %dma_wait3A_1583 = tpu.memref_slice %arg6[%dma_wait3A_1564, %dma_wait3A_1581, %dma_wait3A_1582] : memref<25x80x16xf32, #tpu.memory_space<vmem>> -> memref<1x80x16xf32, #tpu.memory_space<vmem>>
      %dma_wait3A_1584 = tpu.memref_squeeze %dma_wait3A_1583 : memref<1x80x16xf32, #tpu.memory_space<vmem>> -> memref<80x16xf32, #tpu.memory_space<vmem>>
      tpu.wait_dma2 semaphore(%arg8 : memref<!tpu.dma_semaphore, #tpu.memory_space<semaphore_mem>>) src(%dma_wait3A_1584 : memref<80x16xf32, #tpu.memory_space<vmem>>) dst(%dma_wait3A_1580 : memref<80x16xf32, #tpu.memory_space<hbm>>)
      %add3A_1585 = arith.constant 10 : i32
      %add3A_1586 = arith.addi %mul3A_11, %add3A_1585 : i32
      %mul3A_1587 = arith.constant 80 : i32
      %mul3A_1588 = arith.muli %add3A_1586, %mul3A_1587 : i32
      %dma_wait3A_1589 = arith.constant 10 : i32
      %dma_wait3A_1590 = arith.constant 0 : i32
      %dma_wait3A_1591 = arith.constant 0 : i32
      %dma_wait3A_1592 = tpu.memref_slice %arg6[%dma_wait3A_1589, %dma_wait3A_1590, %dma_wait3A_1591] : memref<25x80x16xf32, #tpu.memory_space<vmem>> -> memref<1x80x16xf32, #tpu.memory_space<vmem>>
      %dma_wait3A_1593 = tpu.memref_squeeze %dma_wait3A_1592 : memref<1x80x16xf32, #tpu.memory_space<vmem>> -> memref<80x16xf32, #tpu.memory_space<vmem>>
      %dma_wait3A_1594 = arith.constant 0 : i32
      %dma_wait3A_1595 = arith.constant 0 : i32
      %dma_wait3A_1596 = tpu.memref_slice %arg4[%add3A, %dma_wait3A_1594, %dma_wait3A_1595] : memref<32x10000x16xf32, #tpu.memory_space<hbm>> -> memref<1x10000x16xf32, #tpu.memory_space<hbm>>
      %dma_wait3A_1597 = tpu.memref_squeeze %dma_wait3A_1596 : memref<1x10000x16xf32, #tpu.memory_space<hbm>> -> memref<10000x16xf32, #tpu.memory_space<hbm>>
      %dma_wait3A_1598 = arith.constant 0 : i32
      %dma_wait3A_1599 = tpu.memref_slice %dma_wait3A_1597[%mul3A_1588, %dma_wait3A_1598] : memref<10000x16xf32, #tpu.memory_space<hbm>> -> memref<80x16xf32, #tpu.memory_space<hbm>>
      %dma_wait3A_1600 = arith.constant 0 : i32
      %dma_wait3A_1601 = arith.constant 0 : i32
      %dma_wait3A_1602 = tpu.memref_slice %arg4[%add3A, %dma_wait3A_1600, %dma_wait3A_1601] : memref<32x10000x16xf32, #tpu.memory_space<hbm>> -> memref<1x10000x16xf32, #tpu.memory_space<hbm>>
      %dma_wait3A_1603 = tpu.memref_squeeze %dma_wait3A_1602 : memref<1x10000x16xf32, #tpu.memory_space<hbm>> -> memref<10000x16xf32, #tpu.memory_space<hbm>>
      %dma_wait3A_1604 = arith.constant 0 : i32
      %dma_wait3A_1605 = tpu.memref_slice %dma_wait3A_1603[%mul3A_1588, %dma_wait3A_1604] : memref<10000x16xf32, #tpu.memory_space<hbm>> -> memref<80x16xf32, #tpu.memory_space<hbm>>
      %dma_wait3A_1606 = arith.constant 0 : i32
      %dma_wait3A_1607 = arith.constant 0 : i32
      %dma_wait3A_1608 = tpu.memref_slice %arg6[%dma_wait3A_1589, %dma_wait3A_1606, %dma_wait3A_1607] : memref<25x80x16xf32, #tpu.memory_space<vmem>> -> memref<1x80x16xf32, #tpu.memory_space<vmem>>
      %dma_wait3A_1609 = tpu.memref_squeeze %dma_wait3A_1608 : memref<1x80x16xf32, #tpu.memory_space<vmem>> -> memref<80x16xf32, #tpu.memory_space<vmem>>
      tpu.wait_dma2 semaphore(%arg8 : memref<!tpu.dma_semaphore, #tpu.memory_space<semaphore_mem>>) src(%dma_wait3A_1609 : memref<80x16xf32, #tpu.memory_space<vmem>>) dst(%dma_wait3A_1605 : memref<80x16xf32, #tpu.memory_space<hbm>>)
      %add3A_1610 = arith.constant 11 : i32
      %add3A_1611 = arith.addi %mul3A_11, %add3A_1610 : i32
      %mul3A_1612 = arith.constant 80 : i32
      %mul3A_1613 = arith.muli %add3A_1611, %mul3A_1612 : i32
      %dma_wait3A_1614 = arith.constant 11 : i32
      %dma_wait3A_1615 = arith.constant 0 : i32
      %dma_wait3A_1616 = arith.constant 0 : i32
      %dma_wait3A_1617 = tpu.memref_slice %arg6[%dma_wait3A_1614, %dma_wait3A_1615, %dma_wait3A_1616] : memref<25x80x16xf32, #tpu.memory_space<vmem>> -> memref<1x80x16xf32, #tpu.memory_space<vmem>>
      %dma_wait3A_1618 = tpu.memref_squeeze %dma_wait3A_1617 : memref<1x80x16xf32, #tpu.memory_space<vmem>> -> memref<80x16xf32, #tpu.memory_space<vmem>>
      %dma_wait3A_1619 = arith.constant 0 : i32
      %dma_wait3A_1620 = arith.constant 0 : i32
      %dma_wait3A_1621 = tpu.memref_slice %arg4[%add3A, %dma_wait3A_1619, %dma_wait3A_1620] : memref<32x10000x16xf32, #tpu.memory_space<hbm>> -> memref<1x10000x16xf32, #tpu.memory_space<hbm>>
      %dma_wait3A_1622 = tpu.memref_squeeze %dma_wait3A_1621 : memref<1x10000x16xf32, #tpu.memory_space<hbm>> -> memref<10000x16xf32, #tpu.memory_space<hbm>>
      %dma_wait3A_1623 = arith.constant 0 : i32
      %dma_wait3A_1624 = tpu.memref_slice %dma_wait3A_1622[%mul3A_1613, %dma_wait3A_1623] : memref<10000x16xf32, #tpu.memory_space<hbm>> -> memref<80x16xf32, #tpu.memory_space<hbm>>
      %dma_wait3A_1625 = arith.constant 0 : i32
      %dma_wait3A_1626 = arith.constant 0 : i32
      %dma_wait3A_1627 = tpu.memref_slice %arg4[%add3A, %dma_wait3A_1625, %dma_wait3A_1626] : memref<32x10000x16xf32, #tpu.memory_space<hbm>> -> memref<1x10000x16xf32, #tpu.memory_space<hbm>>
      %dma_wait3A_1628 = tpu.memref_squeeze %dma_wait3A_1627 : memref<1x10000x16xf32, #tpu.memory_space<hbm>> -> memref<10000x16xf32, #tpu.memory_space<hbm>>
      %dma_wait3A_1629 = arith.constant 0 : i32
      %dma_wait3A_1630 = tpu.memref_slice %dma_wait3A_1628[%mul3A_1613, %dma_wait3A_1629] : memref<10000x16xf32, #tpu.memory_space<hbm>> -> memref<80x16xf32, #tpu.memory_space<hbm>>
      %dma_wait3A_1631 = arith.constant 0 : i32
      %dma_wait3A_1632 = arith.constant 0 : i32
      %dma_wait3A_1633 = tpu.memref_slice %arg6[%dma_wait3A_1614, %dma_wait3A_1631, %dma_wait3A_1632] : memref<25x80x16xf32, #tpu.memory_space<vmem>> -> memref<1x80x16xf32, #tpu.memory_space<vmem>>
      %dma_wait3A_1634 = tpu.memref_squeeze %dma_wait3A_1633 : memref<1x80x16xf32, #tpu.memory_space<vmem>> -> memref<80x16xf32, #tpu.memory_space<vmem>>
      tpu.wait_dma2 semaphore(%arg8 : memref<!tpu.dma_semaphore, #tpu.memory_space<semaphore_mem>>) src(%dma_wait3A_1634 : memref<80x16xf32, #tpu.memory_space<vmem>>) dst(%dma_wait3A_1630 : memref<80x16xf32, #tpu.memory_space<hbm>>)
      %add3A_1635 = arith.constant 12 : i32
      %add3A_1636 = arith.addi %mul3A_11, %add3A_1635 : i32
      %mul3A_1637 = arith.constant 80 : i32
      %mul3A_1638 = arith.muli %add3A_1636, %mul3A_1637 : i32
      %dma_wait3A_1639 = arith.constant 12 : i32
      %dma_wait3A_1640 = arith.constant 0 : i32
      %dma_wait3A_1641 = arith.constant 0 : i32
      %dma_wait3A_1642 = tpu.memref_slice %arg6[%dma_wait3A_1639, %dma_wait3A_1640, %dma_wait3A_1641] : memref<25x80x16xf32, #tpu.memory_space<vmem>> -> memref<1x80x16xf32, #tpu.memory_space<vmem>>
      %dma_wait3A_1643 = tpu.memref_squeeze %dma_wait3A_1642 : memref<1x80x16xf32, #tpu.memory_space<vmem>> -> memref<80x16xf32, #tpu.memory_space<vmem>>
      %dma_wait3A_1644 = arith.constant 0 : i32
      %dma_wait3A_1645 = arith.constant 0 : i32
      %dma_wait3A_1646 = tpu.memref_slice %arg4[%add3A, %dma_wait3A_1644, %dma_wait3A_1645] : memref<32x10000x16xf32, #tpu.memory_space<hbm>> -> memref<1x10000x16xf32, #tpu.memory_space<hbm>>
      %dma_wait3A_1647 = tpu.memref_squeeze %dma_wait3A_1646 : memref<1x10000x16xf32, #tpu.memory_space<hbm>> -> memref<10000x16xf32, #tpu.memory_space<hbm>>
      %dma_wait3A_1648 = arith.constant 0 : i32
      %dma_wait3A_1649 = tpu.memref_slice %dma_wait3A_1647[%mul3A_1638, %dma_wait3A_1648] : memref<10000x16xf32, #tpu.memory_space<hbm>> -> memref<80x16xf32, #tpu.memory_space<hbm>>
      %dma_wait3A_1650 = arith.constant 0 : i32
      %dma_wait3A_1651 = arith.constant 0 : i32
      %dma_wait3A_1652 = tpu.memref_slice %arg4[%add3A, %dma_wait3A_1650, %dma_wait3A_1651] : memref<32x10000x16xf32, #tpu.memory_space<hbm>> -> memref<1x10000x16xf32, #tpu.memory_space<hbm>>
      %dma_wait3A_1653 = tpu.memref_squeeze %dma_wait3A_1652 : memref<1x10000x16xf32, #tpu.memory_space<hbm>> -> memref<10000x16xf32, #tpu.memory_space<hbm>>
      %dma_wait3A_1654 = arith.constant 0 : i32
      %dma_wait3A_1655 = tpu.memref_slice %dma_wait3A_1653[%mul3A_1638, %dma_wait3A_1654] : memref<10000x16xf32, #tpu.memory_space<hbm>> -> memref<80x16xf32, #tpu.memory_space<hbm>>
      %dma_wait3A_1656 = arith.constant 0 : i32
      %dma_wait3A_1657 = arith.constant 0 : i32
      %dma_wait3A_1658 = tpu.memref_slice %arg6[%dma_wait3A_1639, %dma_wait3A_1656, %dma_wait3A_1657] : memref<25x80x16xf32, #tpu.memory_space<vmem>> -> memref<1x80x16xf32, #tpu.memory_space<vmem>>
      %dma_wait3A_1659 = tpu.memref_squeeze %dma_wait3A_1658 : memref<1x80x16xf32, #tpu.memory_space<vmem>> -> memref<80x16xf32, #tpu.memory_space<vmem>>
      tpu.wait_dma2 semaphore(%arg8 : memref<!tpu.dma_semaphore, #tpu.memory_space<semaphore_mem>>) src(%dma_wait3A_1659 : memref<80x16xf32, #tpu.memory_space<vmem>>) dst(%dma_wait3A_1655 : memref<80x16xf32, #tpu.memory_space<hbm>>)
      %add3A_1660 = arith.constant 13 : i32
      %add3A_1661 = arith.addi %mul3A_11, %add3A_1660 : i32
      %mul3A_1662 = arith.constant 80 : i32
      %mul3A_1663 = arith.muli %add3A_1661, %mul3A_1662 : i32
      %dma_wait3A_1664 = arith.constant 13 : i32
      %dma_wait3A_1665 = arith.constant 0 : i32
      %dma_wait3A_1666 = arith.constant 0 : i32
      %dma_wait3A_1667 = tpu.memref_slice %arg6[%dma_wait3A_1664, %dma_wait3A_1665, %dma_wait3A_1666] : memref<25x80x16xf32, #tpu.memory_space<vmem>> -> memref<1x80x16xf32, #tpu.memory_space<vmem>>
      %dma_wait3A_1668 = tpu.memref_squeeze %dma_wait3A_1667 : memref<1x80x16xf32, #tpu.memory_space<vmem>> -> memref<80x16xf32, #tpu.memory_space<vmem>>
      %dma_wait3A_1669 = arith.constant 0 : i32
      %dma_wait3A_1670 = arith.constant 0 : i32
      %dma_wait3A_1671 = tpu.memref_slice %arg4[%add3A, %dma_wait3A_1669, %dma_wait3A_1670] : memref<32x10000x16xf32, #tpu.memory_space<hbm>> -> memref<1x10000x16xf32, #tpu.memory_space<hbm>>
      %dma_wait3A_1672 = tpu.memref_squeeze %dma_wait3A_1671 : memref<1x10000x16xf32, #tpu.memory_space<hbm>> -> memref<10000x16xf32, #tpu.memory_space<hbm>>
      %dma_wait3A_1673 = arith.constant 0 : i32
      %dma_wait3A_1674 = tpu.memref_slice %dma_wait3A_1672[%mul3A_1663, %dma_wait3A_1673] : memref<10000x16xf32, #tpu.memory_space<hbm>> -> memref<80x16xf32, #tpu.memory_space<hbm>>
      %dma_wait3A_1675 = arith.constant 0 : i32
      %dma_wait3A_1676 = arith.constant 0 : i32
      %dma_wait3A_1677 = tpu.memref_slice %arg4[%add3A, %dma_wait3A_1675, %dma_wait3A_1676] : memref<32x10000x16xf32, #tpu.memory_space<hbm>> -> memref<1x10000x16xf32, #tpu.memory_space<hbm>>
      %dma_wait3A_1678 = tpu.memref_squeeze %dma_wait3A_1677 : memref<1x10000x16xf32, #tpu.memory_space<hbm>> -> memref<10000x16xf32, #tpu.memory_space<hbm>>
      %dma_wait3A_1679 = arith.constant 0 : i32
      %dma_wait3A_1680 = tpu.memref_slice %dma_wait3A_1678[%mul3A_1663, %dma_wait3A_1679] : memref<10000x16xf32, #tpu.memory_space<hbm>> -> memref<80x16xf32, #tpu.memory_space<hbm>>
      %dma_wait3A_1681 = arith.constant 0 : i32
      %dma_wait3A_1682 = arith.constant 0 : i32
      %dma_wait3A_1683 = tpu.memref_slice %arg6[%dma_wait3A_1664, %dma_wait3A_1681, %dma_wait3A_1682] : memref<25x80x16xf32, #tpu.memory_space<vmem>> -> memref<1x80x16xf32, #tpu.memory_space<vmem>>
      %dma_wait3A_1684 = tpu.memref_squeeze %dma_wait3A_1683 : memref<1x80x16xf32, #tpu.memory_space<vmem>> -> memref<80x16xf32, #tpu.memory_space<vmem>>
      tpu.wait_dma2 semaphore(%arg8 : memref<!tpu.dma_semaphore, #tpu.memory_space<semaphore_mem>>) src(%dma_wait3A_1684 : memref<80x16xf32, #tpu.memory_space<vmem>>) dst(%dma_wait3A_1680 : memref<80x16xf32, #tpu.memory_space<hbm>>)
      %add3A_1685 = arith.constant 14 : i32
      %add3A_1686 = arith.addi %mul3A_11, %add3A_1685 : i32
      %mul3A_1687 = arith.constant 80 : i32
      %mul3A_1688 = arith.muli %add3A_1686, %mul3A_1687 : i32
      %dma_wait3A_1689 = arith.constant 14 : i32
      %dma_wait3A_1690 = arith.constant 0 : i32
      %dma_wait3A_1691 = arith.constant 0 : i32
      %dma_wait3A_1692 = tpu.memref_slice %arg6[%dma_wait3A_1689, %dma_wait3A_1690, %dma_wait3A_1691] : memref<25x80x16xf32, #tpu.memory_space<vmem>> -> memref<1x80x16xf32, #tpu.memory_space<vmem>>
      %dma_wait3A_1693 = tpu.memref_squeeze %dma_wait3A_1692 : memref<1x80x16xf32, #tpu.memory_space<vmem>> -> memref<80x16xf32, #tpu.memory_space<vmem>>
      %dma_wait3A_1694 = arith.constant 0 : i32
      %dma_wait3A_1695 = arith.constant 0 : i32
      %dma_wait3A_1696 = tpu.memref_slice %arg4[%add3A, %dma_wait3A_1694, %dma_wait3A_1695] : memref<32x10000x16xf32, #tpu.memory_space<hbm>> -> memref<1x10000x16xf32, #tpu.memory_space<hbm>>
      %dma_wait3A_1697 = tpu.memref_squeeze %dma_wait3A_1696 : memref<1x10000x16xf32, #tpu.memory_space<hbm>> -> memref<10000x16xf32, #tpu.memory_space<hbm>>
      %dma_wait3A_1698 = arith.constant 0 : i32
      %dma_wait3A_1699 = tpu.memref_slice %dma_wait3A_1697[%mul3A_1688, %dma_wait3A_1698] : memref<10000x16xf32, #tpu.memory_space<hbm>> -> memref<80x16xf32, #tpu.memory_space<hbm>>
      %dma_wait3A_1700 = arith.constant 0 : i32
      %dma_wait3A_1701 = arith.constant 0 : i32
      %dma_wait3A_1702 = tpu.memref_slice %arg4[%add3A, %dma_wait3A_1700, %dma_wait3A_1701] : memref<32x10000x16xf32, #tpu.memory_space<hbm>> -> memref<1x10000x16xf32, #tpu.memory_space<hbm>>
      %dma_wait3A_1703 = tpu.memref_squeeze %dma_wait3A_1702 : memref<1x10000x16xf32, #tpu.memory_space<hbm>> -> memref<10000x16xf32, #tpu.memory_space<hbm>>
      %dma_wait3A_1704 = arith.constant 0 : i32
      %dma_wait3A_1705 = tpu.memref_slice %dma_wait3A_1703[%mul3A_1688, %dma_wait3A_1704] : memref<10000x16xf32, #tpu.memory_space<hbm>> -> memref<80x16xf32, #tpu.memory_space<hbm>>
      %dma_wait3A_1706 = arith.constant 0 : i32
      %dma_wait3A_1707 = arith.constant 0 : i32
      %dma_wait3A_1708 = tpu.memref_slice %arg6[%dma_wait3A_1689, %dma_wait3A_1706, %dma_wait3A_1707] : memref<25x80x16xf32, #tpu.memory_space<vmem>> -> memref<1x80x16xf32, #tpu.memory_space<vmem>>
      %dma_wait3A_1709 = tpu.memref_squeeze %dma_wait3A_1708 : memref<1x80x16xf32, #tpu.memory_space<vmem>> -> memref<80x16xf32, #tpu.memory_space<vmem>>
      tpu.wait_dma2 semaphore(%arg8 : memref<!tpu.dma_semaphore, #tpu.memory_space<semaphore_mem>>) src(%dma_wait3A_1709 : memref<80x16xf32, #tpu.memory_space<vmem>>) dst(%dma_wait3A_1705 : memref<80x16xf32, #tpu.memory_space<hbm>>)
      %add3A_1710 = arith.constant 15 : i32
      %add3A_1711 = arith.addi %mul3A_11, %add3A_1710 : i32
      %mul3A_1712 = arith.constant 80 : i32
      %mul3A_1713 = arith.muli %add3A_1711, %mul3A_1712 : i32
      %dma_wait3A_1714 = arith.constant 15 : i32
      %dma_wait3A_1715 = arith.constant 0 : i32
      %dma_wait3A_1716 = arith.constant 0 : i32
      %dma_wait3A_1717 = tpu.memref_slice %arg6[%dma_wait3A_1714, %dma_wait3A_1715, %dma_wait3A_1716] : memref<25x80x16xf32, #tpu.memory_space<vmem>> -> memref<1x80x16xf32, #tpu.memory_space<vmem>>
      %dma_wait3A_1718 = tpu.memref_squeeze %dma_wait3A_1717 : memref<1x80x16xf32, #tpu.memory_space<vmem>> -> memref<80x16xf32, #tpu.memory_space<vmem>>
      %dma_wait3A_1719 = arith.constant 0 : i32
      %dma_wait3A_1720 = arith.constant 0 : i32
      %dma_wait3A_1721 = tpu.memref_slice %arg4[%add3A, %dma_wait3A_1719, %dma_wait3A_1720] : memref<32x10000x16xf32, #tpu.memory_space<hbm>> -> memref<1x10000x16xf32, #tpu.memory_space<hbm>>
      %dma_wait3A_1722 = tpu.memref_squeeze %dma_wait3A_1721 : memref<1x10000x16xf32, #tpu.memory_space<hbm>> -> memref<10000x16xf32, #tpu.memory_space<hbm>>
      %dma_wait3A_1723 = arith.constant 0 : i32
      %dma_wait3A_1724 = tpu.memref_slice %dma_wait3A_1722[%mul3A_1713, %dma_wait3A_1723] : memref<10000x16xf32, #tpu.memory_space<hbm>> -> memref<80x16xf32, #tpu.memory_space<hbm>>
      %dma_wait3A_1725 = arith.constant 0 : i32
      %dma_wait3A_1726 = arith.constant 0 : i32
      %dma_wait3A_1727 = tpu.memref_slice %arg4[%add3A, %dma_wait3A_1725, %dma_wait3A_1726] : memref<32x10000x16xf32, #tpu.memory_space<hbm>> -> memref<1x10000x16xf32, #tpu.memory_space<hbm>>
      %dma_wait3A_1728 = tpu.memref_squeeze %dma_wait3A_1727 : memref<1x10000x16xf32, #tpu.memory_space<hbm>> -> memref<10000x16xf32, #tpu.memory_space<hbm>>
      %dma_wait3A_1729 = arith.constant 0 : i32
      %dma_wait3A_1730 = tpu.memref_slice %dma_wait3A_1728[%mul3A_1713, %dma_wait3A_1729] : memref<10000x16xf32, #tpu.memory_space<hbm>> -> memref<80x16xf32, #tpu.memory_space<hbm>>
      %dma_wait3A_1731 = arith.constant 0 : i32
      %dma_wait3A_1732 = arith.constant 0 : i32
      %dma_wait3A_1733 = tpu.memref_slice %arg6[%dma_wait3A_1714, %dma_wait3A_1731, %dma_wait3A_1732] : memref<25x80x16xf32, #tpu.memory_space<vmem>> -> memref<1x80x16xf32, #tpu.memory_space<vmem>>
      %dma_wait3A_1734 = tpu.memref_squeeze %dma_wait3A_1733 : memref<1x80x16xf32, #tpu.memory_space<vmem>> -> memref<80x16xf32, #tpu.memory_space<vmem>>
      tpu.wait_dma2 semaphore(%arg8 : memref<!tpu.dma_semaphore, #tpu.memory_space<semaphore_mem>>) src(%dma_wait3A_1734 : memref<80x16xf32, #tpu.memory_space<vmem>>) dst(%dma_wait3A_1730 : memref<80x16xf32, #tpu.memory_space<hbm>>)
      %add3A_1735 = arith.constant 16 : i32
      %add3A_1736 = arith.addi %mul3A_11, %add3A_1735 : i32
      %mul3A_1737 = arith.constant 80 : i32
      %mul3A_1738 = arith.muli %add3A_1736, %mul3A_1737 : i32
      %dma_wait3A_1739 = arith.constant 16 : i32
      %dma_wait3A_1740 = arith.constant 0 : i32
      %dma_wait3A_1741 = arith.constant 0 : i32
      %dma_wait3A_1742 = tpu.memref_slice %arg6[%dma_wait3A_1739, %dma_wait3A_1740, %dma_wait3A_1741] : memref<25x80x16xf32, #tpu.memory_space<vmem>> -> memref<1x80x16xf32, #tpu.memory_space<vmem>>
      %dma_wait3A_1743 = tpu.memref_squeeze %dma_wait3A_1742 : memref<1x80x16xf32, #tpu.memory_space<vmem>> -> memref<80x16xf32, #tpu.memory_space<vmem>>
      %dma_wait3A_1744 = arith.constant 0 : i32
      %dma_wait3A_1745 = arith.constant 0 : i32
      %dma_wait3A_1746 = tpu.memref_slice %arg4[%add3A, %dma_wait3A_1744, %dma_wait3A_1745] : memref<32x10000x16xf32, #tpu.memory_space<hbm>> -> memref<1x10000x16xf32, #tpu.memory_space<hbm>>
      %dma_wait3A_1747 = tpu.memref_squeeze %dma_wait3A_1746 : memref<1x10000x16xf32, #tpu.memory_space<hbm>> -> memref<10000x16xf32, #tpu.memory_space<hbm>>
      %dma_wait3A_1748 = arith.constant 0 : i32
      %dma_wait3A_1749 = tpu.memref_slice %dma_wait3A_1747[%mul3A_1738, %dma_wait3A_1748] : memref<10000x16xf32, #tpu.memory_space<hbm>> -> memref<80x16xf32, #tpu.memory_space<hbm>>
      %dma_wait3A_1750 = arith.constant 0 : i32
      %dma_wait3A_1751 = arith.constant 0 : i32
      %dma_wait3A_1752 = tpu.memref_slice %arg4[%add3A, %dma_wait3A_1750, %dma_wait3A_1751] : memref<32x10000x16xf32, #tpu.memory_space<hbm>> -> memref<1x10000x16xf32, #tpu.memory_space<hbm>>
      %dma_wait3A_1753 = tpu.memref_squeeze %dma_wait3A_1752 : memref<1x10000x16xf32, #tpu.memory_space<hbm>> -> memref<10000x16xf32, #tpu.memory_space<hbm>>
      %dma_wait3A_1754 = arith.constant 0 : i32
      %dma_wait3A_1755 = tpu.memref_slice %dma_wait3A_1753[%mul3A_1738, %dma_wait3A_1754] : memref<10000x16xf32, #tpu.memory_space<hbm>> -> memref<80x16xf32, #tpu.memory_space<hbm>>
      %dma_wait3A_1756 = arith.constant 0 : i32
      %dma_wait3A_1757 = arith.constant 0 : i32
      %dma_wait3A_1758 = tpu.memref_slice %arg6[%dma_wait3A_1739, %dma_wait3A_1756, %dma_wait3A_1757] : memref<25x80x16xf32, #tpu.memory_space<vmem>> -> memref<1x80x16xf32, #tpu.memory_space<vmem>>
      %dma_wait3A_1759 = tpu.memref_squeeze %dma_wait3A_1758 : memref<1x80x16xf32, #tpu.memory_space<vmem>> -> memref<80x16xf32, #tpu.memory_space<vmem>>
      tpu.wait_dma2 semaphore(%arg8 : memref<!tpu.dma_semaphore, #tpu.memory_space<semaphore_mem>>) src(%dma_wait3A_1759 : memref<80x16xf32, #tpu.memory_space<vmem>>) dst(%dma_wait3A_1755 : memref<80x16xf32, #tpu.memory_space<hbm>>)
      %add3A_1760 = arith.constant 17 : i32
      %add3A_1761 = arith.addi %mul3A_11, %add3A_1760 : i32
      %mul3A_1762 = arith.constant 80 : i32
      %mul3A_1763 = arith.muli %add3A_1761, %mul3A_1762 : i32
      %dma_wait3A_1764 = arith.constant 17 : i32
      %dma_wait3A_1765 = arith.constant 0 : i32
      %dma_wait3A_1766 = arith.constant 0 : i32
      %dma_wait3A_1767 = tpu.memref_slice %arg6[%dma_wait3A_1764, %dma_wait3A_1765, %dma_wait3A_1766] : memref<25x80x16xf32, #tpu.memory_space<vmem>> -> memref<1x80x16xf32, #tpu.memory_space<vmem>>
      %dma_wait3A_1768 = tpu.memref_squeeze %dma_wait3A_1767 : memref<1x80x16xf32, #tpu.memory_space<vmem>> -> memref<80x16xf32, #tpu.memory_space<vmem>>
      %dma_wait3A_1769 = arith.constant 0 : i32
      %dma_wait3A_1770 = arith.constant 0 : i32
      %dma_wait3A_1771 = tpu.memref_slice %arg4[%add3A, %dma_wait3A_1769, %dma_wait3A_1770] : memref<32x10000x16xf32, #tpu.memory_space<hbm>> -> memref<1x10000x16xf32, #tpu.memory_space<hbm>>
      %dma_wait3A_1772 = tpu.memref_squeeze %dma_wait3A_1771 : memref<1x10000x16xf32, #tpu.memory_space<hbm>> -> memref<10000x16xf32, #tpu.memory_space<hbm>>
      %dma_wait3A_1773 = arith.constant 0 : i32
      %dma_wait3A_1774 = tpu.memref_slice %dma_wait3A_1772[%mul3A_1763, %dma_wait3A_1773] : memref<10000x16xf32, #tpu.memory_space<hbm>> -> memref<80x16xf32, #tpu.memory_space<hbm>>
      %dma_wait3A_1775 = arith.constant 0 : i32
      %dma_wait3A_1776 = arith.constant 0 : i32
      %dma_wait3A_1777 = tpu.memref_slice %arg4[%add3A, %dma_wait3A_1775, %dma_wait3A_1776] : memref<32x10000x16xf32, #tpu.memory_space<hbm>> -> memref<1x10000x16xf32, #tpu.memory_space<hbm>>
      %dma_wait3A_1778 = tpu.memref_squeeze %dma_wait3A_1777 : memref<1x10000x16xf32, #tpu.memory_space<hbm>> -> memref<10000x16xf32, #tpu.memory_space<hbm>>
      %dma_wait3A_1779 = arith.constant 0 : i32
      %dma_wait3A_1780 = tpu.memref_slice %dma_wait3A_1778[%mul3A_1763, %dma_wait3A_1779] : memref<10000x16xf32, #tpu.memory_space<hbm>> -> memref<80x16xf32, #tpu.memory_space<hbm>>
      %dma_wait3A_1781 = arith.constant 0 : i32
      %dma_wait3A_1782 = arith.constant 0 : i32
      %dma_wait3A_1783 = tpu.memref_slice %arg6[%dma_wait3A_1764, %dma_wait3A_1781, %dma_wait3A_1782] : memref<25x80x16xf32, #tpu.memory_space<vmem>> -> memref<1x80x16xf32, #tpu.memory_space<vmem>>
      %dma_wait3A_1784 = tpu.memref_squeeze %dma_wait3A_1783 : memref<1x80x16xf32, #tpu.memory_space<vmem>> -> memref<80x16xf32, #tpu.memory_space<vmem>>
      tpu.wait_dma2 semaphore(%arg8 : memref<!tpu.dma_semaphore, #tpu.memory_space<semaphore_mem>>) src(%dma_wait3A_1784 : memref<80x16xf32, #tpu.memory_space<vmem>>) dst(%dma_wait3A_1780 : memref<80x16xf32, #tpu.memory_space<hbm>>)
      %add3A_1785 = arith.constant 18 : i32
      %add3A_1786 = arith.addi %mul3A_11, %add3A_1785 : i32
      %mul3A_1787 = arith.constant 80 : i32
      %mul3A_1788 = arith.muli %add3A_1786, %mul3A_1787 : i32
      %dma_wait3A_1789 = arith.constant 18 : i32
      %dma_wait3A_1790 = arith.constant 0 : i32
      %dma_wait3A_1791 = arith.constant 0 : i32
      %dma_wait3A_1792 = tpu.memref_slice %arg6[%dma_wait3A_1789, %dma_wait3A_1790, %dma_wait3A_1791] : memref<25x80x16xf32, #tpu.memory_space<vmem>> -> memref<1x80x16xf32, #tpu.memory_space<vmem>>
      %dma_wait3A_1793 = tpu.memref_squeeze %dma_wait3A_1792 : memref<1x80x16xf32, #tpu.memory_space<vmem>> -> memref<80x16xf32, #tpu.memory_space<vmem>>
      %dma_wait3A_1794 = arith.constant 0 : i32
      %dma_wait3A_1795 = arith.constant 0 : i32
      %dma_wait3A_1796 = tpu.memref_slice %arg4[%add3A, %dma_wait3A_1794, %dma_wait3A_1795] : memref<32x10000x16xf32, #tpu.memory_space<hbm>> -> memref<1x10000x16xf32, #tpu.memory_space<hbm>>
      %dma_wait3A_1797 = tpu.memref_squeeze %dma_wait3A_1796 : memref<1x10000x16xf32, #tpu.memory_space<hbm>> -> memref<10000x16xf32, #tpu.memory_space<hbm>>
      %dma_wait3A_1798 = arith.constant 0 : i32
      %dma_wait3A_1799 = tpu.memref_slice %dma_wait3A_1797[%mul3A_1788, %dma_wait3A_1798] : memref<10000x16xf32, #tpu.memory_space<hbm>> -> memref<80x16xf32, #tpu.memory_space<hbm>>
      %dma_wait3A_1800 = arith.constant 0 : i32
      %dma_wait3A_1801 = arith.constant 0 : i32
      %dma_wait3A_1802 = tpu.memref_slice %arg4[%add3A, %dma_wait3A_1800, %dma_wait3A_1801] : memref<32x10000x16xf32, #tpu.memory_space<hbm>> -> memref<1x10000x16xf32, #tpu.memory_space<hbm>>
      %dma_wait3A_1803 = tpu.memref_squeeze %dma_wait3A_1802 : memref<1x10000x16xf32, #tpu.memory_space<hbm>> -> memref<10000x16xf32, #tpu.memory_space<hbm>>
      %dma_wait3A_1804 = arith.constant 0 : i32
      %dma_wait3A_1805 = tpu.memref_slice %dma_wait3A_1803[%mul3A_1788, %dma_wait3A_1804] : memref<10000x16xf32, #tpu.memory_space<hbm>> -> memref<80x16xf32, #tpu.memory_space<hbm>>
      %dma_wait3A_1806 = arith.constant 0 : i32
      %dma_wait3A_1807 = arith.constant 0 : i32
      %dma_wait3A_1808 = tpu.memref_slice %arg6[%dma_wait3A_1789, %dma_wait3A_1806, %dma_wait3A_1807] : memref<25x80x16xf32, #tpu.memory_space<vmem>> -> memref<1x80x16xf32, #tpu.memory_space<vmem>>
      %dma_wait3A_1809 = tpu.memref_squeeze %dma_wait3A_1808 : memref<1x80x16xf32, #tpu.memory_space<vmem>> -> memref<80x16xf32, #tpu.memory_space<vmem>>
      tpu.wait_dma2 semaphore(%arg8 : memref<!tpu.dma_semaphore, #tpu.memory_space<semaphore_mem>>) src(%dma_wait3A_1809 : memref<80x16xf32, #tpu.memory_space<vmem>>) dst(%dma_wait3A_1805 : memref<80x16xf32, #tpu.memory_space<hbm>>)
      %add3A_1810 = arith.constant 19 : i32
      %add3A_1811 = arith.addi %mul3A_11, %add3A_1810 : i32
      %mul3A_1812 = arith.constant 80 : i32
      %mul3A_1813 = arith.muli %add3A_1811, %mul3A_1812 : i32
      %dma_wait3A_1814 = arith.constant 19 : i32
      %dma_wait3A_1815 = arith.constant 0 : i32
      %dma_wait3A_1816 = arith.constant 0 : i32
      %dma_wait3A_1817 = tpu.memref_slice %arg6[%dma_wait3A_1814, %dma_wait3A_1815, %dma_wait3A_1816] : memref<25x80x16xf32, #tpu.memory_space<vmem>> -> memref<1x80x16xf32, #tpu.memory_space<vmem>>
      %dma_wait3A_1818 = tpu.memref_squeeze %dma_wait3A_1817 : memref<1x80x16xf32, #tpu.memory_space<vmem>> -> memref<80x16xf32, #tpu.memory_space<vmem>>
      %dma_wait3A_1819 = arith.constant 0 : i32
      %dma_wait3A_1820 = arith.constant 0 : i32
      %dma_wait3A_1821 = tpu.memref_slice %arg4[%add3A, %dma_wait3A_1819, %dma_wait3A_1820] : memref<32x10000x16xf32, #tpu.memory_space<hbm>> -> memref<1x10000x16xf32, #tpu.memory_space<hbm>>
      %dma_wait3A_1822 = tpu.memref_squeeze %dma_wait3A_1821 : memref<1x10000x16xf32, #tpu.memory_space<hbm>> -> memref<10000x16xf32, #tpu.memory_space<hbm>>
      %dma_wait3A_1823 = arith.constant 0 : i32
      %dma_wait3A_1824 = tpu.memref_slice %dma_wait3A_1822[%mul3A_1813, %dma_wait3A_1823] : memref<10000x16xf32, #tpu.memory_space<hbm>> -> memref<80x16xf32, #tpu.memory_space<hbm>>
      %dma_wait3A_1825 = arith.constant 0 : i32
      %dma_wait3A_1826 = arith.constant 0 : i32
      %dma_wait3A_1827 = tpu.memref_slice %arg4[%add3A, %dma_wait3A_1825, %dma_wait3A_1826] : memref<32x10000x16xf32, #tpu.memory_space<hbm>> -> memref<1x10000x16xf32, #tpu.memory_space<hbm>>
      %dma_wait3A_1828 = tpu.memref_squeeze %dma_wait3A_1827 : memref<1x10000x16xf32, #tpu.memory_space<hbm>> -> memref<10000x16xf32, #tpu.memory_space<hbm>>
      %dma_wait3A_1829 = arith.constant 0 : i32
      %dma_wait3A_1830 = tpu.memref_slice %dma_wait3A_1828[%mul3A_1813, %dma_wait3A_1829] : memref<10000x16xf32, #tpu.memory_space<hbm>> -> memref<80x16xf32, #tpu.memory_space<hbm>>
      %dma_wait3A_1831 = arith.constant 0 : i32
      %dma_wait3A_1832 = arith.constant 0 : i32
      %dma_wait3A_1833 = tpu.memref_slice %arg6[%dma_wait3A_1814, %dma_wait3A_1831, %dma_wait3A_1832] : memref<25x80x16xf32, #tpu.memory_space<vmem>> -> memref<1x80x16xf32, #tpu.memory_space<vmem>>
      %dma_wait3A_1834 = tpu.memref_squeeze %dma_wait3A_1833 : memref<1x80x16xf32, #tpu.memory_space<vmem>> -> memref<80x16xf32, #tpu.memory_space<vmem>>
      tpu.wait_dma2 semaphore(%arg8 : memref<!tpu.dma_semaphore, #tpu.memory_space<semaphore_mem>>) src(%dma_wait3A_1834 : memref<80x16xf32, #tpu.memory_space<vmem>>) dst(%dma_wait3A_1830 : memref<80x16xf32, #tpu.memory_space<hbm>>)
      %add3A_1835 = arith.constant 20 : i32
      %add3A_1836 = arith.addi %mul3A_11, %add3A_1835 : i32
      %mul3A_1837 = arith.constant 80 : i32
      %mul3A_1838 = arith.muli %add3A_1836, %mul3A_1837 : i32
      %dma_wait3A_1839 = arith.constant 20 : i32
      %dma_wait3A_1840 = arith.constant 0 : i32
      %dma_wait3A_1841 = arith.constant 0 : i32
      %dma_wait3A_1842 = tpu.memref_slice %arg6[%dma_wait3A_1839, %dma_wait3A_1840, %dma_wait3A_1841] : memref<25x80x16xf32, #tpu.memory_space<vmem>> -> memref<1x80x16xf32, #tpu.memory_space<vmem>>
      %dma_wait3A_1843 = tpu.memref_squeeze %dma_wait3A_1842 : memref<1x80x16xf32, #tpu.memory_space<vmem>> -> memref<80x16xf32, #tpu.memory_space<vmem>>
      %dma_wait3A_1844 = arith.constant 0 : i32
      %dma_wait3A_1845 = arith.constant 0 : i32
      %dma_wait3A_1846 = tpu.memref_slice %arg4[%add3A, %dma_wait3A_1844, %dma_wait3A_1845] : memref<32x10000x16xf32, #tpu.memory_space<hbm>> -> memref<1x10000x16xf32, #tpu.memory_space<hbm>>
      %dma_wait3A_1847 = tpu.memref_squeeze %dma_wait3A_1846 : memref<1x10000x16xf32, #tpu.memory_space<hbm>> -> memref<10000x16xf32, #tpu.memory_space<hbm>>
      %dma_wait3A_1848 = arith.constant 0 : i32
      %dma_wait3A_1849 = tpu.memref_slice %dma_wait3A_1847[%mul3A_1838, %dma_wait3A_1848] : memref<10000x16xf32, #tpu.memory_space<hbm>> -> memref<80x16xf32, #tpu.memory_space<hbm>>
      %dma_wait3A_1850 = arith.constant 0 : i32
      %dma_wait3A_1851 = arith.constant 0 : i32
      %dma_wait3A_1852 = tpu.memref_slice %arg4[%add3A, %dma_wait3A_1850, %dma_wait3A_1851] : memref<32x10000x16xf32, #tpu.memory_space<hbm>> -> memref<1x10000x16xf32, #tpu.memory_space<hbm>>
      %dma_wait3A_1853 = tpu.memref_squeeze %dma_wait3A_1852 : memref<1x10000x16xf32, #tpu.memory_space<hbm>> -> memref<10000x16xf32, #tpu.memory_space<hbm>>
      %dma_wait3A_1854 = arith.constant 0 : i32
      %dma_wait3A_1855 = tpu.memref_slice %dma_wait3A_1853[%mul3A_1838, %dma_wait3A_1854] : memref<10000x16xf32, #tpu.memory_space<hbm>> -> memref<80x16xf32, #tpu.memory_space<hbm>>
      %dma_wait3A_1856 = arith.constant 0 : i32
      %dma_wait3A_1857 = arith.constant 0 : i32
      %dma_wait3A_1858 = tpu.memref_slice %arg6[%dma_wait3A_1839, %dma_wait3A_1856, %dma_wait3A_1857] : memref<25x80x16xf32, #tpu.memory_space<vmem>> -> memref<1x80x16xf32, #tpu.memory_space<vmem>>
      %dma_wait3A_1859 = tpu.memref_squeeze %dma_wait3A_1858 : memref<1x80x16xf32, #tpu.memory_space<vmem>> -> memref<80x16xf32, #tpu.memory_space<vmem>>
      tpu.wait_dma2 semaphore(%arg8 : memref<!tpu.dma_semaphore, #tpu.memory_space<semaphore_mem>>) src(%dma_wait3A_1859 : memref<80x16xf32, #tpu.memory_space<vmem>>) dst(%dma_wait3A_1855 : memref<80x16xf32, #tpu.memory_space<hbm>>)
      %add3A_1860 = arith.constant 21 : i32
      %add3A_1861 = arith.addi %mul3A_11, %add3A_1860 : i32
      %mul3A_1862 = arith.constant 80 : i32
      %mul3A_1863 = arith.muli %add3A_1861, %mul3A_1862 : i32
      %dma_wait3A_1864 = arith.constant 21 : i32
      %dma_wait3A_1865 = arith.constant 0 : i32
      %dma_wait3A_1866 = arith.constant 0 : i32
      %dma_wait3A_1867 = tpu.memref_slice %arg6[%dma_wait3A_1864, %dma_wait3A_1865, %dma_wait3A_1866] : memref<25x80x16xf32, #tpu.memory_space<vmem>> -> memref<1x80x16xf32, #tpu.memory_space<vmem>>
      %dma_wait3A_1868 = tpu.memref_squeeze %dma_wait3A_1867 : memref<1x80x16xf32, #tpu.memory_space<vmem>> -> memref<80x16xf32, #tpu.memory_space<vmem>>
      %dma_wait3A_1869 = arith.constant 0 : i32
      %dma_wait3A_1870 = arith.constant 0 : i32
      %dma_wait3A_1871 = tpu.memref_slice %arg4[%add3A, %dma_wait3A_1869, %dma_wait3A_1870] : memref<32x10000x16xf32, #tpu.memory_space<hbm>> -> memref<1x10000x16xf32, #tpu.memory_space<hbm>>
      %dma_wait3A_1872 = tpu.memref_squeeze %dma_wait3A_1871 : memref<1x10000x16xf32, #tpu.memory_space<hbm>> -> memref<10000x16xf32, #tpu.memory_space<hbm>>
      %dma_wait3A_1873 = arith.constant 0 : i32
      %dma_wait3A_1874 = tpu.memref_slice %dma_wait3A_1872[%mul3A_1863, %dma_wait3A_1873] : memref<10000x16xf32, #tpu.memory_space<hbm>> -> memref<80x16xf32, #tpu.memory_space<hbm>>
      %dma_wait3A_1875 = arith.constant 0 : i32
      %dma_wait3A_1876 = arith.constant 0 : i32
      %dma_wait3A_1877 = tpu.memref_slice %arg4[%add3A, %dma_wait3A_1875, %dma_wait3A_1876] : memref<32x10000x16xf32, #tpu.memory_space<hbm>> -> memref<1x10000x16xf32, #tpu.memory_space<hbm>>
      %dma_wait3A_1878 = tpu.memref_squeeze %dma_wait3A_1877 : memref<1x10000x16xf32, #tpu.memory_space<hbm>> -> memref<10000x16xf32, #tpu.memory_space<hbm>>
      %dma_wait3A_1879 = arith.constant 0 : i32
      %dma_wait3A_1880 = tpu.memref_slice %dma_wait3A_1878[%mul3A_1863, %dma_wait3A_1879] : memref<10000x16xf32, #tpu.memory_space<hbm>> -> memref<80x16xf32, #tpu.memory_space<hbm>>
      %dma_wait3A_1881 = arith.constant 0 : i32
      %dma_wait3A_1882 = arith.constant 0 : i32
      %dma_wait3A_1883 = tpu.memref_slice %arg6[%dma_wait3A_1864, %dma_wait3A_1881, %dma_wait3A_1882] : memref<25x80x16xf32, #tpu.memory_space<vmem>> -> memref<1x80x16xf32, #tpu.memory_space<vmem>>
      %dma_wait3A_1884 = tpu.memref_squeeze %dma_wait3A_1883 : memref<1x80x16xf32, #tpu.memory_space<vmem>> -> memref<80x16xf32, #tpu.memory_space<vmem>>
      tpu.wait_dma2 semaphore(%arg8 : memref<!tpu.dma_semaphore, #tpu.memory_space<semaphore_mem>>) src(%dma_wait3A_1884 : memref<80x16xf32, #tpu.memory_space<vmem>>) dst(%dma_wait3A_1880 : memref<80x16xf32, #tpu.memory_space<hbm>>)
      %add3A_1885 = arith.constant 22 : i32
      %add3A_1886 = arith.addi %mul3A_11, %add3A_1885 : i32
      %mul3A_1887 = arith.constant 80 : i32
      %mul3A_1888 = arith.muli %add3A_1886, %mul3A_1887 : i32
      %dma_wait3A_1889 = arith.constant 22 : i32
      %dma_wait3A_1890 = arith.constant 0 : i32
      %dma_wait3A_1891 = arith.constant 0 : i32
      %dma_wait3A_1892 = tpu.memref_slice %arg6[%dma_wait3A_1889, %dma_wait3A_1890, %dma_wait3A_1891] : memref<25x80x16xf32, #tpu.memory_space<vmem>> -> memref<1x80x16xf32, #tpu.memory_space<vmem>>
      %dma_wait3A_1893 = tpu.memref_squeeze %dma_wait3A_1892 : memref<1x80x16xf32, #tpu.memory_space<vmem>> -> memref<80x16xf32, #tpu.memory_space<vmem>>
      %dma_wait3A_1894 = arith.constant 0 : i32
      %dma_wait3A_1895 = arith.constant 0 : i32
      %dma_wait3A_1896 = tpu.memref_slice %arg4[%add3A, %dma_wait3A_1894, %dma_wait3A_1895] : memref<32x10000x16xf32, #tpu.memory_space<hbm>> -> memref<1x10000x16xf32, #tpu.memory_space<hbm>>
      %dma_wait3A_1897 = tpu.memref_squeeze %dma_wait3A_1896 : memref<1x10000x16xf32, #tpu.memory_space<hbm>> -> memref<10000x16xf32, #tpu.memory_space<hbm>>
      %dma_wait3A_1898 = arith.constant 0 : i32
      %dma_wait3A_1899 = tpu.memref_slice %dma_wait3A_1897[%mul3A_1888, %dma_wait3A_1898] : memref<10000x16xf32, #tpu.memory_space<hbm>> -> memref<80x16xf32, #tpu.memory_space<hbm>>
      %dma_wait3A_1900 = arith.constant 0 : i32
      %dma_wait3A_1901 = arith.constant 0 : i32
      %dma_wait3A_1902 = tpu.memref_slice %arg4[%add3A, %dma_wait3A_1900, %dma_wait3A_1901] : memref<32x10000x16xf32, #tpu.memory_space<hbm>> -> memref<1x10000x16xf32, #tpu.memory_space<hbm>>
      %dma_wait3A_1903 = tpu.memref_squeeze %dma_wait3A_1902 : memref<1x10000x16xf32, #tpu.memory_space<hbm>> -> memref<10000x16xf32, #tpu.memory_space<hbm>>
      %dma_wait3A_1904 = arith.constant 0 : i32
      %dma_wait3A_1905 = tpu.memref_slice %dma_wait3A_1903[%mul3A_1888, %dma_wait3A_1904] : memref<10000x16xf32, #tpu.memory_space<hbm>> -> memref<80x16xf32, #tpu.memory_space<hbm>>
      %dma_wait3A_1906 = arith.constant 0 : i32
      %dma_wait3A_1907 = arith.constant 0 : i32
      %dma_wait3A_1908 = tpu.memref_slice %arg6[%dma_wait3A_1889, %dma_wait3A_1906, %dma_wait3A_1907] : memref<25x80x16xf32, #tpu.memory_space<vmem>> -> memref<1x80x16xf32, #tpu.memory_space<vmem>>
      %dma_wait3A_1909 = tpu.memref_squeeze %dma_wait3A_1908 : memref<1x80x16xf32, #tpu.memory_space<vmem>> -> memref<80x16xf32, #tpu.memory_space<vmem>>
      tpu.wait_dma2 semaphore(%arg8 : memref<!tpu.dma_semaphore, #tpu.memory_space<semaphore_mem>>) src(%dma_wait3A_1909 : memref<80x16xf32, #tpu.memory_space<vmem>>) dst(%dma_wait3A_1905 : memref<80x16xf32, #tpu.memory_space<hbm>>)
      %add3A_1910 = arith.constant 23 : i32
      %add3A_1911 = arith.addi %mul3A_11, %add3A_1910 : i32
      %mul3A_1912 = arith.constant 80 : i32
      %mul3A_1913 = arith.muli %add3A_1911, %mul3A_1912 : i32
      %dma_wait3A_1914 = arith.constant 23 : i32
      %dma_wait3A_1915 = arith.constant 0 : i32
      %dma_wait3A_1916 = arith.constant 0 : i32
      %dma_wait3A_1917 = tpu.memref_slice %arg6[%dma_wait3A_1914, %dma_wait3A_1915, %dma_wait3A_1916] : memref<25x80x16xf32, #tpu.memory_space<vmem>> -> memref<1x80x16xf32, #tpu.memory_space<vmem>>
      %dma_wait3A_1918 = tpu.memref_squeeze %dma_wait3A_1917 : memref<1x80x16xf32, #tpu.memory_space<vmem>> -> memref<80x16xf32, #tpu.memory_space<vmem>>
      %dma_wait3A_1919 = arith.constant 0 : i32
      %dma_wait3A_1920 = arith.constant 0 : i32
      %dma_wait3A_1921 = tpu.memref_slice %arg4[%add3A, %dma_wait3A_1919, %dma_wait3A_1920] : memref<32x10000x16xf32, #tpu.memory_space<hbm>> -> memref<1x10000x16xf32, #tpu.memory_space<hbm>>
      %dma_wait3A_1922 = tpu.memref_squeeze %dma_wait3A_1921 : memref<1x10000x16xf32, #tpu.memory_space<hbm>> -> memref<10000x16xf32, #tpu.memory_space<hbm>>
      %dma_wait3A_1923 = arith.constant 0 : i32
      %dma_wait3A_1924 = tpu.memref_slice %dma_wait3A_1922[%mul3A_1913, %dma_wait3A_1923] : memref<10000x16xf32, #tpu.memory_space<hbm>> -> memref<80x16xf32, #tpu.memory_space<hbm>>
      %dma_wait3A_1925 = arith.constant 0 : i32
      %dma_wait3A_1926 = arith.constant 0 : i32
      %dma_wait3A_1927 = tpu.memref_slice %arg4[%add3A, %dma_wait3A_1925, %dma_wait3A_1926] : memref<32x10000x16xf32, #tpu.memory_space<hbm>> -> memref<1x10000x16xf32, #tpu.memory_space<hbm>>
      %dma_wait3A_1928 = tpu.memref_squeeze %dma_wait3A_1927 : memref<1x10000x16xf32, #tpu.memory_space<hbm>> -> memref<10000x16xf32, #tpu.memory_space<hbm>>
      %dma_wait3A_1929 = arith.constant 0 : i32
      %dma_wait3A_1930 = tpu.memref_slice %dma_wait3A_1928[%mul3A_1913, %dma_wait3A_1929] : memref<10000x16xf32, #tpu.memory_space<hbm>> -> memref<80x16xf32, #tpu.memory_space<hbm>>
      %dma_wait3A_1931 = arith.constant 0 : i32
      %dma_wait3A_1932 = arith.constant 0 : i32
      %dma_wait3A_1933 = tpu.memref_slice %arg6[%dma_wait3A_1914, %dma_wait3A_1931, %dma_wait3A_1932] : memref<25x80x16xf32, #tpu.memory_space<vmem>> -> memref<1x80x16xf32, #tpu.memory_space<vmem>>
      %dma_wait3A_1934 = tpu.memref_squeeze %dma_wait3A_1933 : memref<1x80x16xf32, #tpu.memory_space<vmem>> -> memref<80x16xf32, #tpu.memory_space<vmem>>
      tpu.wait_dma2 semaphore(%arg8 : memref<!tpu.dma_semaphore, #tpu.memory_space<semaphore_mem>>) src(%dma_wait3A_1934 : memref<80x16xf32, #tpu.memory_space<vmem>>) dst(%dma_wait3A_1930 : memref<80x16xf32, #tpu.memory_space<hbm>>)
      %add3A_1935 = arith.constant 24 : i32
      %add3A_1936 = arith.addi %mul3A_11, %add3A_1935 : i32
      %mul3A_1937 = arith.constant 80 : i32
      %mul3A_1938 = arith.muli %add3A_1936, %mul3A_1937 : i32
      %dma_wait3A_1939 = arith.constant 24 : i32
      %dma_wait3A_1940 = arith.constant 0 : i32
      %dma_wait3A_1941 = arith.constant 0 : i32
      %dma_wait3A_1942 = tpu.memref_slice %arg6[%dma_wait3A_1939, %dma_wait3A_1940, %dma_wait3A_1941] : memref<25x80x16xf32, #tpu.memory_space<vmem>> -> memref<1x80x16xf32, #tpu.memory_space<vmem>>
      %dma_wait3A_1943 = tpu.memref_squeeze %dma_wait3A_1942 : memref<1x80x16xf32, #tpu.memory_space<vmem>> -> memref<80x16xf32, #tpu.memory_space<vmem>>
      %dma_wait3A_1944 = arith.constant 0 : i32
      %dma_wait3A_1945 = arith.constant 0 : i32
      %dma_wait3A_1946 = tpu.memref_slice %arg4[%add3A, %dma_wait3A_1944, %dma_wait3A_1945] : memref<32x10000x16xf32, #tpu.memory_space<hbm>> -> memref<1x10000x16xf32, #tpu.memory_space<hbm>>
      %dma_wait3A_1947 = tpu.memref_squeeze %dma_wait3A_1946 : memref<1x10000x16xf32, #tpu.memory_space<hbm>> -> memref<10000x16xf32, #tpu.memory_space<hbm>>
      %dma_wait3A_1948 = arith.constant 0 : i32
      %dma_wait3A_1949 = tpu.memref_slice %dma_wait3A_1947[%mul3A_1938, %dma_wait3A_1948] : memref<10000x16xf32, #tpu.memory_space<hbm>> -> memref<80x16xf32, #tpu.memory_space<hbm>>
      %dma_wait3A_1950 = arith.constant 0 : i32
      %dma_wait3A_1951 = arith.constant 0 : i32
      %dma_wait3A_1952 = tpu.memref_slice %arg4[%add3A, %dma_wait3A_1950, %dma_wait3A_1951] : memref<32x10000x16xf32, #tpu.memory_space<hbm>> -> memref<1x10000x16xf32, #tpu.memory_space<hbm>>
      %dma_wait3A_1953 = tpu.memref_squeeze %dma_wait3A_1952 : memref<1x10000x16xf32, #tpu.memory_space<hbm>> -> memref<10000x16xf32, #tpu.memory_space<hbm>>
      %dma_wait3A_1954 = arith.constant 0 : i32
      %dma_wait3A_1955 = tpu.memref_slice %dma_wait3A_1953[%mul3A_1938, %dma_wait3A_1954] : memref<10000x16xf32, #tpu.memory_space<hbm>> -> memref<80x16xf32, #tpu.memory_space<hbm>>
      %dma_wait3A_1956 = arith.constant 0 : i32
      %dma_wait3A_1957 = arith.constant 0 : i32
      %dma_wait3A_1958 = tpu.memref_slice %arg6[%dma_wait3A_1939, %dma_wait3A_1956, %dma_wait3A_1957] : memref<25x80x16xf32, #tpu.memory_space<vmem>> -> memref<1x80x16xf32, #tpu.memory_space<vmem>>
      %dma_wait3A_1959 = tpu.memref_squeeze %dma_wait3A_1958 : memref<1x80x16xf32, #tpu.memory_space<vmem>> -> memref<80x16xf32, #tpu.memory_space<vmem>>
      tpu.wait_dma2 semaphore(%arg8 : memref<!tpu.dma_semaphore, #tpu.memory_space<semaphore_mem>>) src(%dma_wait3A_1959 : memref<80x16xf32, #tpu.memory_space<vmem>>) dst(%dma_wait3A_1955 : memref<80x16xf32, #tpu.memory_space<hbm>>)
    }
    %scan3A_4 = arith.constant 5 : i32
    return
  }
}

module attributes {stable_mosaic.version = 14 : i64} {
  func.func @_phi_seg_kernel(%arg0: i32, %arg1: memref<1x1x1280xi32, #tpu.memory_space<vmem>>, %arg2: memref<1280x128xf32, #tpu.memory_space<vmem>>, %arg3: memref<128x64xf32, #tpu.memory_space<vmem>>, %arg4: memref<1x64xf32, #tpu.memory_space<vmem>>, %arg5: memref<64x64xf32, #tpu.memory_space<vmem>>, %arg6: memref<1x64xf32, #tpu.memory_space<vmem>>, %arg7: memref<11288x65xf32, #tpu.memory_space<vmem>>) attributes {dimension_semantics = [#tpu.dimension_semantics<arbitrary>], iteration_bounds = array<i64: 250>, scalar_prefetch = 0 : i64, scratch_operands = 0 : i64, tpu.core_type = #tpu.core_type<tc>, window_params = [{transform_indices = @transform_0, window_bounds = array<i64: 1, 1, 1280>}, {transform_indices = @transform_1, window_bounds = array<i64: 1280, 128>}, {pipeline_mode = #tpu.pipeline_mode<synchronous>, transform_indices = @transform_2, window_bounds = array<i64: 128, 64>}, {pipeline_mode = #tpu.pipeline_mode<synchronous>, transform_indices = @transform_3, window_bounds = array<i64: 1, 64>}, {pipeline_mode = #tpu.pipeline_mode<synchronous>, transform_indices = @transform_4, window_bounds = array<i64: 64, 64>}, {pipeline_mode = #tpu.pipeline_mode<synchronous>, transform_indices = @transform_5, window_bounds = array<i64: 1, 64>}, {pipeline_mode = #tpu.pipeline_mode<synchronous>, transform_indices = @transform_6, window_bounds = array<i64: 11288, 65>}]} {
    %eq3A = arith.constant 0 : i32
    %eq3A_0 = arith.cmpi eq, %arg0, %eq3A : i32
    %convert_element_type3A = arith.extui %eq3A_0 : i1 to i32
    %cond3A = arith.constant 0 : i32
    %cond3A_1 = arith.cmpi ne, %convert_element_type3A, %cond3A : i32
    scf.if %cond3A_1 {
      %broadcast_in_dim3A_80 = arith.constant 0.000000e+00 : f32
      %broadcast_in_dim3A_81 = vector.broadcast %broadcast_in_dim3A_80 : f32 to vector<11288x65xf32>
      %swap3A_82 = arith.constant 0 : index
      %swap3A_83 = arith.constant 0 : index
      %swap3A_84 = vector.load %arg7[%swap3A_82, %swap3A_83] : memref<11288x65xf32, #tpu.memory_space<vmem>>, vector<11288x65xf32>
      tpu.vector_store %arg7[%swap3A_82, %swap3A_83], %broadcast_in_dim3A_81 {strides = array<i32>} : memref<11288x65xf32, #tpu.memory_space<vmem>>, vector<11288x65xf32>,
    } else {
    }
    %get3A = arith.constant 0 : index
    %get3A_2 = arith.constant 0 : index
    %get3A_3 = vector.load %arg2[%get3A, %get3A_2] : memref<1280x128xf32, #tpu.memory_space<vmem>>, vector<1280x128xf32>
    %get3A_4 = arith.constant 0 : index
    %get3A_5 = arith.constant 0 : index
    %get3A_6 = vector.load %arg3[%get3A_4, %get3A_5] : memref<128x64xf32, #tpu.memory_space<vmem>>, vector<128x64xf32>
    %dot_general3A = arith.constant dense<0.000000e+00> : vector<1280x64xf32>
    %dot_general3A_7 = tpu.matmul %get3A_3, %get3A_6, %dot_general3A {dimension_numbers = #tpu.dot_dimension_numbers<[1], [0], [0], [1], [0, 0, 1, 1], [], []>, transpose_lhs_hint = false} : vector<1280x128xf32>, vector<128x64xf32>, vector<1280x64xf32> -> vector<1280x64xf32>
    %get3A_8 = arith.constant 0 : index
    %get3A_9 = arith.constant 0 : index
    %get3A_10 = vector.load %arg4[%get3A_8, %get3A_9] : memref<1x64xf32, #tpu.memory_space<vmem>>, vector<1x64xf32>
    %add3A = vector.broadcast %get3A_10 : vector<1x64xf32> to vector<1280x64xf32>
    %add3A_11 = arith.addf %dot_general3A_7, %add3A : vector<1280x64xf32>
    %logistic3A = arith.negf %add3A_11 : vector<1280x64xf32>
    %logistic3A_12 = math.exp %logistic3A : vector<1280x64xf32>
    %logistic3A_13 = arith.constant 1.000000e+00 : f32
    %logistic3A_14 = vector.broadcast %logistic3A_13 : f32 to vector<1280x64xf32>
    %logistic3A_15 = arith.addf %logistic3A_14, %logistic3A_12 : vector<1280x64xf32>
    %logistic3A_16 = arith.divf %logistic3A_14, %logistic3A_15 : vector<1280x64xf32>
    %mul3A = arith.mulf %add3A_11, %logistic3A_16 : vector<1280x64xf32>
    %get3A_17 = arith.constant 0 : index
    %get3A_18 = arith.constant 0 : index
    %get3A_19 = vector.load %arg5[%get3A_17, %get3A_18] : memref<64x64xf32, #tpu.memory_space<vmem>>, vector<64x64xf32>
    %dot_general3A_20 = arith.constant dense<0.000000e+00> : vector<1280x64xf32>
    %dot_general3A_21 = tpu.matmul %mul3A, %get3A_19, %dot_general3A_20 {dimension_numbers = #tpu.dot_dimension_numbers<[1], [0], [0], [1], [0, 0, 1, 1], [], []>, transpose_lhs_hint = false} : vector<1280x64xf32>, vector<64x64xf32>, vector<1280x64xf32> -> vector<1280x64xf32>
    %get3A_22 = arith.constant 0 : index
    %get3A_23 = arith.constant 0 : index
    %get3A_24 = vector.load %arg6[%get3A_22, %get3A_23] : memref<1x64xf32, #tpu.memory_space<vmem>>, vector<1x64xf32>
    %add3A_25 = vector.broadcast %get3A_24 : vector<1x64xf32> to vector<1280x64xf32>
    %add3A_26 = arith.addf %dot_general3A_21, %add3A_25 : vector<1280x64xf32>
    %logistic3A_27 = arith.negf %add3A_26 : vector<1280x64xf32>
    %logistic3A_28 = math.exp %logistic3A_27 : vector<1280x64xf32>
    %logistic3A_29 = arith.constant 1.000000e+00 : f32
    %logistic3A_30 = vector.broadcast %logistic3A_29 : f32 to vector<1280x64xf32>
    %logistic3A_31 = arith.addf %logistic3A_30, %logistic3A_28 : vector<1280x64xf32>
    %logistic3A_32 = arith.divf %logistic3A_30, %logistic3A_31 : vector<1280x64xf32>
    %mul3A_33 = arith.mulf %add3A_26, %logistic3A_32 : vector<1280x64xf32>
    %get3A_34 = arith.constant 0 : index
    %get3A_35 = arith.constant 0 : index
    %get3A_36 = arith.constant 0 : index
    %get3A_37 = vector.load %arg1[%get3A_34, %get3A_35, %get3A_36] : memref<1x1x1280xi32, #tpu.memory_space<vmem>>, vector<1x1x1280xi32>
    %get3A_38 = vector.shape_cast %get3A_37 : vector<1x1x1280xi32> to vector<1280xi32>
    %get3A_39 = arith.constant 0 : index
    %get3A_40 = arith.constant 0 : index
    %get3A_41 = arith.constant 0 : index
    %get3A_42 = vector.load %arg1[%get3A_39, %get3A_40, %get3A_41] : memref<1x1x1280xi32, #tpu.memory_space<vmem>>, vector<1x1x1xi32>
    %get3A_43 = vector.extract %get3A_42[0, 0, 0] : i32 from vector<1x1x1xi32>
    %jit3A = arith.constant 8 : i32
    %div3A = arith.divsi %get3A_43, %jit3A : i32
    %sign3A = arith.constant 0 : i32
    %sign3A_44 = arith.cmpi sgt, %get3A_43, %sign3A : i32
    %sign3A_45 = arith.extui %sign3A_44 : i1 to i32
    %sign3A_46 = arith.constant 0 : i32
    %sign3A_47 = arith.cmpi slt, %get3A_43, %sign3A_46 : i32
    %sign3A_48 = arith.extui %sign3A_47 : i1 to i32
    %sign3A_49 = arith.subi %sign3A_45, %sign3A_48 : i32
    %sign3A_50 = arith.constant 0 : i32
    %sign3A_51 = arith.cmpi sgt, %jit3A, %sign3A_50 : i32
    %sign3A_52 = arith.extui %sign3A_51 : i1 to i32
    %sign3A_53 = arith.constant 0 : i32
    %sign3A_54 = arith.cmpi slt, %jit3A, %sign3A_53 : i32
    %sign3A_55 = arith.extui %sign3A_54 : i1 to i32
    %sign3A_56 = arith.subi %sign3A_52, %sign3A_55 : i32
    %ne3A = arith.cmpi ne, %sign3A_49, %sign3A_56 : i32
    %rem3A = arith.remsi %get3A_43, %jit3A : i32
    %ne3A_57 = arith.constant 0 : i32
    %ne3A_58 = arith.cmpi ne, %rem3A, %ne3A_57 : i32
    %and3A = arith.andi %ne3A, %ne3A_58 : i1
    %sub3A = arith.constant 1 : i32
    %sub3A_59 = arith.subi %div3A, %sub3A : i32
    %select_n3A = arith.select %and3A, %sub3A_59, %div3A : i32
    %mul3A_60 = arith.constant 8 : i32
    %mul3A_61 = arith.muli %select_n3A, %mul3A_60 : i32
    %multiple_of3A = tpu.assume_multiple %mul3A_61, 8 : i32
    %sub3A_62 = vector.broadcast %multiple_of3A : i32 to vector<1280xi32>
    %sub3A_63 = arith.subi %get3A_38, %sub3A_62 : vector<1280xi32>
    %iota3A = tpu.iota {dimensions = array<i32: 0>} : vector<1288x1280xi32>
    %broadcast_in_dim3A = vector.shape_cast %sub3A_63 : vector<1280xi32> to vector<1x1280xi32>
    %eq3A_64 = vector.broadcast %broadcast_in_dim3A : vector<1x1280xi32> to vector<1288x1280xi32>
    %eq3A_65 = arith.cmpi eq, %iota3A, %eq3A_64 : vector<1288x1280xi32>
    %convert_element_type3A_66 = arith.extui %eq3A_65 : vector<1288x1280xi1> to vector<1288x1280xi32>
    %convert_element_type3A_67 = arith.sitofp %convert_element_type3A_66 : vector<1288x1280xi32> to vector<1288x1280xf32>
    %convert_element_type3A_68 = arith.truncf %convert_element_type3A_67 : vector<1288x1280xf32> to vector<1288x1280xbf16>
    %broadcast_in_dim3A_69 = arith.constant 1.000000e+00 : f32
    %broadcast_in_dim3A_70 = vector.broadcast %broadcast_in_dim3A_69 : f32 to vector<1280x1xf32>
    %concatenate3A = tpu.concatenate %mul3A_33, %broadcast_in_dim3A_70 in 1 : vector<1280x64xf32>, vector<1280x1xf32> -> vector<1280x65xf32>
    %convert_element_type3A_71 = arith.truncf %concatenate3A : vector<1280x65xf32> to vector<1280x65xbf16>
    %dot_general3A_72 = arith.constant dense<0.000000e+00> : vector<1288x65xf32>
    %dot_general3A_73 = tpu.matmul %convert_element_type3A_68, %convert_element_type3A_71, %dot_general3A_72 {dimension_numbers = #tpu.dot_dimension_numbers<[1], [0], [0], [1], [0, 0, 1, 1], [], []>, transpose_lhs_hint = false} : vector<1288x1280xbf16>, vector<1280x65xbf16>, vector<1288x65xf32> -> vector<1288x65xf32>
    %get3A_74 = arith.index_cast %multiple_of3A : i32 to index
    %get3A_75 = arith.constant 0 : index
    %get3A_76 = vector.load %arg7[%get3A_74, %get3A_75] : memref<11288x65xf32, #tpu.memory_space<vmem>>, vector<1288x65xf32>
    %add3A_77 = arith.addf %get3A_76, %dot_general3A_73 : vector<1288x65xf32>
    %swap3A = arith.index_cast %multiple_of3A : i32 to index
    %swap3A_78 = arith.constant 0 : index
    %swap3A_79 = vector.load %arg7[%swap3A, %swap3A_78] : memref<11288x65xf32, #tpu.memory_space<vmem>>, vector<1288x65xf32>
    tpu.vector_store %arg7[%swap3A, %swap3A_78], %add3A_77 {strides = array<i32>} : memref<11288x65xf32, #tpu.memory_space<vmem>>, vector<1288x65xf32>,
    return
  }
  func.func @transform_0(%arg0: i32) -> (i32, i32, i32) {
    %c0_i32 = arith.constant 0 : i32
    %c0_i32_0 = arith.constant 0 : i32
    %c0_i32_1 = arith.constant 0 : i32
    return %arg0, %c0_i32, %c0_i32_0 : i32, i32, i32
  }
  func.func @transform_1(%arg0: i32) -> (i32, i32) {
    %c0_i32 = arith.constant 0 : i32
    %c0_i32_0 = arith.constant 0 : i32
    return %arg0, %c0_i32 : i32, i32
  }
  func.func @transform_2(%arg0: i32) -> (i32, i32) {
    %c0_i32 = arith.constant 0 : i32
    %c0_i32_0 = arith.constant 0 : i32
    %c0_i32_1 = arith.constant 0 : i32
    return %c0_i32, %c0_i32_0 : i32, i32
  }
  func.func @transform_3(%arg0: i32) -> (i32, i32) {
    %c0_i32 = arith.constant 0 : i32
    %c0_i32_0 = arith.constant 0 : i32
    %c0_i32_1 = arith.constant 0 : i32
    return %c0_i32, %c0_i32_0 : i32, i32
  }
  func.func @transform_4(%arg0: i32) -> (i32, i32) {
    %c0_i32 = arith.constant 0 : i32
    %c0_i32_0 = arith.constant 0 : i32
    %c0_i32_1 = arith.constant 0 : i32
    return %c0_i32, %c0_i32_0 : i32, i32
  }
  func.func @transform_5(%arg0: i32) -> (i32, i32) {
    %c0_i32 = arith.constant 0 : i32
    %c0_i32_0 = arith.constant 0 : i32
    %c0_i32_1 = arith.constant 0 : i32
    return %c0_i32, %c0_i32_0 : i32, i32
  }
  func.func @transform_6(%arg0: i32) -> (i32, i32) {
    %c0_i32 = arith.constant 0 : i32
    %c0_i32_0 = arith.constant 0 : i32
    %c0_i32_1 = arith.constant 0 : i32
    return %c0_i32, %c0_i32_0 : i32, i32
  }
}

module attributes {stable_mosaic.version = 14 : i64} {
  func.func @_rho_kernel(%arg0: memref<10000x64xf32, #tpu.memory_space<vmem>>, %arg1: memref<10000x1xf32, #tpu.memory_space<vmem>>, %arg2: memref<64x64xf32, #tpu.memory_space<vmem>>, %arg3: memref<1x64xf32, #tpu.memory_space<vmem>>, %arg4: memref<10000x64xf32, #tpu.memory_space<vmem>>) attributes {dimension_semantics = [], scalar_prefetch = 0 : i64, scratch_operands = 0 : i64, tpu.core_type = #tpu.core_type<tc>} {
    %get3A = arith.constant 0 : index
    %get3A_0 = arith.constant 0 : index
    %get3A_1 = vector.load %arg0[%get3A, %get3A_0] : memref<10000x64xf32, #tpu.memory_space<vmem>>, vector<10000x64xf32>
    %get3A_2 = arith.constant 0 : index
    %get3A_3 = arith.constant 0 : index
    %get3A_4 = vector.load %arg1[%get3A_2, %get3A_3] : memref<10000x1xf32, #tpu.memory_space<vmem>>, vector<10000x1xf32>
    %div3A = vector.broadcast %get3A_4 : vector<10000x1xf32> to vector<10000x64xf32>
    %div3A_5 = arith.divf %get3A_1, %div3A : vector<10000x64xf32>
    %get3A_6 = arith.constant 0 : index
    %get3A_7 = arith.constant 0 : index
    %get3A_8 = vector.load %arg2[%get3A_6, %get3A_7] : memref<64x64xf32, #tpu.memory_space<vmem>>, vector<64x64xf32>
    %dot_general3A = arith.constant dense<0.000000e+00> : vector<10000x64xf32>
    %dot_general3A_9 = tpu.matmul %div3A_5, %get3A_8, %dot_general3A {dimension_numbers = #tpu.dot_dimension_numbers<[1], [0], [0], [1], [0, 0, 1, 1], [], []>, transpose_lhs_hint = false} : vector<10000x64xf32>, vector<64x64xf32>, vector<10000x64xf32> -> vector<10000x64xf32>
    %get3A_10 = arith.constant 0 : index
    %get3A_11 = arith.constant 0 : index
    %get3A_12 = vector.load %arg3[%get3A_10, %get3A_11] : memref<1x64xf32, #tpu.memory_space<vmem>>, vector<1x64xf32>
    %add3A = vector.broadcast %get3A_12 : vector<1x64xf32> to vector<10000x64xf32>
    %add3A_13 = arith.addf %dot_general3A_9, %add3A : vector<10000x64xf32>
    %logistic3A = arith.negf %add3A_13 : vector<10000x64xf32>
    %logistic3A_14 = math.exp %logistic3A : vector<10000x64xf32>
    %logistic3A_15 = arith.constant 1.000000e+00 : f32
    %logistic3A_16 = vector.broadcast %logistic3A_15 : f32 to vector<10000x64xf32>
    %logistic3A_17 = arith.addf %logistic3A_16, %logistic3A_14 : vector<10000x64xf32>
    %logistic3A_18 = arith.divf %logistic3A_16, %logistic3A_17 : vector<10000x64xf32>
    %mul3A = arith.mulf %add3A_13, %logistic3A_18 : vector<10000x64xf32>
    %swap3A = arith.constant 0 : index
    %swap3A_19 = arith.constant 0 : index
    %swap3A_20 = vector.load %arg4[%swap3A, %swap3A_19] : memref<10000x64xf32, #tpu.memory_space<vmem>>, vector<10000x64xf32>
    tpu.vector_store %arg4[%swap3A, %swap3A_19], %mul3A {strides = array<i32>} : memref<10000x64xf32, #tpu.memory_space<vmem>>, vector<10000x64xf32>,
    return
  }
}

</mosaic_0001>

<sc_bundles>
// kernel: kernel.5.cloned.1.call-start
scs
__scs_entry_jumppad:
0x0: {  	(pc) =	sbr.rel $0x88, $3  }
0x1: {  	(tag) =	ssettag $0x0;
	lr =	simm.s32 $0x1  }
0x2: {  	[smem:$0x3F95] =	sst lr;
	_ =	strace $0xD0000000  }
0x3: {  	_ = 	snop  }
0x4: {  	_ = 	snop  }
0x5: {  	_ = 	snop  }
0x6: {  	_ = 	snop  }
0x7: {  	_ = 	snop  }
__scs_overlays_trampoline_lowered:
0x8: {  	[smem:$0x3FA4] =	sst s0  }
0x9: {  	[smem:$0x3FA5] =	sst s1  }
0xa: {  	[smem:$0x3FA6] =	sst s2  }
0xb: {  	[smem:$0x3FA7] =	sst s3  }
0xc: {  	[smem:$0x3FA8] =	sst s4  }
0xd: {  	[smem:$0x3FA9] =	sst s5  }
0xe: {  	[smem:$0x3FAA] =	sst s6  }
0xf: {  	[smem:$0x3FAB] =	sst s7  }
0x10: {  	[smem:$0x3FAC] =	sst s8  }
0x11: {  	[smem:$0x3FAD] =	sst s9;
	s0 =	simm.s32 @!p0 $0x0  }
0x12: {  	s1 =	sld [smem:$0x3F93];
	s0 =	simm.s32 @p0 $0x1  }
0x13: {  	[smem:$0x3FAE] =	sst s0;
	s0 =	simm.s32 @!p1 $0x0  }
0x14: {  	s2 =	sld [smem:$0x3F92];
	s0 =	simm.s32 @p1 $0x1  }
0x15: {  	[smem:$0x3FAF] =	sst s0;
	s0 =	simm.s32 @!p2 $0x0  }
0x16: {  	s3 =	sld [smem:$0x3FDB];
	s0 =	simm.s32 @p2 $0x1  }
0x17: {  	s4 =	simm.s32 $0x1BF5;
	[smem:$0x3FB1] =	sst s0  }
0x18: {  	s0 =	sld [smem:$0x3F94];
	_ =	swait.ge [sflag:s4], $0x0  }
0x19: {  	s7 =	sld [smem:$0x3F95]  }
0x1a: {  	s8 =	sadd.s32 $0xFFFFE003, lr  }
0x1b: {  	s9 =	sadd.s32 $0xFFFFFEF7, lr;
	s5 =	simm.s32 $0xFFFFFFFF;
	p2 =	slt.u32 s8, $0xFFFFF086  }
0x1c: {  	p1 =	slt.u32 s9, $0xF7A;
	s5 =	simm.s32 @!p2 $0x0  }
0x1d: {  	s5 =	simm.s32 @p1 $0x1;
	p0 =	seq.s32 s7, s2  }
0x1e: {  	s7 =	smul.u32 @!p0 $0xF7A, s2;
	p2 =	seq.s32 @!p0 s5, $0x0  }
0x1f: {  	s9 =	smul.u32 $0xF7A, s1;
	s8 =	simm.s32 @!p0 $0x1BF5;
	p2 =	por !p2, p0  }
0x20: {  	[sflag:s8] =	ssyncset.s32 @!p0 $0xFFFFF086;
	s6 =	sadd.s32 @!p0 s3, s7;
	s7 =	simm.s32 @!p0 $0x108  }
0x21: {  	s3 =	sadd.s32 s3, s9;
	s6 =	sadd.s32 @!p0 $0x88, s6;
	s7 =	simm.s32 @p2 $0x1082  }
0x22: {  	[simem:s7], [sflag:s8] =	dma.local @!p0 [hbm:s6], $0xF7A  }
0x23: {  	s9 =	sor.u32 $0xD0000000, s2;
	s6 =	simm.s32 $0x108;
	_ =	swait.ge @!p0 [sflag:s8], $0x0  }
0x24: {  	s3 =	sadd.s32 $0x88, s3;
	s6 =	simm.s32 @!p1 $0x1082;
	[sflag:s4] =	ssyncset.s32 $0xFFFFF086  }
0x25: {  	[simem:s6], [sflag:s4] =	dma.local [hbm:s3], $0xF7A  }
0x26: {  	[smem:$0x3F95] =	sst s1;
	(tag) =	ssettag s2;
	_ =	strace s9  }
0x27: {  	s1 =	sld [smem:$0x3FA5]  }
0x28: {  	s2 =	sld [smem:$0x3FA6]  }
0x29: {  	s4 =	sld [smem:$0x3FA8]  }
0x2a: {  	p0 =	seq.s32 s5, $0x0;
	s5 =	sld [smem:$0x3FA9]  }
0x2b: {  	s6 =	sld [smem:$0x3FAA]  }
0x2c: {  	s7 =	sld [smem:$0x3FAB]  }
0x2d: {  	s3 =	simm.s32 $0x108;
	s8 =	sld [smem:$0x3FAC]  }
0x2e: {  	s3 =	simm.s32 @!p0 $0x1082;
	s9 =	sld [smem:$0x3FAD]  }
0x2f: {  	lr =	sadd.s32 s0, s3;
	s0 =	sld [smem:$0x3FA4]  }
0x30: {  	s3 =	sld [smem:$0x3FA7]  }
0x31: {  	[smem:$0x3FB0] =	sst s10  }
0x32: {  	s10 =	sld [smem:$0x3FAE];
	_ =	sdelay $0x3  }
0x33: {  	p0 =	seq.s32 s10, $0x1;
	s10 =	sld [smem:$0x3FB0];
	_ =	sdelay $0x3  }
0x34: {  	[smem:$0x3FB0] =	sst s10  }
0x35: {  	s10 =	sld [smem:$0x3FAF];
	_ =	sdelay $0x3  }
0x36: {  	p1 =	seq.s32 s10, $0x1;
	s10 =	sld [smem:$0x3FB0];
	_ =	sdelay $0x3  }
0x37: {  	[smem:$0x3FB0] =	sst s10  }
0x38: {  	s10 =	sld [smem:$0x3FB1]  }
0x39: {  	_ = 	snop;
	(pc) =	sbr.ind lr, $3  }
0x3a: {  	_ = 	snop  }
0x3b: {  	_ = 	snop  }
0x3c: {  	p2 =	seq.s32 s10, $0x1;
	s10 =	sld [smem:$0x3FB0]  }
0x3d: {  	_ =	shalt  }
0x3e: {  	_ =	shalt  }
0x3f: {  	_ =	shalt  }
0x40: {  	_ =	shalt  }
0x41: {  	_ =	shalt  }
0x42: {  	_ =	shalt  }
0x43: {  	_ =	shalt  }
0x44: {  	_ =	shalt  }
0x45: {  	_ =	shalt  }
0x46: {  	_ =	shalt  }
0x47: {  	_ =	shalt  }
0x48: {  	_ =	shalt  }
0x49: {  	_ =	shalt  }
0x4a: {  	_ =	shalt  }
0x4b: {  	_ =	shalt  }
0x4c: {  	_ =	shalt  }
0x4d: {  	_ =	shalt  }
0x4e: {  	_ =	shalt  }
0x4f: {  	_ =	shalt  }
0x50: {  	_ =	shalt  }
0x51: {  	_ =	shalt  }
0x52: {  	_ =	shalt  }
0x53: {  	_ =	shalt  }
0x54: {  	_ =	shalt  }
0x55: {  	_ =	shalt  }
0x56: {  	_ =	shalt  }
0x57: {  	_ =	shalt  }
0x58: {  	_ =	shalt  }
0x59: {  	_ =	shalt  }
0x5a: {  	_ =	shalt  }
0x5b: {  	_ =	shalt  }
0x5c: {  	_ =	shalt  }
0x5d: {  	_ =	shalt  }
0x5e: {  	_ =	shalt  }
0x5f: {  	_ =	shalt  }
0x60: {  	_ =	shalt  }
0x61: {  	_ =	shalt  }
0x62: {  	_ =	shalt  }
0x63: {  	_ =	shalt  }
0x64: {  	_ =	shalt  }
0x65: {  	_ =	shalt  }
0x66: {  	_ =	shalt  }
0x67: {  	_ =	shalt  }
0x68: {  	_ =	shalt  }
0x69: {  	_ =	shalt  }
0x6a: {  	_ =	shalt  }
0x6b: {  	_ =	shalt  }
0x6c: {  	_ =	shalt  }
0x6d: {  	_ =	shalt  }
0x6e: {  	_ =	shalt  }
0x6f: {  	_ =	shalt  }
0x70: {  	_ =	shalt  }
0x71: {  	_ =	shalt  }
0x72: {  	_ =	shalt  }
0x73: {  	_ =	shalt  }
0x74: {  	_ =	shalt  }
0x75: {  	_ =	shalt  }
0x76: {  	_ =	shalt  }
0x77: {  	_ =	shalt  }
0x78: {  	_ =	shalt  }
0x79: {  	_ =	shalt  }
0x7a: {  	_ =	shalt  }
0x7b: {  	_ =	shalt  }
0x7c: {  	_ =	shalt  }
0x7d: {  	_ =	shalt  }
0x7e: {  	_ =	shalt  }
0x7f: {  	_ =	shalt  }
0x80: {  	_ =	shalt  }
0x81: {  	_ =	shalt  }
0x82: {  	_ =	shalt  }
0x83: {  	_ =	shalt  }
0x84: {  	_ =	shalt  }
0x85: {  	_ =	shalt  }
0x86: {  	_ =	shalt  }
0x87: {  	_ =	shalt  }
.Lfunc_end0:
.L_simem_size_0:
called_computation_lowered:
.L_overlay_start_0:
0x88: {  	s2 =	sld [smem:$0x3FD9]  }
0x89: {  	s3 =	sld [smem:$0x3FFE];
	_ =	sdelay $0x1  }
0x8a: {  	s1 =	srdreg.scid  }
0x8b: {  	s0 =	sand.u32 $0x1, s1  }
0x8c: {  	s14 =	sshll.u32 s0, $0xA;
	s2 =	sadd.s32 s3, s2  }
0x8d: {  	s2 =	sadd.s32 s2, s14  }
0x8e: {  	[smem:$0x3FBC] =	sst s2  }
0x8f: {  	_ = 	snop  }
0x90: {  	s2 =	sld [smem:$0x3FD0];
	_ =	sdelay $0x2  }
0x91: {  	s15 =	simm.s32 $0xA;
	s4 =	simm.s32 $0x10  }
0x92: {  	[smem:s4], [sflag:s15] =	dma.local [hbm:s2], $0x1  }
0x93: {  	_ =	swait.eq [sflag:s15], $0x1  }
0x94: {  	[sflag:s15] =	ssyncset.done $0x0  }
0x95: {  	[sflag:s15] =	ssyncadd.s32 $0xFFFFFFFF  }
0x96: {  	s16 =	sld [smem:$0x12];
	(tm) =	ssettm $0x1  }
0x97: {  	s17 =	sld [smem:$0x3FFB];
	_ =	sdelay $0x3  }
0x98: {  	_ =	strace s17  }
0x99: {  	s3 =	sld [smem:$0x3FFC];
	_ =	sdelay $0x3  }
0x9a: {  	_ =	strace s3  }
0x9b: {  	s3 =	sld [smem:$0x3FFD];
	_ =	sdelay $0x3  }
0x9c: {  	_ =	strace s3  }
0x9d: {  	_ =	strace $0x8FFFFFFF  }
0x9e: {  	s18 =	sld [smem:$0x3FDB];
	_ =	sdelay $0x1  }
0x9f: {  	s19 =	simm.s32 $_scs_section_size  }
0xa0: {  	s5 =	simm.s32 $_size__tile_overlayer_lowered;
	s6 =	simm.s32 $_tile_overlayer_lowered  }
0xa1: {  	s22 =	simm.s32 $0x1BFF;
	s21 =	sshll.u32 s6, $0x1;
	s3 =	sadd.s32 s19, s18  }
0xa2: {  	s7 =	simm.s32 $0x0;
	s20 =	sshll.u32 s5, $0x1;
	s5 =	sadd.s32 s21, s3  }
0xa3: {  	[timem:s7], [sflag:s22] =	dma.local [hbm:s5], s20  }
0xa4: {  	_ =	swait.ge [sflag:s22], s20  }
0xa5: {  	s4 =	ssub.s32 $0x0, s20;
	[sflag:s22] =	ssyncset.done $0x0  }
0xa6: {  	[sflag:s22] =	ssyncadd.s32 s4;
	_ =	sdelay $0x1  }
0xa7: {  	s23 =	simm.s32 $0x1B8B  }
0xa8: {  	_ =	swait.ge [sflag:s23], $0x1  }
0xa9: {  	[sflag:s23] =	ssyncset.done $0x0  }
0xaa: {  	s25 =	simm.s32 $0x1B8E;
	s24 =	sld [smem:$0x3FFE];
	[sflag:s23] =	ssyncadd.s32 $0xFFFFFFFF  }
0xab: {  	s26 =	simm.s32 $execute0_lowered;
	[smem:$0x3FD2] =	sst s25  }
0xac: {  	s5 =	sshll.u32 s26, $0x1;
	_ =	strace $0x80000046;
	[dreg:$0x1] =	wrdreg $0xFFFFFFFF  }
0xad: {  	s28 =	simm.s32 $_size_execute0_lowered;
	s3 =	sadd.s32 s3, s5;
	[dreg:$0x0] =	wrdreg $0x0  }
0xae: {  	s5 =	sshll.u32 s28, $0x1;
	[dreg:$0x2] =	wrdreg s3  }
0xaf: {  	[dreg:$0x3] =	wrdreg s5  }
0xb0: {  	[dreg:$0x4] =	wrdreg $0xC0  }
0xb1: {  	_ =	task [dreg:s7], $0x5FFFF  }
0xb2: {  	[dreg:$0x1] =	wrdreg $0xFFFFFFFF  }
0xb3: {  	[dreg:$0x0] =	wrdreg $0x60  }
0xb4: {  	[dreg:$0x2] =	wrdreg s16  }
0xb5: {  	[dreg:$0x3] =	wrdreg s24  }
0xb6: {  	[dreg:$0x4] =	wrdreg $0x9  }
0xb7: {  	_ =	task.clear_ibuf [dreg:s7], $0x5FFFF;
	_ =	strace $0x90000046  }
0xb8: {  	s29 =	simm.s32 $0x9;
	_ =	strace $0x80000048  }
0xb9: {  	_ =	swait.ge [sflag:s29], $0x1  }
0xba: {  	[sflag:s29] =	ssyncadd.s32 $0xFFFFFFFF  }
0xbb: {  	_ =	strace $0x90000048  }
0xbc: {  	_ =	sfence  }
0xbd: {  	s30 =	sld [smem:$0x0];
	_ =	sdelay $0x2  }
0xbe: {  	s31 =	sshll.u32 s1, $0xD;
	s1 =	sshrl.u32 s1, $0x2  }
0xbf: {  	s3 =	sand.u32 $0x4000, s31;
	s1 =	sadd.s32 s1, s30  }
0xc0: {  	s0 =	sor.u32 s3, s0;
	s1 =	sshll.u32 s1, $0x11  }
0xc1: {  	s0 =	sor.u32 s1, s0  }
0xc2: {  	s0 =	sadd.s32 $0x8F2B, s0  }
0xc3: {  	[sflag:s0] =	ssyncadd.remote.s32 $0x1  }
0xc4: {  	_ =	sfence.sel $0xFFFF  }
0xc5: {  	[dreg:$0x0] =	wrdreg $0xFFFFFFFF;
	(pc) =	sbr.abs _section_cstart, $3  }
0xc6: {  	[dreg:$0x1] =	wrdreg $0xFFFFFFFF  }
0xc7: {  	_ =	task.clear_ibuf [dreg:s7], $0x2FFFF;
	_ =	strace $0x9FFFFFFF  }
0xc8: {  	(tm) =	ssettm $0x7FFFFFFF  }
0xc9: {  	_ =	shalt  }
tec
execute0_lowered:
.L_overlay_start_1:
0x0: {  	(tag) =	ssettag $0x1  }
0x1: {  	s0 =	srdreg.scid;
	s1 =	stileid.u32  }
0x2: {  	s0 =	sand.u32 $0x1, s0;
	s1 =	sshll.u32 s1, $0x1  }
0x3: {  	s2 =	rddreg [dreg:$0x0];
	s1 =	sor.u32 s0, s1  }
0x4: {  	s4 =	rddreg [dreg:$0x1];
	s0 =	ssub.s32 $0x2, s0;
	s5 =	smul.u32 $0x4E20, s1  }
0x5: {  	s3 =	simm.s32 $0x0;
	s1 =	smul.u32 $0x4E2, s1;
	s6 =	sshrl.u32 s0, $0x1  }
0x6: {  	s7 =	simm.s32 $0x50;
	[smem:$0x7FF] =	sst s3;
	s0 =	ssub.s32 s0, s6  }
0x7: {  	_ =	strace $0x80000047;
	s1 =	sadd.s32 s1, s4;
	s0 =	smax.u32 s0, $0x1  }
0x8: {  	s5 =	sadd.s32 s5, s4;
	s1 =	sadd.s32 $0x200, s1;
	[dreg:$0x5] =	wrdreg s0  }
0x9: {  	s4 =	simm.s32 $0x1;
	s31 =	sadd.s32 $0xA000, s5;
	[dreg:$0x4] =	wrdreg s1  }
0xa: {  	s5 =	simm.s32 $0x2;
	s0 =	simm.s32 $0x0;
	[dreg:$0x3] =	wrdreg s31  }
.LBB2_1:
0xb: {  	[dreg:$0x6] =	wrdreg s0  }
0xc: {  	s6 =	rddreg [dreg:$0x4];
	s11 =	simm.s32 $0x3  }
0xd: {  	[tilespmem:s3], [sflag:$0x3] =	stream.linear.gather [hbm4b:s6+s3], $0x2710, $0x38;
	[tilespmem:$0xA410] =	vst v63  }
0xe: {  	_ =	swait.ge [sflag:s11], $0x2710  }
0xf: {  	[sflag:s11] =	ssyncset.done $0x0  }
0x10: {  	s12 =	simm.s32 $0x0;
	s9 =	simm.s32 $0x2710;
	[sflag:s11] =	ssyncadd.s32 $0xFFFFD8F0  }
0x11: {  	[tilespmem:s9], [sflag:$0x1] =	stream.indirect.gather [hbm4b:s2+s7], $0x10, s12, s7, $0xb8;
	[tilespmem:$0xA410] =	vst v63  }
0x12: {  	s13 =	simm.s32 $0x50;
	s10 =	simm.s32 $0x2C10  }
0x13: {  	[tilespmem:s10], [sflag:$0x1] =	stream.indirect.gather [hbm4b:s2+s7], $0x10, s13, s7, $0xb8;
	[tilespmem:$0xA410] =	vst v63  }
0x14: {  	s14 =	simm.s32 $0xA0;
	s11 =	simm.s32 $0x3110  }
0x15: {  	[tilespmem:s11], [sflag:$0x1] =	stream.indirect.gather [hbm4b:s2+s7], $0x10, s14, s7, $0xb8;
	[tilespmem:$0xA410] =	vst v63  }
0x16: {  	s15 =	simm.s32 $0xF0;
	s12 =	simm.s32 $0x3610  }
0x17: {  	[tilespmem:s12], [sflag:$0x1] =	stream.indirect.gather [hbm4b:s2+s7], $0x10, s15, s7, $0xb8;
	[tilespmem:$0xA410] =	vst v63  }
0x18: {  	s16 =	simm.s32 $0x140;
	s13 =	simm.s32 $0x3B10  }
0x19: {  	[tilespmem:s13], [sflag:$0x1] =	stream.indirect.gather [hbm4b:s2+s7], $0x10, s16, s7, $0xb8;
	[tilespmem:$0xA410] =	vst v63  }
0x1a: {  	s17 =	simm.s32 $0x190;
	s14 =	simm.s32 $0x4010  }
0x1b: {  	[tilespmem:s14], [sflag:$0x1] =	stream.indirect.gather [hbm4b:s2+s7], $0x10, s17, s7, $0xb8;
	[tilespmem:$0xA410] =	vst v63  }
0x1c: {  	s18 =	simm.s32 $0x1E0;
	s15 =	simm.s32 $0x4510  }
0x1d: {  	[tilespmem:s15], [sflag:$0x1] =	stream.indirect.gather [hbm4b:s2+s7], $0x10, s18, s7, $0xb8;
	[tilespmem:$0xA410] =	vst v63  }
0x1e: {  	s19 =	simm.s32 $0x230;
	s16 =	simm.s32 $0x4A10  }
0x1f: {  	[tilespmem:s16], [sflag:$0x1] =	stream.indirect.gather [hbm4b:s2+s7], $0x10, s19, s7, $0xb8;
	[tilespmem:$0xA410] =	vst v63  }
0x20: {  	s20 =	simm.s32 $0x280;
	s17 =	simm.s32 $0x4F10  }
0x21: {  	[tilespmem:s17], [sflag:$0x1] =	stream.indirect.gather [hbm4b:s2+s7], $0x10, s20, s7, $0xb8;
	[tilespmem:$0xA410] =	vst v63  }
0x22: {  	s21 =	simm.s32 $0x2D0;
	s18 =	simm.s32 $0x5410  }
0x23: {  	[tilespmem:s18], [sflag:$0x1] =	stream.indirect.gather [hbm4b:s2+s7], $0x10, s21, s7, $0xb8;
	[tilespmem:$0xA410] =	vst v63  }
0x24: {  	s22 =	simm.s32 $0x320;
	s19 =	simm.s32 $0x5910  }
0x25: {  	[tilespmem:s19], [sflag:$0x1] =	stream.indirect.gather [hbm4b:s2+s7], $0x10, s22, s7, $0xb8;
	[tilespmem:$0xA410] =	vst v63  }
0x26: {  	s23 =	simm.s32 $0x370;
	s20 =	simm.s32 $0x5E10  }
0x27: {  	[tilespmem:s20], [sflag:$0x1] =	stream.indirect.gather [hbm4b:s2+s7], $0x10, s23, s7, $0xb8;
	[tilespmem:$0xA410] =	vst v63  }
0x28: {  	s24 =	simm.s32 $0x3C0;
	s21 =	simm.s32 $0x6310  }
0x29: {  	[tilespmem:s21], [sflag:$0x1] =	stream.indirect.gather [hbm4b:s2+s7], $0x10, s24, s7, $0xb8;
	[tilespmem:$0xA410] =	vst v63  }
0x2a: {  	s25 =	simm.s32 $0x410;
	s22 =	simm.s32 $0x6810  }
0x2b: {  	[tilespmem:s22], [sflag:$0x1] =	stream.indirect.gather [hbm4b:s2+s7], $0x10, s25, s7, $0xb8;
	[tilespmem:$0xA410] =	vst v63  }
0x2c: {  	s26 =	simm.s32 $0x460;
	s23 =	simm.s32 $0x6D10  }
0x2d: {  	[tilespmem:s23], [sflag:$0x1] =	stream.indirect.gather [hbm4b:s2+s7], $0x10, s26, s7, $0xb8;
	[tilespmem:$0xA410] =	vst v63  }
0x2e: {  	s28 =	simm.s32 $0x4B0;
	s24 =	simm.s32 $0x7210  }
0x2f: {  	[tilespmem:s24], [sflag:$0x1] =	stream.indirect.gather [hbm4b:s2+s7], $0x10, s28, s7, $0xb8;
	[tilespmem:$0xA410] =	vst v63  }
0x30: {  	s29 =	simm.s32 $0x500;
	s25 =	simm.s32 $0x7710  }
0x31: {  	[tilespmem:s25], [sflag:$0x1] =	stream.indirect.gather [hbm4b:s2+s7], $0x10, s29, s7, $0xb8;
	[tilespmem:$0xA410] =	vst v63  }
0x32: {  	s30 =	simm.s32 $0x550;
	s26 =	simm.s32 $0x7C10  }
0x33: {  	[tilespmem:s26], [sflag:$0x1] =	stream.indirect.gather [hbm4b:s2+s7], $0x10, s30, s7, $0xb8;
	[tilespmem:$0xA410] =	vst v63  }
0x34: {  	s31 =	simm.s32 $0x5A0;
	s28 =	simm.s32 $0x8110  }
0x35: {  	[tilespmem:s28], [sflag:$0x1] =	stream.indirect.gather [hbm4b:s2+s7], $0x10, s31, s7, $0xb8;
	[tilespmem:$0xA410] =	vst v63  }
0x36: {  	s0 =	simm.s32 $0x5F0;
	s1 =	simm.s32 $0x8610  }
0x37: {  	[tilespmem:s1], [sflag:$0x1] =	stream.indirect.gather [hbm4b:s2+s7], $0x10, s0, s7, $0xb8;
	[tilespmem:$0xA410] =	vst v63  }
0x38: {  	s8 =	simm.s32 $0x640;
	s29 =	simm.s32 $0x8B10  }
0x39: {  	[tilespmem:s29], [sflag:$0x1] =	stream.indirect.gather [hbm4b:s2+s7], $0x10, s8, s7, $0xb8;
	[tilespmem:$0xA410] =	vst v63  }
0x3a: {  	s30 =	simm.s32 $0x690;
	s29 =	simm.s32 $0x9010  }
0x3b: {  	[tilespmem:s29], [sflag:$0x1] =	stream.indirect.gather [hbm4b:s2+s7], $0x10, s30, s7, $0xb8;
	[tilespmem:$0xA410] =	vst v63  }
0x3c: {  	s31 =	simm.s32 $0x6E0;
	s30 =	simm.s32 $0x9510  }
0x3d: {  	[tilespmem:s30], [sflag:$0x1] =	stream.indirect.gather [hbm4b:s2+s7], $0x10, s31, s7, $0xb8;
	[tilespmem:$0xA410] =	vst v63  }
0x3e: {  	s0 =	simm.s32 $0x730;
	s31 =	simm.s32 $0x9A10  }
0x3f: {  	[tilespmem:s31], [sflag:$0x1] =	stream.indirect.gather [hbm4b:s2+s7], $0x10, s0, s7, $0xb8;
	[tilespmem:$0xA410] =	vst v63  }
0x40: {  	s8 =	simm.s32 $0x780;
	s0 =	simm.s32 $0x9F10  }
0x41: {  	[tilespmem:s0], [sflag:$0x1] =	stream.indirect.gather [hbm4b:s2+s7], $0x10, s8, s7, $0xb8;
	[tilespmem:$0xA410] =	vst v63  }
0x42: {  	_ =	swait.ge [sflag:s4], $0x500  }
0x43: {  	[sflag:s4] =	ssyncset.done $0x0  }
0x44: {  	[sflag:s4] =	ssyncadd.s32 $0xFFFFFB00  }
0x45: {  	_ =	swait.ge [sflag:s4], $0x500  }
0x46: {  	[sflag:s4] =	ssyncset.done $0x0  }
0x47: {  	[sflag:s4] =	ssyncadd.s32 $0xFFFFFB00  }
0x48: {  	_ =	swait.ge [sflag:s4], $0x500  }
0x49: {  	[sflag:s4] =	ssyncset.done $0x0  }
0x4a: {  	[sflag:s4] =	ssyncadd.s32 $0xFFFFFB00  }
0x4b: {  	_ =	swait.ge [sflag:s4], $0x500  }
0x4c: {  	[sflag:s4] =	ssyncset.done $0x0  }
0x4d: {  	[sflag:s4] =	ssyncadd.s32 $0xFFFFFB00  }
0x4e: {  	_ =	swait.ge [sflag:s4], $0x500  }
0x4f: {  	[sflag:s4] =	ssyncset.done $0x0  }
0x50: {  	[sflag:s4] =	ssyncadd.s32 $0xFFFFFB00  }
0x51: {  	_ =	swait.ge [sflag:s4], $0x500  }
0x52: {  	[sflag:s4] =	ssyncset.done $0x0  }
0x53: {  	[sflag:s4] =	ssyncadd.s32 $0xFFFFFB00  }
0x54: {  	_ =	swait.ge [sflag:s4], $0x500  }
0x55: {  	[sflag:s4] =	ssyncset.done $0x0  }
0x56: {  	[sflag:s4] =	ssyncadd.s32 $0xFFFFFB00  }
0x57: {  	_ =	swait.ge [sflag:s4], $0x500  }
0x58: {  	[sflag:s4] =	ssyncset.done $0x0  }
0x59: {  	[sflag:s4] =	ssyncadd.s32 $0xFFFFFB00  }
0x5a: {  	_ =	swait.ge [sflag:s4], $0x500  }
0x5b: {  	[sflag:s4] =	ssyncset.done $0x0  }
0x5c: {  	[sflag:s4] =	ssyncadd.s32 $0xFFFFFB00  }
0x5d: {  	_ =	swait.ge [sflag:s4], $0x500  }
0x5e: {  	[sflag:s4] =	ssyncset.done $0x0  }
0x5f: {  	[sflag:s4] =	ssyncadd.s32 $0xFFFFFB00  }
0x60: {  	_ =	swait.ge [sflag:s4], $0x500  }
0x61: {  	[sflag:s4] =	ssyncset.done $0x0  }
0x62: {  	[sflag:s4] =	ssyncadd.s32 $0xFFFFFB00  }
0x63: {  	_ =	swait.ge [sflag:s4], $0x500  }
0x64: {  	[sflag:s4] =	ssyncset.done $0x0  }
0x65: {  	[sflag:s4] =	ssyncadd.s32 $0xFFFFFB00  }
0x66: {  	_ =	swait.ge [sflag:s4], $0x500  }
0x67: {  	[sflag:s4] =	ssyncset.done $0x0  }
0x68: {  	[sflag:s4] =	ssyncadd.s32 $0xFFFFFB00  }
0x69: {  	_ =	swait.ge [sflag:s4], $0x500  }
0x6a: {  	[sflag:s4] =	ssyncset.done $0x0  }
0x6b: {  	[sflag:s4] =	ssyncadd.s32 $0xFFFFFB00  }
0x6c: {  	_ =	swait.ge [sflag:s4], $0x500  }
0x6d: {  	[sflag:s4] =	ssyncset.done $0x0  }
0x6e: {  	[sflag:s4] =	ssyncadd.s32 $0xFFFFFB00  }
0x6f: {  	_ =	swait.ge [sflag:s4], $0x500  }
0x70: {  	[sflag:s4] =	ssyncset.done $0x0  }
0x71: {  	[sflag:s4] =	ssyncadd.s32 $0xFFFFFB00  }
0x72: {  	_ =	swait.ge [sflag:s4], $0x500  }
0x73: {  	[sflag:s4] =	ssyncset.done $0x0  }
0x74: {  	[sflag:s4] =	ssyncadd.s32 $0xFFFFFB00  }
0x75: {  	_ =	swait.ge [sflag:s4], $0x500  }
0x76: {  	[sflag:s4] =	ssyncset.done $0x0  }
0x77: {  	[sflag:s4] =	ssyncadd.s32 $0xFFFFFB00  }
0x78: {  	_ =	swait.ge [sflag:s4], $0x500  }
0x79: {  	[sflag:s4] =	ssyncset.done $0x0  }
0x7a: {  	[sflag:s4] =	ssyncadd.s32 $0xFFFFFB00  }
0x7b: {  	_ =	swait.ge [sflag:s4], $0x500  }
0x7c: {  	[sflag:s4] =	ssyncset.done $0x0  }
0x7d: {  	[sflag:s4] =	ssyncadd.s32 $0xFFFFFB00  }
0x7e: {  	_ =	swait.ge [sflag:s4], $0x500  }
0x7f: {  	[sflag:s4] =	ssyncset.done $0x0  }
0x80: {  	[sflag:s4] =	ssyncadd.s32 $0xFFFFFB00  }
0x81: {  	_ =	swait.ge [sflag:s4], $0x500  }
0x82: {  	[sflag:s4] =	ssyncset.done $0x0  }
0x83: {  	[sflag:s4] =	ssyncadd.s32 $0xFFFFFB00  }
0x84: {  	_ =	swait.ge [sflag:s4], $0x500  }
0x85: {  	[sflag:s4] =	ssyncset.done $0x0  }
0x86: {  	[sflag:s4] =	ssyncadd.s32 $0xFFFFFB00  }
0x87: {  	_ =	swait.ge [sflag:s4], $0x500  }
0x88: {  	[sflag:s4] =	ssyncset.done $0x0  }
0x89: {  	[sflag:s4] =	ssyncadd.s32 $0xFFFFFB00  }
0x8a: {  	_ =	swait.ge [sflag:s4], $0x500  }
0x8b: {  	s8 =	rddreg [dreg:$0x3]  }
0x8c: {  	[sflag:s4] =	ssyncset.done $0x0;
	s6 =	sadd.s32 $0xF00, s8  }
0x8d: {  	[sflag:s4] =	ssyncadd.s32 $0xFFFFFB00;
	s8 =	sadd.s32 $0xFFFFF100, s6  }
0x8e: {  	[hbm4b:s8+s3] =	stream.linear.scatter [tilespmem:s9], [sflag:$0x2], $0x500, $0x38;
	[tilespmem:$0xA410] =	vst v63  }
0x8f: {  	s9 =	sadd.s32 $0xFFFFF1A0, s6  }
0x90: {  	[hbm4b:s9+s3] =	stream.linear.scatter [tilespmem:s10], [sflag:$0x2], $0x500, $0x38;
	[tilespmem:$0xA410] =	vst v63  }
0x91: {  	s10 =	sadd.s32 $0xFFFFF240, s6  }
0x92: {  	[hbm4b:s10+s3] =	stream.linear.scatter [tilespmem:s11], [sflag:$0x2], $0x500, $0x38;
	[tilespmem:$0xA410] =	vst v63  }
0x93: {  	s11 =	sadd.s32 $0xFFFFF2E0, s6  }
0x94: {  	[hbm4b:s11+s3] =	stream.linear.scatter [tilespmem:s12], [sflag:$0x2], $0x500, $0x38;
	[tilespmem:$0xA410] =	vst v63  }
0x95: {  	s9 =	sadd.s32 $0xFFFFF380, s6  }
0x96: {  	[hbm4b:s9+s3] =	stream.linear.scatter [tilespmem:s13], [sflag:$0x2], $0x500, $0x38;
	[tilespmem:$0xA410] =	vst v63  }
0x97: {  	s10 =	sadd.s32 $0xFFFFF420, s6  }
0x98: {  	[hbm4b:s10+s3] =	stream.linear.scatter [tilespmem:s14], [sflag:$0x2], $0x500, $0x38;
	[tilespmem:$0xA410] =	vst v63  }
0x99: {  	s11 =	sadd.s32 $0xFFFFF4C0, s6  }
0x9a: {  	[hbm4b:s11+s3] =	stream.linear.scatter [tilespmem:s15], [sflag:$0x2], $0x500, $0x38;
	[tilespmem:$0xA410] =	vst v63  }
0x9b: {  	s12 =	sadd.s32 $0xFFFFF560, s6  }
0x9c: {  	[hbm4b:s12+s3] =	stream.linear.scatter [tilespmem:s16], [sflag:$0x2], $0x500, $0x38;
	[tilespmem:$0xA410] =	vst v63  }
0x9d: {  	s13 =	sadd.s32 $0xFFFFF600, s6  }
0x9e: {  	[hbm4b:s13+s3] =	stream.linear.scatter [tilespmem:s17], [sflag:$0x2], $0x500, $0x38;
	[tilespmem:$0xA410] =	vst v63  }
0x9f: {  	s14 =	sadd.s32 $0xFFFFF6A0, s6  }
0xa0: {  	[hbm4b:s14+s3] =	stream.linear.scatter [tilespmem:s18], [sflag:$0x2], $0x500, $0x38;
	[tilespmem:$0xA410] =	vst v63  }
0xa1: {  	s15 =	sadd.s32 $0xFFFFF740, s6  }
0xa2: {  	[hbm4b:s15+s3] =	stream.linear.scatter [tilespmem:s19], [sflag:$0x2], $0x500, $0x38;
	[tilespmem:$0xA410] =	vst v63  }
0xa3: {  	s16 =	sadd.s32 $0xFFFFF7E0, s6  }
0xa4: {  	[hbm4b:s16+s3] =	stream.linear.scatter [tilespmem:s20], [sflag:$0x2], $0x500, $0x38;
	[tilespmem:$0xA410] =	vst v63  }
0xa5: {  	s17 =	sadd.s32 $0xFFFFF880, s6  }
0xa6: {  	[hbm4b:s17+s3] =	stream.linear.scatter [tilespmem:s21], [sflag:$0x2], $0x500, $0x38;
	[tilespmem:$0xA410] =	vst v63  }
0xa7: {  	s18 =	sadd.s32 $0xFFFFF920, s6  }
0xa8: {  	[hbm4b:s18+s3] =	stream.linear.scatter [tilespmem:s22], [sflag:$0x2], $0x500, $0x38;
	[tilespmem:$0xA410] =	vst v63  }
0xa9: {  	s19 =	sadd.s32 $0xFFFFF9C0, s6  }
0xaa: {  	[hbm4b:s19+s3] =	stream.linear.scatter [tilespmem:s23], [sflag:$0x2], $0x500, $0x38;
	[tilespmem:$0xA410] =	vst v63  }
0xab: {  	s20 =	sadd.s32 $0xFFFFFA60, s6  }
0xac: {  	[hbm4b:s20+s3] =	stream.linear.scatter [tilespmem:s24], [sflag:$0x2], $0x500, $0x38;
	[tilespmem:$0xA410] =	vst v63  }
0xad: {  	s21 =	sadd.s32 $0xFFFFFB00, s6  }
0xae: {  	[hbm4b:s21+s3] =	stream.linear.scatter [tilespmem:s25], [sflag:$0x2], $0x500, $0x38;
	[tilespmem:$0xA410] =	vst v63  }
0xaf: {  	s22 =	sadd.s32 $0xFFFFFBA0, s6  }
0xb0: {  	[hbm4b:s22+s3] =	stream.linear.scatter [tilespmem:s26], [sflag:$0x2], $0x500, $0x38;
	[tilespmem:$0xA410] =	vst v63  }
0xb1: {  	s23 =	sadd.s32 $0xFFFFFC40, s6  }
0xb2: {  	[hbm4b:s23+s3] =	stream.linear.scatter [tilespmem:s28], [sflag:$0x2], $0x500, $0x38;
	[tilespmem:$0xA410] =	vst v63  }
0xb3: {  	s24 =	sadd.s32 $0xFFFFFCE0, s6  }
0xb4: {  	[hbm4b:s24+s3] =	stream.linear.scatter [tilespmem:s1], [sflag:$0x2], $0x500, $0x38;
	[tilespmem:$0xA410] =	vst v63  }
0xb5: {  	s25 =	sadd.s32 $0xFFFFFD80, s6;
	s26 =	simm.s32 $0x8B10  }
0xb6: {  	[hbm4b:s25+s3] =	stream.linear.scatter [tilespmem:s26], [sflag:$0x2], $0x500, $0x38;
	[tilespmem:$0xA410] =	vst v63  }
0xb7: {  	s28 =	sadd.s32 $0xFFFFFE20, s6  }
0xb8: {  	[hbm4b:s28+s3] =	stream.linear.scatter [tilespmem:s29], [sflag:$0x2], $0x500, $0x38;
	[tilespmem:$0xA410] =	vst v63  }
0xb9: {  	s29 =	sadd.s32 $0xFFFFFEC0, s6  }
0xba: {  	[hbm4b:s29+s3] =	stream.linear.scatter [tilespmem:s30], [sflag:$0x2], $0x500, $0x38;
	[tilespmem:$0xA410] =	vst v63  }
0xbb: {  	s30 =	sadd.s32 $0xFFFFFF60, s6  }
0xbc: {  	[hbm4b:s30+s3] =	stream.linear.scatter [tilespmem:s31], [sflag:$0x2], $0x500, $0x38;
	[tilespmem:$0xA410] =	vst v63  }
0xbd: {  	_ = 	snop  }
0xbe: {  	[hbm4b:s6+s3] =	stream.linear.scatter [tilespmem:s0], [sflag:$0x2], $0x500, $0x38;
	[tilespmem:$0xA410] =	vst v63  }
0xbf: {  	_ =	swait.ge [sflag:s5], $0x500  }
0xc0: {  	[sflag:s5] =	ssyncset.done $0x0  }
0xc1: {  	[sflag:s5] =	ssyncadd.s32 $0xFFFFFB00  }
0xc2: {  	_ =	swait.ge [sflag:s5], $0x500  }
0xc3: {  	[sflag:s5] =	ssyncset.done $0x0  }
0xc4: {  	[sflag:s5] =	ssyncadd.s32 $0xFFFFFB00  }
0xc5: {  	_ =	swait.ge [sflag:s5], $0x500  }
0xc6: {  	[sflag:s5] =	ssyncset.done $0x0  }
0xc7: {  	[sflag:s5] =	ssyncadd.s32 $0xFFFFFB00  }
0xc8: {  	_ =	swait.ge [sflag:s5], $0x500  }
0xc9: {  	[sflag:s5] =	ssyncset.done $0x0  }
0xca: {  	[sflag:s5] =	ssyncadd.s32 $0xFFFFFB00  }
0xcb: {  	_ =	swait.ge [sflag:s5], $0x500  }
0xcc: {  	[sflag:s5] =	ssyncset.done $0x0  }
0xcd: {  	[sflag:s5] =	ssyncadd.s32 $0xFFFFFB00  }
0xce: {  	_ =	swait.ge [sflag:s5], $0x500  }
0xcf: {  	[sflag:s5] =	ssyncset.done $0x0  }
0xd0: {  	[sflag:s5] =	ssyncadd.s32 $0xFFFFFB00  }
0xd1: {  	_ =	swait.ge [sflag:s5], $0x500  }
0xd2: {  	[sflag:s5] =	ssyncset.done $0x0  }
0xd3: {  	[sflag:s5] =	ssyncadd.s32 $0xFFFFFB00  }
0xd4: {  	_ =	swait.ge [sflag:s5], $0x500  }
0xd5: {  	[sflag:s5] =	ssyncset.done $0x0  }
0xd6: {  	[sflag:s5] =	ssyncadd.s32 $0xFFFFFB00  }
0xd7: {  	_ =	swait.ge [sflag:s5], $0x500  }
0xd8: {  	[sflag:s5] =	ssyncset.done $0x0  }
0xd9: {  	[sflag:s5] =	ssyncadd.s32 $0xFFFFFB00  }
0xda: {  	_ =	swait.ge [sflag:s5], $0x500  }
0xdb: {  	[sflag:s5] =	ssyncset.done $0x0  }
0xdc: {  	[sflag:s5] =	ssyncadd.s32 $0xFFFFFB00  }
0xdd: {  	_ =	swait.ge [sflag:s5], $0x500  }
0xde: {  	[sflag:s5] =	ssyncset.done $0x0  }
0xdf: {  	[sflag:s5] =	ssyncadd.s32 $0xFFFFFB00  }
0xe0: {  	_ =	swait.ge [sflag:s5], $0x500  }
0xe1: {  	[sflag:s5] =	ssyncset.done $0x0  }
0xe2: {  	[sflag:s5] =	ssyncadd.s32 $0xFFFFFB00  }
0xe3: {  	_ =	swait.ge [sflag:s5], $0x500  }
0xe4: {  	[sflag:s5] =	ssyncset.done $0x0  }
0xe5: {  	[sflag:s5] =	ssyncadd.s32 $0xFFFFFB00  }
0xe6: {  	_ =	swait.ge [sflag:s5], $0x500  }
0xe7: {  	[sflag:s5] =	ssyncset.done $0x0  }
0xe8: {  	[sflag:s5] =	ssyncadd.s32 $0xFFFFFB00  }
0xe9: {  	_ =	swait.ge [sflag:s5], $0x500  }
0xea: {  	[sflag:s5] =	ssyncset.done $0x0  }
0xeb: {  	[sflag:s5] =	ssyncadd.s32 $0xFFFFFB00  }
0xec: {  	_ =	swait.ge [sflag:s5], $0x500  }
0xed: {  	[sflag:s5] =	ssyncset.done $0x0  }
0xee: {  	[sflag:s5] =	ssyncadd.s32 $0xFFFFFB00  }
0xef: {  	_ =	swait.ge [sflag:s5], $0x500  }
0xf0: {  	[sflag:s5] =	ssyncset.done $0x0  }
0xf1: {  	[sflag:s5] =	ssyncadd.s32 $0xFFFFFB00  }
0xf2: {  	_ =	swait.ge [sflag:s5], $0x500  }
0xf3: {  	[sflag:s5] =	ssyncset.done $0x0  }
0xf4: {  	[sflag:s5] =	ssyncadd.s32 $0xFFFFFB00  }
0xf5: {  	_ =	swait.ge [sflag:s5], $0x500  }
0xf6: {  	[sflag:s5] =	ssyncset.done $0x0  }
0xf7: {  	[sflag:s5] =	ssyncadd.s32 $0xFFFFFB00  }
0xf8: {  	_ =	swait.ge [sflag:s5], $0x500  }
0xf9: {  	[sflag:s5] =	ssyncset.done $0x0  }
0xfa: {  	[sflag:s5] =	ssyncadd.s32 $0xFFFFFB00  }
0xfb: {  	_ =	swait.ge [sflag:s5], $0x500  }
0xfc: {  	[sflag:s5] =	ssyncset.done $0x0  }
0xfd: {  	[sflag:s5] =	ssyncadd.s32 $0xFFFFFB00  }
0xfe: {  	_ =	swait.ge [sflag:s5], $0x500  }
0xff: {  	[sflag:s5] =	ssyncset.done $0x0  }
0x100: {  	[sflag:s5] =	ssyncadd.s32 $0xFFFFFB00  }
0x101: {  	_ =	swait.ge [sflag:s5], $0x500  }
0x102: {  	[sflag:s5] =	ssyncset.done $0x0  }
0x103: {  	[sflag:s5] =	ssyncadd.s32 $0xFFFFFB00  }
0x104: {  	_ =	swait.ge [sflag:s5], $0x500  }
0x105: {  	[sflag:s5] =	ssyncset.done $0x0  }
0x106: {  	[sflag:s5] =	ssyncadd.s32 $0xFFFFFB00  }
0x107: {  	s8 =	simm.s32 $0xF50;
	_ =	swait.ge [sflag:s5], $0x500  }
0x108: {  	s9 =	simm.s32 $0x2E40;
	s6 =	simm.s32 $0x1EA0;
	[sflag:s5] =	ssyncset.done $0x0  }
.LBB2_2:
0x109: {  	s10 =	sadd.s32 $0xFFFFF880, s8;
	[sflag:s5] =	ssyncadd.s32 $0xFFFFFB00;
	s0 =	simm.s32 $0x2710  }
0x10a: {  	[tilespmem:s0], [sflag:$0x1] =	stream.indirect.gather [hbm4b:s2+s7], $0x10, s10, s7, $0xb8;
	[tilespmem:$0xA410] =	vst v63  }
0x10b: {  	s11 =	sadd.s32 $0xFFFFF8D0, s8;
	s13 =	simm.s32 $0x2C10  }
0x10c: {  	[tilespmem:s13], [sflag:$0x1] =	stream.indirect.gather [hbm4b:s2+s7], $0x10, s11, s7, $0xb8;
	[tilespmem:$0xA410] =	vst v63  }
0x10d: {  	s16 =	sadd.s32 $0xFFFFF920, s8;
	s14 =	simm.s32 $0x3110  }
0x10e: {  	[tilespmem:s14], [sflag:$0x1] =	stream.indirect.gather [hbm4b:s2+s7], $0x10, s16, s7, $0xb8;
	[tilespmem:$0xA410] =	vst v63  }
0x10f: {  	s17 =	sadd.s32 $0xFFFFF970, s8;
	s15 =	simm.s32 $0x3610  }
0x110: {  	[tilespmem:s15], [sflag:$0x1] =	stream.indirect.gather [hbm4b:s2+s7], $0x10, s17, s7, $0xb8;
	[tilespmem:$0xA410] =	vst v63  }
0x111: {  	s18 =	sadd.s32 $0xFFFFF9C0, s8;
	s16 =	simm.s32 $0x3B10  }
0x112: {  	[tilespmem:s16], [sflag:$0x1] =	stream.indirect.gather [hbm4b:s2+s7], $0x10, s18, s7, $0xb8;
	[tilespmem:$0xA410] =	vst v63  }
0x113: {  	s19 =	sadd.s32 $0xFFFFFA10, s8;
	s17 =	simm.s32 $0x4010  }
0x114: {  	[tilespmem:s17], [sflag:$0x1] =	stream.indirect.gather [hbm4b:s2+s7], $0x10, s19, s7, $0xb8;
	[tilespmem:$0xA410] =	vst v63  }
0x115: {  	s20 =	sadd.s32 $0xFFFFFA60, s8;
	s18 =	simm.s32 $0x4510  }
0x116: {  	[tilespmem:s18], [sflag:$0x1] =	stream.indirect.gather [hbm4b:s2+s7], $0x10, s20, s7, $0xb8;
	[tilespmem:$0xA410] =	vst v63  }
0x117: {  	s21 =	sadd.s32 $0xFFFFFAB0, s8;
	s19 =	simm.s32 $0x4A10  }
0x118: {  	[tilespmem:s19], [sflag:$0x1] =	stream.indirect.gather [hbm4b:s2+s7], $0x10, s21, s7, $0xb8;
	[tilespmem:$0xA410] =	vst v63  }
0x119: {  	s22 =	sadd.s32 $0xFFFFFB00, s8;
	s20 =	simm.s32 $0x4F10  }
0x11a: {  	[tilespmem:s20], [sflag:$0x1] =	stream.indirect.gather [hbm4b:s2+s7], $0x10, s22, s7, $0xb8;
	[tilespmem:$0xA410] =	vst v63  }
0x11b: {  	s23 =	sadd.s32 $0xFFFFFB50, s8;
	s21 =	simm.s32 $0x5410  }
0x11c: {  	[tilespmem:s21], [sflag:$0x1] =	stream.indirect.gather [hbm4b:s2+s7], $0x10, s23, s7, $0xb8;
	[tilespmem:$0xA410] =	vst v63  }
0x11d: {  	s24 =	sadd.s32 $0xFFFFFBA0, s8;
	s22 =	simm.s32 $0x5910  }
0x11e: {  	[tilespmem:s22], [sflag:$0x1] =	stream.indirect.gather [hbm4b:s2+s7], $0x10, s24, s7, $0xb8;
	[tilespmem:$0xA410] =	vst v63  }
0x11f: {  	s25 =	sadd.s32 $0xFFFFFBF0, s8;
	s23 =	simm.s32 $0x5E10  }
0x120: {  	[tilespmem:s23], [sflag:$0x1] =	stream.indirect.gather [hbm4b:s2+s7], $0x10, s25, s7, $0xb8;
	[tilespmem:$0xA410] =	vst v63  }
0x121: {  	s26 =	sadd.s32 $0xFFFFFC40, s8;
	s24 =	simm.s32 $0x6310  }
0x122: {  	[tilespmem:s24], [sflag:$0x1] =	stream.indirect.gather [hbm4b:s2+s7], $0x10, s26, s7, $0xb8;
	[tilespmem:$0xA410] =	vst v63  }
0x123: {  	s28 =	sadd.s32 $0xFFFFFC90, s8;
	s25 =	simm.s32 $0x6810  }
0x124: {  	[tilespmem:s25], [sflag:$0x1] =	stream.indirect.gather [hbm4b:s2+s7], $0x10, s28, s7, $0xb8;
	[tilespmem:$0xA410] =	vst v63  }
0x125: {  	s29 =	sadd.s32 $0xFFFFFCE0, s8;
	s26 =	simm.s32 $0x6D10  }
0x126: {  	[tilespmem:s26], [sflag:$0x1] =	stream.indirect.gather [hbm4b:s2+s7], $0x10, s29, s7, $0xb8;
	[tilespmem:$0xA410] =	vst v63  }
0x127: {  	s30 =	sadd.s32 $0xFFFFFD30, s8;
	s28 =	simm.s32 $0x7210  }
0x128: {  	[tilespmem:s28], [sflag:$0x1] =	stream.indirect.gather [hbm4b:s2+s7], $0x10, s30, s7, $0xb8;
	[tilespmem:$0xA410] =	vst v63  }
0x129: {  	s31 =	sadd.s32 $0xFFFFFD80, s8;
	s29 =	simm.s32 $0x7710  }
0x12a: {  	[tilespmem:s29], [sflag:$0x1] =	stream.indirect.gather [hbm4b:s2+s7], $0x10, s31, s7, $0xb8;
	[tilespmem:$0xA410] =	vst v63  }
0x12b: {  	s0 =	sadd.s32 $0xFFFFFDD0, s8;
	s30 =	simm.s32 $0x7C10  }
0x12c: {  	[tilespmem:s30], [sflag:$0x1] =	stream.indirect.gather [hbm4b:s2+s7], $0x10, s0, s7, $0xb8;
	[tilespmem:$0xA410] =	vst v63  }
0x12d: {  	s1 =	sadd.s32 $0xFFFFFE20, s8;
	s31 =	simm.s32 $0x8110  }
0x12e: {  	[tilespmem:s31], [sflag:$0x1] =	stream.indirect.gather [hbm4b:s2+s7], $0x10, s1, s7, $0xb8;
	[tilespmem:$0xA410] =	vst v63  }
0x12f: {  	s12 =	sadd.s32 $0xFFFFFE70, s8;
	s1 =	simm.s32 $0x8610  }
0x130: {  	[tilespmem:s1], [sflag:$0x1] =	stream.indirect.gather [hbm4b:s2+s7], $0x10, s12, s7, $0xb8;
	[tilespmem:$0xA410] =	vst v63  }
0x131: {  	s0 =	sadd.s32 $0xFFFFFEC0, s8;
	s12 =	simm.s32 $0x8B10  }
0x132: {  	[tilespmem:s12], [sflag:$0x1] =	stream.indirect.gather [hbm4b:s2+s7], $0x10, s0, s7, $0xb8;
	[tilespmem:$0xA410] =	vst v63  }
0x133: {  	s0 =	sadd.s32 $0xFFFFFF10, s8;
	s12 =	simm.s32 $0x9010  }
0x134: {  	[tilespmem:s12], [sflag:$0x1] =	stream.indirect.gather [hbm4b:s2+s7], $0x10, s0, s7, $0xb8;
	[tilespmem:$0xA410] =	vst v63  }
0x135: {  	s11 =	sadd.s32 $0xFFFFFF60, s8;
	s0 =	simm.s32 $0x9510  }
0x136: {  	[tilespmem:s0], [sflag:$0x1] =	stream.indirect.gather [hbm4b:s2+s7], $0x10, s11, s7, $0xb8;
	[tilespmem:$0xA410] =	vst v63  }
0x137: {  	s11 =	sadd.s32 $0xFFFFFFB0, s8;
	s0 =	simm.s32 $0x9A10  }
0x138: {  	[tilespmem:s0], [sflag:$0x1] =	stream.indirect.gather [hbm4b:s2+s7], $0x10, s11, s7, $0xb8;
	[tilespmem:$0xA410] =	vst v63  }
0x139: {  	s11 =	simm.s32 $0x9F10  }
0x13a: {  	[tilespmem:s11], [sflag:$0x1] =	stream.indirect.gather [hbm4b:s2+s7], $0x10, s8, s7, $0xb8;
	[tilespmem:$0xA410] =	vst v63  }
0x13b: {  	_ =	swait.ge [sflag:s4], $0x500  }
0x13c: {  	[sflag:s4] =	ssyncset.done $0x0  }
0x13d: {  	[sflag:s4] =	ssyncadd.s32 $0xFFFFFB00  }
0x13e: {  	_ =	swait.ge [sflag:s4], $0x500  }
0x13f: {  	[sflag:s4] =	ssyncset.done $0x0  }
0x140: {  	[sflag:s4] =	ssyncadd.s32 $0xFFFFFB00  }
0x141: {  	_ =	swait.ge [sflag:s4], $0x500  }
0x142: {  	[sflag:s4] =	ssyncset.done $0x0  }
0x143: {  	[sflag:s4] =	ssyncadd.s32 $0xFFFFFB00  }
0x144: {  	_ =	swait.ge [sflag:s4], $0x500  }
0x145: {  	[sflag:s4] =	ssyncset.done $0x0  }
0x146: {  	[sflag:s4] =	ssyncadd.s32 $0xFFFFFB00  }
0x147: {  	_ =	swait.ge [sflag:s4], $0x500  }
0x148: {  	[sflag:s4] =	ssyncset.done $0x0  }
0x149: {  	[sflag:s4] =	ssyncadd.s32 $0xFFFFFB00  }
0x14a: {  	_ =	swait.ge [sflag:s4], $0x500  }
0x14b: {  	[sflag:s4] =	ssyncset.done $0x0  }
0x14c: {  	[sflag:s4] =	ssyncadd.s32 $0xFFFFFB00  }
0x14d: {  	_ =	swait.ge [sflag:s4], $0x500  }
0x14e: {  	[sflag:s4] =	ssyncset.done $0x0  }
0x14f: {  	[sflag:s4] =	ssyncadd.s32 $0xFFFFFB00  }
0x150: {  	_ =	swait.ge [sflag:s4], $0x500  }
0x151: {  	[sflag:s4] =	ssyncset.done $0x0  }
0x152: {  	[sflag:s4] =	ssyncadd.s32 $0xFFFFFB00  }
0x153: {  	_ =	swait.ge [sflag:s4], $0x500  }
0x154: {  	[sflag:s4] =	ssyncset.done $0x0  }
0x155: {  	[sflag:s4] =	ssyncadd.s32 $0xFFFFFB00  }
0x156: {  	_ =	swait.ge [sflag:s4], $0x500  }
0x157: {  	[sflag:s4] =	ssyncset.done $0x0  }
0x158: {  	[sflag:s4] =	ssyncadd.s32 $0xFFFFFB00  }
0x159: {  	_ =	swait.ge [sflag:s4], $0x500  }
0x15a: {  	[sflag:s4] =	ssyncset.done $0x0  }
0x15b: {  	[sflag:s4] =	ssyncadd.s32 $0xFFFFFB00  }
0x15c: {  	_ =	swait.ge [sflag:s4], $0x500  }
0x15d: {  	[sflag:s4] =	ssyncset.done $0x0  }
0x15e: {  	[sflag:s4] =	ssyncadd.s32 $0xFFFFFB00  }
0x15f: {  	_ =	swait.ge [sflag:s4], $0x500  }
0x160: {  	[sflag:s4] =	ssyncset.done $0x0  }
0x161: {  	[sflag:s4] =	ssyncadd.s32 $0xFFFFFB00  }
0x162: {  	_ =	swait.ge [sflag:s4], $0x500  }
0x163: {  	[sflag:s4] =	ssyncset.done $0x0  }
0x164: {  	[sflag:s4] =	ssyncadd.s32 $0xFFFFFB00  }
0x165: {  	_ =	swait.ge [sflag:s4], $0x500  }
0x166: {  	[sflag:s4] =	ssyncset.done $0x0  }
0x167: {  	[sflag:s4] =	ssyncadd.s32 $0xFFFFFB00  }
0x168: {  	_ =	swait.ge [sflag:s4], $0x500  }
0x169: {  	[sflag:s4] =	ssyncset.done $0x0  }
0x16a: {  	[sflag:s4] =	ssyncadd.s32 $0xFFFFFB00  }
0x16b: {  	_ =	swait.ge [sflag:s4], $0x500  }
0x16c: {  	[sflag:s4] =	ssyncset.done $0x0  }
0x16d: {  	[sflag:s4] =	ssyncadd.s32 $0xFFFFFB00  }
0x16e: {  	_ =	swait.ge [sflag:s4], $0x500  }
0x16f: {  	[sflag:s4] =	ssyncset.done $0x0  }
0x170: {  	[sflag:s4] =	ssyncadd.s32 $0xFFFFFB00  }
0x171: {  	_ =	swait.ge [sflag:s4], $0x500  }
0x172: {  	[sflag:s4] =	ssyncset.done $0x0  }
0x173: {  	[sflag:s4] =	ssyncadd.s32 $0xFFFFFB00  }
0x174: {  	_ =	swait.ge [sflag:s4], $0x500  }
0x175: {  	[sflag:s4] =	ssyncset.done $0x0  }
0x176: {  	[sflag:s4] =	ssyncadd.s32 $0xFFFFFB00  }
0x177: {  	_ =	swait.ge [sflag:s4], $0x500  }
0x178: {  	[sflag:s4] =	ssyncset.done $0x0  }
0x179: {  	[sflag:s4] =	ssyncadd.s32 $0xFFFFFB00  }
0x17a: {  	_ =	swait.ge [sflag:s4], $0x500  }
0x17b: {  	[sflag:s4] =	ssyncset.done $0x0  }
0x17c: {  	[sflag:s4] =	ssyncadd.s32 $0xFFFFFB00  }
0x17d: {  	_ =	swait.ge [sflag:s4], $0x500  }
0x17e: {  	[sflag:s4] =	ssyncset.done $0x0  }
0x17f: {  	[sflag:s4] =	ssyncadd.s32 $0xFFFFFB00  }
0x180: {  	_ =	swait.ge [sflag:s4], $0x500  }
0x181: {  	[sflag:s4] =	ssyncset.done $0x0  }
0x182: {  	[sflag:s4] =	ssyncadd.s32 $0xFFFFFB00  }
0x183: {  	_ =	swait.ge [sflag:s4], $0x500  }
0x184: {  	s10 =	smov.u32 s9;
	s0 =	rddreg [dreg:$0x3]  }
0x185: {  	[sflag:s4] =	ssyncset.done $0x0;
	s11 =	sadd.s32 s6, s0;
	s6 =	smov.u32 s10  }
0x186: {  	[sflag:s4] =	ssyncadd.s32 $0xFFFFFB00;
	s0 =	simm.s32 $0x2710;
	s10 =	sadd.s32 $0xFFFFF100, s11  }
0x187: {  	[hbm4b:s10+s3] =	stream.linear.scatter [tilespmem:s0], [sflag:$0x2], $0x500, $0x38;
	[tilespmem:$0xA410] =	vst v63  }
0x188: {  	s0 =	sadd.s32 $0xFFFFF1A0, s11  }
0x189: {  	[hbm4b:s0+s3] =	stream.linear.scatter [tilespmem:s13], [sflag:$0x2], $0x500, $0x38;
	[tilespmem:$0xA410] =	vst v63  }
0x18a: {  	s13 =	sadd.s32 $0xFFFFF240, s11  }
0x18b: {  	[hbm4b:s13+s3] =	stream.linear.scatter [tilespmem:s14], [sflag:$0x2], $0x500, $0x38;
	[tilespmem:$0xA410] =	vst v63  }
0x18c: {  	s14 =	sadd.s32 $0xFFFFF2E0, s11  }
0x18d: {  	[hbm4b:s14+s3] =	stream.linear.scatter [tilespmem:s15], [sflag:$0x2], $0x500, $0x38;
	[tilespmem:$0xA410] =	vst v63  }
0x18e: {  	s15 =	sadd.s32 $0xFFFFF380, s11  }
0x18f: {  	[hbm4b:s15+s3] =	stream.linear.scatter [tilespmem:s16], [sflag:$0x2], $0x500, $0x38;
	[tilespmem:$0xA410] =	vst v63  }
0x190: {  	s16 =	sadd.s32 $0xFFFFF420, s11  }
0x191: {  	[hbm4b:s16+s3] =	stream.linear.scatter [tilespmem:s17], [sflag:$0x2], $0x500, $0x38;
	[tilespmem:$0xA410] =	vst v63  }
0x192: {  	s17 =	sadd.s32 $0xFFFFF4C0, s11  }
0x193: {  	[hbm4b:s17+s3] =	stream.linear.scatter [tilespmem:s18], [sflag:$0x2], $0x500, $0x38;
	[tilespmem:$0xA410] =	vst v63  }
0x194: {  	s18 =	sadd.s32 $0xFFFFF560, s11  }
0x195: {  	[hbm4b:s18+s3] =	stream.linear.scatter [tilespmem:s19], [sflag:$0x2], $0x500, $0x38;
	[tilespmem:$0xA410] =	vst v63  }
0x196: {  	s19 =	sadd.s32 $0xFFFFF600, s11  }
0x197: {  	[hbm4b:s19+s3] =	stream.linear.scatter [tilespmem:s20], [sflag:$0x2], $0x500, $0x38;
	[tilespmem:$0xA410] =	vst v63  }
0x198: {  	s0 =	sadd.s32 $0xFFFFF6A0, s11  }
0x199: {  	[hbm4b:s0+s3] =	stream.linear.scatter [tilespmem:s21], [sflag:$0x2], $0x500, $0x38;
	[tilespmem:$0xA410] =	vst v63  }
0x19a: {  	s13 =	sadd.s32 $0xFFFFF740, s11  }
0x19b: {  	[hbm4b:s13+s3] =	stream.linear.scatter [tilespmem:s22], [sflag:$0x2], $0x500, $0x38;
	[tilespmem:$0xA410] =	vst v63  }
0x19c: {  	s14 =	sadd.s32 $0xFFFFF7E0, s11  }
0x19d: {  	[hbm4b:s14+s3] =	stream.linear.scatter [tilespmem:s23], [sflag:$0x2], $0x500, $0x38;
	[tilespmem:$0xA410] =	vst v63  }
0x19e: {  	s15 =	sadd.s32 $0xFFFFF880, s11  }
0x19f: {  	[hbm4b:s15+s3] =	stream.linear.scatter [tilespmem:s24], [sflag:$0x2], $0x500, $0x38;
	[tilespmem:$0xA410] =	vst v63  }
0x1a0: {  	s16 =	sadd.s32 $0xFFFFF920, s11  }
0x1a1: {  	[hbm4b:s16+s3] =	stream.linear.scatter [tilespmem:s25], [sflag:$0x2], $0x500, $0x38;
	[tilespmem:$0xA410] =	vst v63  }
0x1a2: {  	s17 =	sadd.s32 $0xFFFFF9C0, s11  }
0x1a3: {  	[hbm4b:s17+s3] =	stream.linear.scatter [tilespmem:s26], [sflag:$0x2], $0x500, $0x38;
	[tilespmem:$0xA410] =	vst v63  }
0x1a4: {  	s18 =	sadd.s32 $0xFFFFFA60, s11  }
0x1a5: {  	[hbm4b:s18+s3] =	stream.linear.scatter [tilespmem:s28], [sflag:$0x2], $0x500, $0x38;
	[tilespmem:$0xA410] =	vst v63  }
0x1a6: {  	s19 =	sadd.s32 $0xFFFFFB00, s11  }
0x1a7: {  	[hbm4b:s19+s3] =	stream.linear.scatter [tilespmem:s29], [sflag:$0x2], $0x500, $0x38;
	[tilespmem:$0xA410] =	vst v63  }
0x1a8: {  	s20 =	sadd.s32 $0xFFFFFBA0, s11  }
0x1a9: {  	[hbm4b:s20+s3] =	stream.linear.scatter [tilespmem:s30], [sflag:$0x2], $0x500, $0x38;
	[tilespmem:$0xA410] =	vst v63  }
0x1aa: {  	s21 =	sadd.s32 $0xFFFFFC40, s11  }
0x1ab: {  	[hbm4b:s21+s3] =	stream.linear.scatter [tilespmem:s31], [sflag:$0x2], $0x500, $0x38;
	[tilespmem:$0xA410] =	vst v63  }
0x1ac: {  	s22 =	sadd.s32 $0xFFFFFCE0, s11  }
0x1ad: {  	[hbm4b:s22+s3] =	stream.linear.scatter [tilespmem:s1], [sflag:$0x2], $0x500, $0x38;
	[tilespmem:$0xA410] =	vst v63  }
0x1ae: {  	s23 =	sadd.s32 $0xFFFFFD80, s11;
	s24 =	simm.s32 $0x8B10  }
0x1af: {  	[hbm4b:s23+s3] =	stream.linear.scatter [tilespmem:s24], [sflag:$0x2], $0x500, $0x38;
	[tilespmem:$0xA410] =	vst v63  }
0x1b0: {  	s25 =	sadd.s32 $0xFFFFFE20, s11  }
0x1b1: {  	[hbm4b:s25+s3] =	stream.linear.scatter [tilespmem:s12], [sflag:$0x2], $0x500, $0x38;
	[tilespmem:$0xA410] =	vst v63  }
0x1b2: {  	s26 =	sadd.s32 $0xFFFFFEC0, s11;
	s28 =	simm.s32 $0x9510  }
0x1b3: {  	[hbm4b:s26+s3] =	stream.linear.scatter [tilespmem:s28], [sflag:$0x2], $0x500, $0x38;
	[tilespmem:$0xA410] =	vst v63  }
0x1b4: {  	s29 =	sadd.s32 $0xFFFFFF60, s11;
	s30 =	simm.s32 $0x9A10  }
0x1b5: {  	[hbm4b:s29+s3] =	stream.linear.scatter [tilespmem:s30], [sflag:$0x2], $0x500, $0x38;
	[tilespmem:$0xA410] =	vst v63  }
0x1b6: {  	s31 =	simm.s32 $0x9F10  }
0x1b7: {  	[hbm4b:s11+s3] =	stream.linear.scatter [tilespmem:s31], [sflag:$0x2], $0x500, $0x38;
	[tilespmem:$0xA410] =	vst v63  }
0x1b8: {  	_ =	swait.ge [sflag:s5], $0x500  }
0x1b9: {  	[sflag:s5] =	ssyncset.done $0x0  }
0x1ba: {  	[sflag:s5] =	ssyncadd.s32 $0xFFFFFB00  }
0x1bb: {  	_ =	swait.ge [sflag:s5], $0x500  }
0x1bc: {  	[sflag:s5] =	ssyncset.done $0x0  }
0x1bd: {  	[sflag:s5] =	ssyncadd.s32 $0xFFFFFB00  }
0x1be: {  	_ =	swait.ge [sflag:s5], $0x500  }
0x1bf: {  	[sflag:s5] =	ssyncset.done $0x0  }
0x1c0: {  	[sflag:s5] =	ssyncadd.s32 $0xFFFFFB00  }
0x1c1: {  	_ =	swait.ge [sflag:s5], $0x500  }
0x1c2: {  	[sflag:s5] =	ssyncset.done $0x0  }
0x1c3: {  	[sflag:s5] =	ssyncadd.s32 $0xFFFFFB00  }
0x1c4: {  	_ =	swait.ge [sflag:s5], $0x500  }
0x1c5: {  	[sflag:s5] =	ssyncset.done $0x0  }
0x1c6: {  	[sflag:s5] =	ssyncadd.s32 $0xFFFFFB00  }
0x1c7: {  	_ =	swait.ge [sflag:s5], $0x500  }
0x1c8: {  	[sflag:s5] =	ssyncset.done $0x0  }
0x1c9: {  	[sflag:s5] =	ssyncadd.s32 $0xFFFFFB00  }
0x1ca: {  	_ =	swait.ge [sflag:s5], $0x500  }
0x1cb: {  	[sflag:s5] =	ssyncset.done $0x0  }
0x1cc: {  	[sflag:s5] =	ssyncadd.s32 $0xFFFFFB00  }
0x1cd: {  	_ =	swait.ge [sflag:s5], $0x500  }
0x1ce: {  	[sflag:s5] =	ssyncset.done $0x0  }
0x1cf: {  	[sflag:s5] =	ssyncadd.s32 $0xFFFFFB00  }
0x1d0: {  	_ =	swait.ge [sflag:s5], $0x500  }
0x1d1: {  	[sflag:s5] =	ssyncset.done $0x0  }
0x1d2: {  	[sflag:s5] =	ssyncadd.s32 $0xFFFFFB00  }
0x1d3: {  	_ =	swait.ge [sflag:s5], $0x500  }
0x1d4: {  	[sflag:s5] =	ssyncset.done $0x0  }
0x1d5: {  	[sflag:s5] =	ssyncadd.s32 $0xFFFFFB00  }
0x1d6: {  	_ =	swait.ge [sflag:s5], $0x500  }
0x1d7: {  	[sflag:s5] =	ssyncset.done $0x0  }
0x1d8: {  	[sflag:s5] =	ssyncadd.s32 $0xFFFFFB00  }
0x1d9: {  	_ =	swait.ge [sflag:s5], $0x500  }
0x1da: {  	[sflag:s5] =	ssyncset.done $0x0  }
0x1db: {  	[sflag:s5] =	ssyncadd.s32 $0xFFFFFB00  }
0x1dc: {  	_ =	swait.ge [sflag:s5], $0x500  }
0x1dd: {  	[sflag:s5] =	ssyncset.done $0x0  }
0x1de: {  	[sflag:s5] =	ssyncadd.s32 $0xFFFFFB00  }
0x1df: {  	_ =	swait.ge [sflag:s5], $0x500  }
0x1e0: {  	[sflag:s5] =	ssyncset.done $0x0  }
0x1e1: {  	[sflag:s5] =	ssyncadd.s32 $0xFFFFFB00  }
0x1e2: {  	_ =	swait.ge [sflag:s5], $0x500  }
0x1e3: {  	[sflag:s5] =	ssyncset.done $0x0  }
0x1e4: {  	[sflag:s5] =	ssyncadd.s32 $0xFFFFFB00  }
0x1e5: {  	_ =	swait.ge [sflag:s5], $0x500  }
0x1e6: {  	[sflag:s5] =	ssyncset.done $0x0  }
0x1e7: {  	[sflag:s5] =	ssyncadd.s32 $0xFFFFFB00  }
0x1e8: {  	_ =	swait.ge [sflag:s5], $0x500  }
0x1e9: {  	[sflag:s5] =	ssyncset.done $0x0  }
0x1ea: {  	[sflag:s5] =	ssyncadd.s32 $0xFFFFFB00  }
0x1eb: {  	_ =	swait.ge [sflag:s5], $0x500  }
0x1ec: {  	[sflag:s5] =	ssyncset.done $0x0  }
0x1ed: {  	[sflag:s5] =	ssyncadd.s32 $0xFFFFFB00  }
0x1ee: {  	_ =	swait.ge [sflag:s5], $0x500  }
0x1ef: {  	[sflag:s5] =	ssyncset.done $0x0  }
0x1f0: {  	[sflag:s5] =	ssyncadd.s32 $0xFFFFFB00  }
0x1f1: {  	_ =	swait.ge [sflag:s5], $0x500  }
0x1f2: {  	[sflag:s5] =	ssyncset.done $0x0  }
0x1f3: {  	[sflag:s5] =	ssyncadd.s32 $0xFFFFFB00  }
0x1f4: {  	_ =	swait.ge [sflag:s5], $0x500  }
0x1f5: {  	[sflag:s5] =	ssyncset.done $0x0  }
0x1f6: {  	[sflag:s5] =	ssyncadd.s32 $0xFFFFFB00  }
0x1f7: {  	_ =	swait.ge [sflag:s5], $0x500  }
0x1f8: {  	[sflag:s5] =	ssyncset.done $0x0  }
0x1f9: {  	[sflag:s5] =	ssyncadd.s32 $0xFFFFFB00  }
0x1fa: {  	_ =	swait.ge [sflag:s5], $0x500  }
0x1fb: {  	[sflag:s5] =	ssyncset.done $0x0  }
0x1fc: {  	p0 =	sne.s32 s9, $0x4D80;
	[sflag:s5] =	ssyncadd.s32 $0xFFFFFB00  }
.Ltmp0:
0x1fd: {  	_ =	swait.ge [sflag:s5], $0x500;
	(pc) =	sbr.rel @p0 .LBB2_2-.Ltmp0, $4  }
0x1fe: {  	[sflag:s5] =	ssyncset.done $0x0  }
0x1ff: {  	[sflag:s5] =	ssyncadd.s32 $0xFFFFFB00  }
0x200: {  	_ =	swait.ge [sflag:s5], $0x500  }
0x201: {  	s9 =	sadd.s32 $0xFA0, s9;
	s8 =	sadd.s32 $0x7D0, s8;
	[sflag:s5] =	ssyncset.done $0x0  }
0x202: {  	s9 =	sadd.s32 $0xFFFFF880, s8;
	[sflag:s5] =	ssyncadd.s32 $0xFFFFFB00;
	s10 =	simm.s32 $0x2710  }
0x203: {  	[tilespmem:s10], [sflag:$0x1] =	stream.indirect.gather [hbm4b:s2+s7], $0x10, s9, s7, $0xb8;
	[tilespmem:$0xA410] =	vst v63  }
0x204: {  	s13 =	sadd.s32 $0xFFFFF8D0, s8;
	s11 =	simm.s32 $0x2C10  }
0x205: {  	[tilespmem:s11], [sflag:$0x1] =	stream.indirect.gather [hbm4b:s2+s7], $0x10, s13, s7, $0xb8;
	[tilespmem:$0xA410] =	vst v63  }
0x206: {  	s14 =	sadd.s32 $0xFFFFF920, s8;
	s12 =	simm.s32 $0x3110  }
0x207: {  	[tilespmem:s12], [sflag:$0x1] =	stream.indirect.gather [hbm4b:s2+s7], $0x10, s14, s7, $0xb8;
	[tilespmem:$0xA410] =	vst v63  }
0x208: {  	s15 =	sadd.s32 $0xFFFFF970, s8;
	s13 =	simm.s32 $0x3610  }
0x209: {  	[tilespmem:s13], [sflag:$0x1] =	stream.indirect.gather [hbm4b:s2+s7], $0x10, s15, s7, $0xb8;
	[tilespmem:$0xA410] =	vst v63  }
0x20a: {  	s16 =	sadd.s32 $0xFFFFF9C0, s8;
	s14 =	simm.s32 $0x3B10  }
0x20b: {  	[tilespmem:s14], [sflag:$0x1] =	stream.indirect.gather [hbm4b:s2+s7], $0x10, s16, s7, $0xb8;
	[tilespmem:$0xA410] =	vst v63  }
0x20c: {  	s17 =	sadd.s32 $0xFFFFFA10, s8;
	s15 =	simm.s32 $0x4010  }
0x20d: {  	[tilespmem:s15], [sflag:$0x1] =	stream.indirect.gather [hbm4b:s2+s7], $0x10, s17, s7, $0xb8;
	[tilespmem:$0xA410] =	vst v63  }
0x20e: {  	s18 =	sadd.s32 $0xFFFFFA60, s8;
	s16 =	simm.s32 $0x4510  }
0x20f: {  	[tilespmem:s16], [sflag:$0x1] =	stream.indirect.gather [hbm4b:s2+s7], $0x10, s18, s7, $0xb8;
	[tilespmem:$0xA410] =	vst v63  }
0x210: {  	s19 =	sadd.s32 $0xFFFFFAB0, s8;
	s17 =	simm.s32 $0x4A10  }
0x211: {  	[tilespmem:s17], [sflag:$0x1] =	stream.indirect.gather [hbm4b:s2+s7], $0x10, s19, s7, $0xb8;
	[tilespmem:$0xA410] =	vst v63  }
0x212: {  	s20 =	sadd.s32 $0xFFFFFB00, s8;
	s18 =	simm.s32 $0x4F10  }
0x213: {  	[tilespmem:s18], [sflag:$0x1] =	stream.indirect.gather [hbm4b:s2+s7], $0x10, s20, s7, $0xb8;
	[tilespmem:$0xA410] =	vst v63  }
0x214: {  	s21 =	sadd.s32 $0xFFFFFB50, s8;
	s19 =	simm.s32 $0x5410  }
0x215: {  	[tilespmem:s19], [sflag:$0x1] =	stream.indirect.gather [hbm4b:s2+s7], $0x10, s21, s7, $0xb8;
	[tilespmem:$0xA410] =	vst v63  }
0x216: {  	s22 =	sadd.s32 $0xFFFFFBA0, s8;
	s20 =	simm.s32 $0x5910  }
0x217: {  	[tilespmem:s20], [sflag:$0x1] =	stream.indirect.gather [hbm4b:s2+s7], $0x10, s22, s7, $0xb8;
	[tilespmem:$0xA410] =	vst v63  }
0x218: {  	s23 =	sadd.s32 $0xFFFFFBF0, s8;
	s21 =	simm.s32 $0x5E10  }
0x219: {  	[tilespmem:s21], [sflag:$0x1] =	stream.indirect.gather [hbm4b:s2+s7], $0x10, s23, s7, $0xb8;
	[tilespmem:$0xA410] =	vst v63  }
0x21a: {  	s24 =	sadd.s32 $0xFFFFFC40, s8;
	s22 =	simm.s32 $0x6310  }
0x21b: {  	[tilespmem:s22], [sflag:$0x1] =	stream.indirect.gather [hbm4b:s2+s7], $0x10, s24, s7, $0xb8;
	[tilespmem:$0xA410] =	vst v63  }
0x21c: {  	s25 =	sadd.s32 $0xFFFFFC90, s8;
	s23 =	simm.s32 $0x6810  }
0x21d: {  	[tilespmem:s23], [sflag:$0x1] =	stream.indirect.gather [hbm4b:s2+s7], $0x10, s25, s7, $0xb8;
	[tilespmem:$0xA410] =	vst v63  }
0x21e: {  	s26 =	sadd.s32 $0xFFFFFCE0, s8;
	s24 =	simm.s32 $0x6D10  }
0x21f: {  	[tilespmem:s24], [sflag:$0x1] =	stream.indirect.gather [hbm4b:s2+s7], $0x10, s26, s7, $0xb8;
	[tilespmem:$0xA410] =	vst v63  }
0x220: {  	s28 =	sadd.s32 $0xFFFFFD30, s8;
	s25 =	simm.s32 $0x7210  }
0x221: {  	[tilespmem:s25], [sflag:$0x1] =	stream.indirect.gather [hbm4b:s2+s7], $0x10, s28, s7, $0xb8;
	[tilespmem:$0xA410] =	vst v63  }
0x222: {  	s29 =	sadd.s32 $0xFFFFFD80, s8;
	s26 =	simm.s32 $0x7710  }
0x223: {  	[tilespmem:s26], [sflag:$0x1] =	stream.indirect.gather [hbm4b:s2+s7], $0x10, s29, s7, $0xb8;
	[tilespmem:$0xA410] =	vst v63  }
0x224: {  	s30 =	sadd.s32 $0xFFFFFDD0, s8;
	s28 =	simm.s32 $0x7C10  }
0x225: {  	[tilespmem:s28], [sflag:$0x1] =	stream.indirect.gather [hbm4b:s2+s7], $0x10, s30, s7, $0xb8;
	[tilespmem:$0xA410] =	vst v63  }
0x226: {  	s31 =	sadd.s32 $0xFFFFFE20, s8;
	s29 =	simm.s32 $0x8110  }
0x227: {  	[tilespmem:s29], [sflag:$0x1] =	stream.indirect.gather [hbm4b:s2+s7], $0x10, s31, s7, $0xb8;
	[tilespmem:$0xA410] =	vst v63  }
0x228: {  	s0 =	sadd.s32 $0xFFFFFE70, s8;
	s1 =	simm.s32 $0x8610  }
0x229: {  	[tilespmem:s1], [sflag:$0x1] =	stream.indirect.gather [hbm4b:s2+s7], $0x10, s0, s7, $0xb8;
	[tilespmem:$0xA410] =	vst v63  }
0x22a: {  	s30 =	sadd.s32 $0xFFFFFEC0, s8;
	s0 =	simm.s32 $0x8B10  }
0x22b: {  	[tilespmem:s0], [sflag:$0x1] =	stream.indirect.gather [hbm4b:s2+s7], $0x10, s30, s7, $0xb8;
	[tilespmem:$0xA410] =	vst v63  }
0x22c: {  	s31 =	sadd.s32 $0xFFFFFF10, s8;
	s30 =	simm.s32 $0x9010  }
0x22d: {  	[tilespmem:s30], [sflag:$0x1] =	stream.indirect.gather [hbm4b:s2+s7], $0x10, s31, s7, $0xb8;
	[tilespmem:$0xA410] =	vst v63  }
0x22e: {  	s0 =	sadd.s32 $0xFFFFFF60, s8;
	s31 =	simm.s32 $0x9510  }
0x22f: {  	[tilespmem:s31], [sflag:$0x1] =	stream.indirect.gather [hbm4b:s2+s7], $0x10, s0, s7, $0xb8;
	[tilespmem:$0xA410] =	vst v63  }
0x230: {  	s9 =	sadd.s32 $0xFFFFFFB0, s8;
	s0 =	simm.s32 $0x9A10  }
0x231: {  	[tilespmem:s0], [sflag:$0x1] =	stream.indirect.gather [hbm4b:s2+s7], $0x10, s9, s7, $0xb8;
	[tilespmem:$0xA410] =	vst v63  }
0x232: {  	s9 =	simm.s32 $0x9F10  }
0x233: {  	[tilespmem:s9], [sflag:$0x1] =	stream.indirect.gather [hbm4b:s2+s7], $0x10, s8, s7, $0xb8;
	[tilespmem:$0xA410] =	vst v63  }
0x234: {  	_ =	swait.ge [sflag:s4], $0x500  }
0x235: {  	[sflag:s4] =	ssyncset.done $0x0  }
0x236: {  	[sflag:s4] =	ssyncadd.s32 $0xFFFFFB00  }
0x237: {  	_ =	swait.ge [sflag:s4], $0x500  }
0x238: {  	[sflag:s4] =	ssyncset.done $0x0  }
0x239: {  	[sflag:s4] =	ssyncadd.s32 $0xFFFFFB00  }
0x23a: {  	_ =	swait.ge [sflag:s4], $0x500  }
0x23b: {  	[sflag:s4] =	ssyncset.done $0x0  }
0x23c: {  	[sflag:s4] =	ssyncadd.s32 $0xFFFFFB00  }
0x23d: {  	_ =	swait.ge [sflag:s4], $0x500  }
0x23e: {  	[sflag:s4] =	ssyncset.done $0x0  }
0x23f: {  	[sflag:s4] =	ssyncadd.s32 $0xFFFFFB00  }
0x240: {  	_ =	swait.ge [sflag:s4], $0x500  }
0x241: {  	[sflag:s4] =	ssyncset.done $0x0  }
0x242: {  	[sflag:s4] =	ssyncadd.s32 $0xFFFFFB00  }
0x243: {  	_ =	swait.ge [sflag:s4], $0x500  }
0x244: {  	[sflag:s4] =	ssyncset.done $0x0  }
0x245: {  	[sflag:s4] =	ssyncadd.s32 $0xFFFFFB00  }
0x246: {  	_ =	swait.ge [sflag:s4], $0x500  }
0x247: {  	[sflag:s4] =	ssyncset.done $0x0  }
0x248: {  	[sflag:s4] =	ssyncadd.s32 $0xFFFFFB00  }
0x249: {  	_ =	swait.ge [sflag:s4], $0x500  }
0x24a: {  	[sflag:s4] =	ssyncset.done $0x0  }
0x24b: {  	[sflag:s4] =	ssyncadd.s32 $0xFFFFFB00  }
0x24c: {  	_ =	swait.ge [sflag:s4], $0x500  }
0x24d: {  	[sflag:s4] =	ssyncset.done $0x0  }
0x24e: {  	[sflag:s4] =	ssyncadd.s32 $0xFFFFFB00  }
0x24f: {  	_ =	swait.ge [sflag:s4], $0x500  }
0x250: {  	[sflag:s4] =	ssyncset.done $0x0  }
0x251: {  	[sflag:s4] =	ssyncadd.s32 $0xFFFFFB00  }
0x252: {  	_ =	swait.ge [sflag:s4], $0x500  }
0x253: {  	[sflag:s4] =	ssyncset.done $0x0  }
0x254: {  	[sflag:s4] =	ssyncadd.s32 $0xFFFFFB00  }
0x255: {  	_ =	swait.ge [sflag:s4], $0x500  }
0x256: {  	[sflag:s4] =	ssyncset.done $0x0  }
0x257: {  	[sflag:s4] =	ssyncadd.s32 $0xFFFFFB00  }
0x258: {  	_ =	swait.ge [sflag:s4], $0x500  }
0x259: {  	[sflag:s4] =	ssyncset.done $0x0  }
0x25a: {  	[sflag:s4] =	ssyncadd.s32 $0xFFFFFB00  }
0x25b: {  	_ =	swait.ge [sflag:s4], $0x500  }
0x25c: {  	[sflag:s4] =	ssyncset.done $0x0  }
0x25d: {  	[sflag:s4] =	ssyncadd.s32 $0xFFFFFB00  }
0x25e: {  	_ =	swait.ge [sflag:s4], $0x500  }
0x25f: {  	[sflag:s4] =	ssyncset.done $0x0  }
0x260: {  	[sflag:s4] =	ssyncadd.s32 $0xFFFFFB00  }
0x261: {  	_ =	swait.ge [sflag:s4], $0x500  }
0x262: {  	[sflag:s4] =	ssyncset.done $0x0  }
0x263: {  	[sflag:s4] =	ssyncadd.s32 $0xFFFFFB00  }
0x264: {  	_ =	swait.ge [sflag:s4], $0x500  }
0x265: {  	[sflag:s4] =	ssyncset.done $0x0  }
0x266: {  	[sflag:s4] =	ssyncadd.s32 $0xFFFFFB00  }
0x267: {  	_ =	swait.ge [sflag:s4], $0x500  }
0x268: {  	[sflag:s4] =	ssyncset.done $0x0  }
0x269: {  	[sflag:s4] =	ssyncadd.s32 $0xFFFFFB00  }
0x26a: {  	_ =	swait.ge [sflag:s4], $0x500  }
0x26b: {  	[sflag:s4] =	ssyncset.done $0x0  }
0x26c: {  	[sflag:s4] =	ssyncadd.s32 $0xFFFFFB00  }
0x26d: {  	_ =	swait.ge [sflag:s4], $0x500  }
0x26e: {  	[sflag:s4] =	ssyncset.done $0x0  }
0x26f: {  	[sflag:s4] =	ssyncadd.s32 $0xFFFFFB00  }
0x270: {  	_ =	swait.ge [sflag:s4], $0x500  }
0x271: {  	[sflag:s4] =	ssyncset.done $0x0  }
0x272: {  	[sflag:s4] =	ssyncadd.s32 $0xFFFFFB00  }
0x273: {  	_ =	swait.ge [sflag:s4], $0x500  }
0x274: {  	[sflag:s4] =	ssyncset.done $0x0  }
0x275: {  	[sflag:s4] =	ssyncadd.s32 $0xFFFFFB00  }
0x276: {  	_ =	swait.ge [sflag:s4], $0x500  }
0x277: {  	[sflag:s4] =	ssyncset.done $0x0  }
0x278: {  	[sflag:s4] =	ssyncadd.s32 $0xFFFFFB00  }
0x279: {  	_ =	swait.ge [sflag:s4], $0x500  }
0x27a: {  	[sflag:s4] =	ssyncset.done $0x0  }
0x27b: {  	[sflag:s4] =	ssyncadd.s32 $0xFFFFFB00  }
0x27c: {  	_ =	swait.ge [sflag:s4], $0x500  }
0x27d: {  	s8 =	rddreg [dreg:$0x3]  }
0x27e: {  	[sflag:s4] =	ssyncset.done $0x0;
	s6 =	sadd.s32 s6, s8  }
0x27f: {  	[sflag:s4] =	ssyncadd.s32 $0xFFFFFB00;
	s8 =	sadd.s32 $0xFFFFF100, s6  }
0x280: {  	[hbm4b:s8+s3] =	stream.linear.scatter [tilespmem:s10], [sflag:$0x2], $0x500, $0x38;
	[tilespmem:$0xA410] =	vst v63  }
0x281: {  	s10 =	sadd.s32 $0xFFFFF1A0, s6  }
0x282: {  	[hbm4b:s10+s3] =	stream.linear.scatter [tilespmem:s11], [sflag:$0x2], $0x500, $0x38;
	[tilespmem:$0xA410] =	vst v63  }
0x283: {  	s11 =	sadd.s32 $0xFFFFF240, s6  }
0x284: {  	[hbm4b:s11+s3] =	stream.linear.scatter [tilespmem:s12], [sflag:$0x2], $0x500, $0x38;
	[tilespmem:$0xA410] =	vst v63  }
0x285: {  	s12 =	sadd.s32 $0xFFFFF2E0, s6  }
0x286: {  	[hbm4b:s12+s3] =	stream.linear.scatter [tilespmem:s13], [sflag:$0x2], $0x500, $0x38;
	[tilespmem:$0xA410] =	vst v63  }
0x287: {  	s13 =	sadd.s32 $0xFFFFF380, s6  }
0x288: {  	[hbm4b:s13+s3] =	stream.linear.scatter [tilespmem:s14], [sflag:$0x2], $0x500, $0x38;
	[tilespmem:$0xA410] =	vst v63  }
0x289: {  	s14 =	sadd.s32 $0xFFFFF420, s6  }
0x28a: {  	[hbm4b:s14+s3] =	stream.linear.scatter [tilespmem:s15], [sflag:$0x2], $0x500, $0x38;
	[tilespmem:$0xA410] =	vst v63  }
0x28b: {  	s10 =	sadd.s32 $0xFFFFF4C0, s6  }
0x28c: {  	[hbm4b:s10+s3] =	stream.linear.scatter [tilespmem:s16], [sflag:$0x2], $0x500, $0x38;
	[tilespmem:$0xA410] =	vst v63  }
0x28d: {  	s11 =	sadd.s32 $0xFFFFF560, s6  }
0x28e: {  	[hbm4b:s11+s3] =	stream.linear.scatter [tilespmem:s17], [sflag:$0x2], $0x500, $0x38;
	[tilespmem:$0xA410] =	vst v63  }
0x28f: {  	s12 =	sadd.s32 $0xFFFFF600, s6  }
0x290: {  	[hbm4b:s12+s3] =	stream.linear.scatter [tilespmem:s18], [sflag:$0x2], $0x500, $0x38;
	[tilespmem:$0xA410] =	vst v63  }
0x291: {  	s13 =	sadd.s32 $0xFFFFF6A0, s6  }
0x292: {  	[hbm4b:s13+s3] =	stream.linear.scatter [tilespmem:s19], [sflag:$0x2], $0x500, $0x38;
	[tilespmem:$0xA410] =	vst v63  }
0x293: {  	s14 =	sadd.s32 $0xFFFFF740, s6  }
0x294: {  	[hbm4b:s14+s3] =	stream.linear.scatter [tilespmem:s20], [sflag:$0x2], $0x500, $0x38;
	[tilespmem:$0xA410] =	vst v63  }
0x295: {  	s15 =	sadd.s32 $0xFFFFF7E0, s6  }
0x296: {  	[hbm4b:s15+s3] =	stream.linear.scatter [tilespmem:s21], [sflag:$0x2], $0x500, $0x38;
	[tilespmem:$0xA410] =	vst v63  }
0x297: {  	s16 =	sadd.s32 $0xFFFFF880, s6  }
0x298: {  	[hbm4b:s16+s3] =	stream.linear.scatter [tilespmem:s22], [sflag:$0x2], $0x500, $0x38;
	[tilespmem:$0xA410] =	vst v63  }
0x299: {  	s17 =	sadd.s32 $0xFFFFF920, s6  }
0x29a: {  	[hbm4b:s17+s3] =	stream.linear.scatter [tilespmem:s23], [sflag:$0x2], $0x500, $0x38;
	[tilespmem:$0xA410] =	vst v63  }
0x29b: {  	s18 =	sadd.s32 $0xFFFFF9C0, s6  }
0x29c: {  	[hbm4b:s18+s3] =	stream.linear.scatter [tilespmem:s24], [sflag:$0x2], $0x500, $0x38;
	[tilespmem:$0xA410] =	vst v63  }
0x29d: {  	s19 =	sadd.s32 $0xFFFFFA60, s6  }
0x29e: {  	[hbm4b:s19+s3] =	stream.linear.scatter [tilespmem:s25], [sflag:$0x2], $0x500, $0x38;
	[tilespmem:$0xA410] =	vst v63  }
0x29f: {  	s20 =	sadd.s32 $0xFFFFFB00, s6  }
0x2a0: {  	[hbm4b:s20+s3] =	stream.linear.scatter [tilespmem:s26], [sflag:$0x2], $0x500, $0x38;
	[tilespmem:$0xA410] =	vst v63  }
0x2a1: {  	s21 =	sadd.s32 $0xFFFFFBA0, s6  }
0x2a2: {  	[hbm4b:s21+s3] =	stream.linear.scatter [tilespmem:s28], [sflag:$0x2], $0x500, $0x38;
	[tilespmem:$0xA410] =	vst v63  }
0x2a3: {  	s22 =	sadd.s32 $0xFFFFFC40, s6  }
0x2a4: {  	[hbm4b:s22+s3] =	stream.linear.scatter [tilespmem:s29], [sflag:$0x2], $0x500, $0x38;
	[tilespmem:$0xA410] =	vst v63  }
0x2a5: {  	s23 =	sadd.s32 $0xFFFFFCE0, s6  }
0x2a6: {  	[hbm4b:s23+s3] =	stream.linear.scatter [tilespmem:s1], [sflag:$0x2], $0x500, $0x38;
	[tilespmem:$0xA410] =	vst v63  }
0x2a7: {  	s24 =	sadd.s32 $0xFFFFFD80, s6;
	s25 =	simm.s32 $0x8B10  }
0x2a8: {  	[hbm4b:s24+s3] =	stream.linear.scatter [tilespmem:s25], [sflag:$0x2], $0x500, $0x38;
	[tilespmem:$0xA410] =	vst v63  }
0x2a9: {  	s26 =	sadd.s32 $0xFFFFFE20, s6  }
0x2aa: {  	[hbm4b:s26+s3] =	stream.linear.scatter [tilespmem:s30], [sflag:$0x2], $0x500, $0x38;
	[tilespmem:$0xA410] =	vst v63  }
0x2ab: {  	s28 =	sadd.s32 $0xFFFFFEC0, s6  }
0x2ac: {  	[hbm4b:s28+s3] =	stream.linear.scatter [tilespmem:s31], [sflag:$0x2], $0x500, $0x38;
	[tilespmem:$0xA410] =	vst v63  }
0x2ad: {  	s0 =	simm.s32 $0x9A10;
	s29 =	sadd.s32 $0xFFFFFF60, s6  }
0x2ae: {  	[hbm4b:s29+s3] =	stream.linear.scatter [tilespmem:s0], [sflag:$0x2], $0x500, $0x38;
	[tilespmem:$0xA410] =	vst v63  }
0x2af: {  	_ = 	snop  }
0x2b0: {  	[hbm4b:s6+s3] =	stream.linear.scatter [tilespmem:s9], [sflag:$0x2], $0x500, $0x38;
	[tilespmem:$0xA410] =	vst v63  }
0x2b1: {  	_ =	swait.ge [sflag:s5], $0x500  }
0x2b2: {  	[sflag:s5] =	ssyncset.done $0x0  }
0x2b3: {  	[sflag:s5] =	ssyncadd.s32 $0xFFFFFB00  }
0x2b4: {  	_ =	swait.ge [sflag:s5], $0x500  }
0x2b5: {  	[sflag:s5] =	ssyncset.done $0x0  }
0x2b6: {  	[sflag:s5] =	ssyncadd.s32 $0xFFFFFB00  }
0x2b7: {  	_ =	swait.ge [sflag:s5], $0x500  }
0x2b8: {  	[sflag:s5] =	ssyncset.done $0x0  }
0x2b9: {  	[sflag:s5] =	ssyncadd.s32 $0xFFFFFB00  }
0x2ba: {  	_ =	swait.ge [sflag:s5], $0x500  }
0x2bb: {  	[sflag:s5] =	ssyncset.done $0x0  }
0x2bc: {  	[sflag:s5] =	ssyncadd.s32 $0xFFFFFB00  }
0x2bd: {  	_ =	swait.ge [sflag:s5], $0x500  }
0x2be: {  	[sflag:s5] =	ssyncset.done $0x0  }
0x2bf: {  	[sflag:s5] =	ssyncadd.s32 $0xFFFFFB00  }
0x2c0: {  	_ =	swait.ge [sflag:s5], $0x500  }
0x2c1: {  	[sflag:s5] =	ssyncset.done $0x0  }
0x2c2: {  	[sflag:s5] =	ssyncadd.s32 $0xFFFFFB00  }
0x2c3: {  	_ =	swait.ge [sflag:s5], $0x500  }
0x2c4: {  	[sflag:s5] =	ssyncset.done $0x0  }
0x2c5: {  	[sflag:s5] =	ssyncadd.s32 $0xFFFFFB00  }
0x2c6: {  	_ =	swait.ge [sflag:s5], $0x500  }
0x2c7: {  	[sflag:s5] =	ssyncset.done $0x0  }
0x2c8: {  	[sflag:s5] =	ssyncadd.s32 $0xFFFFFB00  }
0x2c9: {  	_ =	swait.ge [sflag:s5], $0x500  }
0x2ca: {  	[sflag:s5] =	ssyncset.done $0x0  }
0x2cb: {  	[sflag:s5] =	ssyncadd.s32 $0xFFFFFB00  }
0x2cc: {  	_ =	swait.ge [sflag:s5], $0x500  }
0x2cd: {  	[sflag:s5] =	ssyncset.done $0x0  }
0x2ce: {  	[sflag:s5] =	ssyncadd.s32 $0xFFFFFB00  }
0x2cf: {  	_ =	swait.ge [sflag:s5], $0x500  }
0x2d0: {  	[sflag:s5] =	ssyncset.done $0x0  }
0x2d1: {  	[sflag:s5] =	ssyncadd.s32 $0xFFFFFB00  }
0x2d2: {  	_ =	swait.ge [sflag:s5], $0x500  }
0x2d3: {  	[sflag:s5] =	ssyncset.done $0x0  }
0x2d4: {  	[sflag:s5] =	ssyncadd.s32 $0xFFFFFB00  }
0x2d5: {  	_ =	swait.ge [sflag:s5], $0x500  }
0x2d6: {  	[sflag:s5] =	ssyncset.done $0x0  }
0x2d7: {  	[sflag:s5] =	ssyncadd.s32 $0xFFFFFB00  }
0x2d8: {  	_ =	swait.ge [sflag:s5], $0x500  }
0x2d9: {  	[sflag:s5] =	ssyncset.done $0x0  }
0x2da: {  	[sflag:s5] =	ssyncadd.s32 $0xFFFFFB00  }
0x2db: {  	_ =	swait.ge [sflag:s5], $0x500  }
0x2dc: {  	[sflag:s5] =	ssyncset.done $0x0  }
0x2dd: {  	[sflag:s5] =	ssyncadd.s32 $0xFFFFFB00  }
0x2de: {  	_ =	swait.ge [sflag:s5], $0x500  }
0x2df: {  	[sflag:s5] =	ssyncset.done $0x0  }
0x2e0: {  	[sflag:s5] =	ssyncadd.s32 $0xFFFFFB00  }
0x2e1: {  	_ =	swait.ge [sflag:s5], $0x500  }
0x2e2: {  	[sflag:s5] =	ssyncset.done $0x0  }
0x2e3: {  	[sflag:s5] =	ssyncadd.s32 $0xFFFFFB00  }
0x2e4: {  	_ =	swait.ge [sflag:s5], $0x500  }
0x2e5: {  	[sflag:s5] =	ssyncset.done $0x0  }
0x2e6: {  	[sflag:s5] =	ssyncadd.s32 $0xFFFFFB00  }
0x2e7: {  	_ =	swait.ge [sflag:s5], $0x500  }
0x2e8: {  	[sflag:s5] =	ssyncset.done $0x0  }
0x2e9: {  	[sflag:s5] =	ssyncadd.s32 $0xFFFFFB00  }
0x2ea: {  	_ =	swait.ge [sflag:s5], $0x500  }
0x2eb: {  	[sflag:s5] =	ssyncset.done $0x0  }
0x2ec: {  	[sflag:s5] =	ssyncadd.s32 $0xFFFFFB00  }
0x2ed: {  	_ =	swait.ge [sflag:s5], $0x500  }
0x2ee: {  	[sflag:s5] =	ssyncset.done $0x0  }
0x2ef: {  	[sflag:s5] =	ssyncadd.s32 $0xFFFFFB00  }
0x2f0: {  	_ =	swait.ge [sflag:s5], $0x500  }
0x2f1: {  	[sflag:s5] =	ssyncset.done $0x0  }
0x2f2: {  	[sflag:s5] =	ssyncadd.s32 $0xFFFFFB00  }
0x2f3: {  	_ =	swait.ge [sflag:s5], $0x500  }
0x2f4: {  	[sflag:s5] =	ssyncset.done $0x0  }
0x2f5: {  	[sflag:s5] =	ssyncadd.s32 $0xFFFFFB00  }
0x2f6: {  	_ =	swait.ge [sflag:s5], $0x500  }
0x2f7: {  	[sflag:s5] =	ssyncset.done $0x0  }
0x2f8: {  	[sflag:s5] =	ssyncadd.s32 $0xFFFFFB00  }
0x2f9: {  	_ =	swait.ge [sflag:s5], $0x500  }
0x2fa: {  	s30 =	rddreg [dreg:$0x6]  }
0x2fb: {  	s31 =	rddreg [dreg:$0x5];
	s0 =	sadd.s32 $0x1, s30  }
0x2fc: {  	p0 =	sne.s32 s0, s31  }
.Ltmp1:
0x2fd: {  	_ = 	snop;
	(pc) =	sbr.rel @p0 .LBB2_1-.Ltmp1, $3  }
0x2fe: {  	_ =	sdelay $0x1  }
0x2ff: {  	[sflag:s5] =	ssyncset.done $0x0  }
0x300: {  	[sflag:s5] =	ssyncadd.s32 $0xFFFFFB00  }
0x301: {  	_ =	sfence.sel $0x180000  }
0x302: {  	[bflag:$0x0] =	sbarrier.arrive $0xFFFF  }
0x303: {  	_ =	strace $0x90000047  }
0x304: {  	s0 =	stileid.u32;
	[bflag:$0x2] =	sbarrier.arrive $0xFFFF  }
0x305: {  	p0 =	sne.s32 s0, $0x0;
	s0 =	rddreg [dreg:$0x2]  }
0x306: {  	s0 =	sadd.s32 @!p0 $0x100000, s0  }
0x307: {  	[sflag:s0] =	ssyncadd.tile.s32 @!p0 $0x1;
	_ =	shalt  }
.Lfunc_end2:
_tile_overlayer_lowered:
.L_overlay_start_2:
0x308: {  	(tag) =	ssettag $0x2  }
0x309: {  	s0 =	rddreg [dreg:$0x0];
	s2 =	stileid.u32  }
0x30a: {  	s1 =	rddreg [dreg:$0x1];
	p0 =	sne.s32 s2, $0x0  }
0x30b: {  	s3 =	rddreg [dreg:$0x2];
	[bflag:$0x3] =	sbarrier.arrive $0xFFFF;
	s2 =	simm.s32 @!p0 $0x1C03  }
0x30c: {  	[timem:s3], [sflag:s2] =	dma.local @!p0 [hbm:s0], s1  }
0x30d: {  	s0 =	simm.s32 @!p0 $0x3  }
0x30e: {  	_ =	swait.ge @!p0 [sflag:s0], s1  }
0x30f: {  	s1 =	ssub.s32 @!p0 $0x0, s1;
	[sflag:s0] =	ssyncset.done @!p0 $0x0  }
0x310: {  	[sflag:s0] =	ssyncadd.s32 @!p0 s1  }
0x311: {  	[bflag:$0x3] =	sbarrier.arrive $0xFFFF  }
0x312: {  	_ =	shalt  }

</sc_bundles>
